<compile_context>
chip_gen: v7x
topology: tpu7x:2x2x1
jax: 0.10.2.dev20260603
libtpu: 0.0.44.dev20260713+nightly
codegen_flags: <defaults>
</compile_context>

<pallas_src>
import functools

import jax
import jax.numpy as jnp
from jax import lax
from jax.experimental import pallas as pl
from jax.experimental.pallas import tpu as pltpu
from jax.experimental.pallas import tpu_sc as plsc

N = 10000
D = 128
E = 320000
EPS = 1e-5

NC = 2
NS = 16
NW = NC * NS
EDGES_PER_W = E // NW
CHUNK = 80
NCHUNK = EDGES_PER_W // CHUNK
PASS0 = 63
PASS1 = NCHUNK - PASS0
ZBLK = CHUNK
NB = N // ZBLK
NB_PER_TILE = -(-NB // NS)

_ROWBLK = 1000
_GRID = N // _ROWBLK


def _sc_aggregate(h, src, dst_a, dst_b):
    mesh = plsc.VectorSubcoreMesh(core_axis_name="c", subcore_axis_name="s")

    @functools.partial(
        pl.kernel,
        out_type=jax.ShapeDtypeStruct((NC, N, D), jnp.float32),
        mesh=mesh,
        scratch_types=[
            pltpu.VMEM((EDGES_PER_W,), jnp.int32),
            pltpu.VMEM((PASS0, CHUNK), jnp.int32),
            pltpu.VMEM((3, CHUNK, D), jnp.float32),
            pltpu.VMEM_SHARED((N, D), jnp.float32),
            pltpu.SemaphoreType.DMA,
            pltpu.SemaphoreType.DMA,
            pltpu.SemaphoreType.DMA,
            pltpu.SemaphoreType.DMA,
            pltpu.SemaphoreType.DMA,
        ],
    )
    def k(h_hbm, src_hbm, dsta_hbm, dstb_hbm, out_hbm,
          ids, idd, rowsb, acc, sg0, sg1, sg2, si, sd):
        rows = [rowsb.at[0], rowsb.at[1], rowsb.at[2]]
        sg = [sg0, sg1, sg2]
        c = lax.axis_index("c")
        s = lax.axis_index("s")
        wid = c * NS + s

        def gidx(base, j):
            return ids.at[pl.ds((base + j) * CHUNK, CHUNK)]

        pltpu.async_copy(src_hbm.at[wid], ids, si)
        pltpu.async_copy(dsta_hbm.at[wid], idd, sd)

        @pl.loop(0, ZBLK)
        def _(r):
            @pl.loop(0, D // 16)
            def _(j):
                rowsb[0, r, pl.ds(j * 16, 16)] = jnp.zeros((16,), jnp.float32)

        @pl.loop(0, NB_PER_TILE)
        def _(j):
            blk = s + j * NS

            @pl.when(blk < NB)
            def _():
                pltpu.sync_copy(rows[0], acc.at[pl.ds(blk * ZBLK, ZBLK)])

        pltpu.make_async_copy(src_hbm.at[wid], ids, si).wait()
        pltpu.make_async_copy(dsta_hbm.at[wid], idd, sd).wait()

        plsc.subcore_barrier()

        def edge_pass(base, n_p, prologue=True):
            if prologue:
                for b in range(3):
                    pltpu.async_copy(h_hbm.at[gidx(base, b)], rows[b], sg[b])

            @pl.loop(0, n_p, step=3)
            def _(i):
                for b in range(3):
                    @pl.when(i + b < n_p)
                    def _(b=b):
                        pltpu.make_async_copy(
                            h_hbm.at[gidx(base, i + b)], rows[b],
                            sg[b]).wait()
                        pltpu.sync_copy(rows[b], acc.at[idd.at[i + b]],
                                        add=True)

                        @pl.when(i + b + 3 < n_p)
                        def _(b=b):
                            pltpu.async_copy(
                                h_hbm.at[gidx(base, i + b + 3)], rows[b],
                                sg[b])

        edge_pass(0, PASS0)
        pltpu.sync_copy(dstb_hbm.at[wid], idd.at[pl.ds(0, PASS1)])
        edge_pass(PASS0, PASS1)

        plsc.subcore_barrier()

        @pl.loop(0, NB_PER_TILE)
        def _(j):
            blk = s + j * NS

            @pl.when(blk < NB)
            def _():
                r0 = blk * ZBLK
                pltpu.sync_copy(acc.at[pl.ds(r0, ZBLK)],
                                out_hbm.at[c, pl.ds(r0, ZBLK)])

    return k(h, src, dst_a, dst_b)


def _tc_mm(x, W):
    def body(x_ref, w_ref, o_ref):
        o_ref[...] = jnp.dot(x_ref[...], w_ref[...],
                             preferred_element_type=jnp.float32)

    return pl.pallas_call(
        body,
        out_shape=jax.ShapeDtypeStruct((N, D), jnp.float32),
        grid=(_GRID,),
        in_specs=[pl.BlockSpec((_ROWBLK, D), lambda i: (i, 0)),
                  pl.BlockSpec((D, D), lambda i: (0, 0))],
        out_specs=pl.BlockSpec((_ROWBLK, D), lambda i: (i, 0)),
    )(x, W)


def _tc_layer1(p, b0, gamma, beta, run_mean, run_var, W1):
    def body(p_ref, b_ref, g_ref, be_ref, m_ref, v_ref, w_ref, o_ref):
        y = p_ref[0] + p_ref[1] + b_ref[...]
        scale = g_ref[...] * lax.rsqrt(v_ref[...] + EPS)
        y = (y - m_ref[...]) * scale + be_ref[...]
        y = jnp.maximum(y, 0.0)
        o_ref[...] = jnp.dot(y, w_ref[...], preferred_element_type=jnp.float32)

    vec = pl.BlockSpec((1, D), lambda i: (0, 0))
    return pl.pallas_call(
        body,
        out_shape=jax.ShapeDtypeStruct((N, D), jnp.float32),
        grid=(_GRID,),
        in_specs=[pl.BlockSpec((NC, _ROWBLK, D), lambda i: (0, i, 0)),
                  vec, vec, vec, vec, vec,
                  pl.BlockSpec((D, D), lambda i: (0, 0))],
        out_specs=pl.BlockSpec((_ROWBLK, D), lambda i: (i, 0)),
    )(p, b0.reshape(1, D), gamma.reshape(1, D), beta.reshape(1, D),
      run_mean.reshape(1, D), run_var.reshape(1, D), W1)


def _tc_combine(p, b1):
    def body(p_ref, b_ref, o_ref):
        o_ref[...] = p_ref[0] + p_ref[1] + b_ref[...]

    return pl.pallas_call(
        body,
        out_shape=jax.ShapeDtypeStruct((N, D), jnp.float32),
        grid=(_GRID,),
        in_specs=[pl.BlockSpec((NC, _ROWBLK, D), lambda i: (0, i, 0)),
                  pl.BlockSpec((1, D), lambda i: (0, 0))],
        out_specs=pl.BlockSpec((_ROWBLK, D), lambda i: (i, 0)),
    )(p, b1.reshape(1, D))


def kernel(x, edge_index, W0, b0, W1, b1, gamma, beta, run_mean, run_var):
    cut = PASS0 * CHUNK
    src = edge_index[0].reshape(NW, EDGES_PER_W)
    dst = edge_index[1].reshape(NW, EDGES_PER_W)
    dst_a = dst[:, :cut].reshape(NW, PASS0, CHUNK)
    dst_b = dst[:, cut:].reshape(NW, PASS1, CHUNK)
    h0 = _tc_mm(x, W0)
    p0 = _sc_aggregate(h0, src, dst_a, dst_b)
    h1 = _tc_layer1(p0, b0, gamma, beta, run_mean, run_var, W1)
    p1 = _sc_aggregate(h1, src, dst_a, dst_b)
    return _tc_combine(p1, b1)

# --- scband reference (transcript-rebuilt; emitter-appended) ---
"""Pipeline reference for scband-gcn-47107201303133 (READ-ONLY COPY).

The authoritative reference and input builder live on the scoring server;
editing this copy changes nothing except your own understanding.
"""

import jax, jax.numpy as jnp
import numpy as np

N = 10000
E = 320000
D = 128
EPS = 1e-5

def setup_inputs(seed: int = 0):
    key = jax.random.key(seed)
    ks = jax.random.split(key, 6)
    x = jax.random.normal(ks[0], (N, D), dtype=jnp.float32)
    edge_index = jax.random.randint(ks[1], (2, E), 0, N, dtype=jnp.int32)
    W0 = jax.random.normal(ks[2], (D, D), dtype=jnp.float32) * (1.0 / np.sqrt(D))
    b0 = jnp.zeros((D,), dtype=jnp.float32)
    W1 = jax.random.normal(ks[3], (D, D), dtype=jnp.float32) * (1.0 / np.sqrt(D))
    b1 = jnp.zeros((D,), dtype=jnp.float32)
    gamma = jnp.ones((D,), dtype=jnp.float32)
    beta = jnp.zeros((D,), dtype=jnp.float32)
    run_mean = jnp.zeros((D,), dtype=jnp.float32)
    run_var = jnp.ones((D,), dtype=jnp.float32)
    return {"x": x, "edge_index": edge_index, "W0": W0, "b0": b0, "W1": W1, "b1": b1, "gamma": gamma, "beta": beta, "run_mean": run_mean, "run_var": run_var}

def _gcn_conv(x, edge_index, W, b):
    # GCNConv with normalize=False (save_mem=True): out[dst] = sum_{src->dst} (x @ W)[src] + b
    h = x @ W
    src = edge_index[0]
    dst = edge_index[1]
    msgs = jnp.take(h, src, axis=0)
    out = jax.ops.segment_sum(msgs, dst, num_segments=N)
    return out + b

def reference(x, edge_index, W0, b0, W1, b1, gamma, beta, run_mean, run_var):
    # layer 0: conv -> batchnorm (eval mode, running stats) -> relu -> dropout (identity in eval)
    h = _gcn_conv(x, edge_index, W0, b0)
    h = (h - run_mean) / jnp.sqrt(run_var + EPS) * gamma + beta
    h = jnp.maximum(h, 0.0)
    # dropout is identity in eval mode
    # layer 1 (final conv, no bn/act)
    out = _gcn_conv(h, edge_index, W1, b1)
    return out

if __name__ == "__main__":
    import jax
    _d = setup_inputs()
    print(jax.jit(kernel)(*tuple(_d.values())))

</pallas_src>

<mosaic_0001>
#map = affine_map<(d0, d1) -> (0, 0)>
#map1 = affine_map<(d0, d1) -> (0, 0, 0)>
module attributes {stable_mosaic.version = 14 : i64} {
  func.func @k(%arg0: i32, %arg1: i32, %arg2: memref<10000x128xf32, #tpu.memory_space<hbm>>, %arg3: memref<32x10000xi32, #tpu.memory_space<hbm>>, %arg4: memref<32x63x80xi32, #tpu.memory_space<hbm>>, %arg5: memref<32x62x80xi32, #tpu.memory_space<hbm>>, %arg6: memref<2x10000x128xf32, #tpu.memory_space<hbm>>, %arg7: memref<10000xi32, #tpu.memory_space<vmem>>, %arg8: memref<63x80xi32, #tpu.memory_space<vmem>>, %arg9: memref<3x80x128xf32, #tpu.memory_space<vmem>>, %arg10: memref<10000x128xf32, #tpu.memory_space<vmem_shared>>, %arg11: memref<!tpu.dma_semaphore, #tpu.memory_space<semaphore_mem>>, %arg12: memref<!tpu.dma_semaphore, #tpu.memory_space<semaphore_mem>>, %arg13: memref<!tpu.dma_semaphore, #tpu.memory_space<semaphore_mem>>, %arg14: memref<!tpu.dma_semaphore, #tpu.memory_space<semaphore_mem>>, %arg15: memref<!tpu.dma_semaphore, #tpu.memory_space<semaphore_mem>>) attributes {dimension_semantics = [#tpu.dimension_semantics<core_parallel>, #tpu.dimension_semantics<subcore_parallel>], iteration_bounds = array<i64: 2, 16>, scalar_prefetch = 0 : i64, scratch_operands = 9 : i64, tpu.core_type = #tpu.core_type<sc_vector_subcore>, window_params = [{transform_indices = #map}, {transform_indices = #map}, {transform_indices = #map1}, {transform_indices = #map1}, {transform_indices = #map1}]} {
    %mul3A = arith.constant 16 : i32
    %mul3A_0 = arith.muli %arg0, %mul3A : i32
    %add3A = arith.addi %mul3A_0, %arg1 : i32
    %dma_start3A = arith.constant 0 : i32
    %dma_start3A_1 = tpu.memref_slice %arg3[%add3A, %dma_start3A] : memref<32x10000xi32, #tpu.memory_space<hbm>> -> memref<1x10000xi32, #tpu.memory_space<hbm>>
    %dma_start3A_2 = tpu.memref_squeeze %dma_start3A_1 : memref<1x10000xi32, #tpu.memory_space<hbm>> -> memref<10000xi32, #tpu.memory_space<hbm>>
    %dma_start3A_3 = arith.constant 0 : i32
    %dma_start3A_4 = tpu.memref_slice %arg3[%add3A, %dma_start3A_3] : memref<32x10000xi32, #tpu.memory_space<hbm>> -> memref<1x10000xi32, #tpu.memory_space<hbm>>
    %dma_start3A_5 = tpu.memref_squeeze %dma_start3A_4 : memref<1x10000xi32, #tpu.memory_space<hbm>> -> memref<10000xi32, #tpu.memory_space<hbm>>
    tpu.enqueue_dma source(%dma_start3A_5 : memref<10000xi32, #tpu.memory_space<hbm>>) target(%arg7 : memref<10000xi32, #tpu.memory_space<vmem>>) target_semaphore(%arg14 : memref<!tpu.dma_semaphore, #tpu.memory_space<semaphore_mem>>)
    %dma_start3A_6 = arith.constant 0 : i32
    %dma_start3A_7 = arith.constant 0 : i32
    %dma_start3A_8 = tpu.memref_slice %arg4[%add3A, %dma_start3A_6, %dma_start3A_7] : memref<32x63x80xi32, #tpu.memory_space<hbm>> -> memref<1x63x80xi32, #tpu.memory_space<hbm>>
    %dma_start3A_9 = tpu.memref_squeeze %dma_start3A_8 : memref<1x63x80xi32, #tpu.memory_space<hbm>> -> memref<63x80xi32, #tpu.memory_space<hbm>>
    %dma_start3A_10 = arith.constant 0 : i32
    %dma_start3A_11 = arith.constant 0 : i32
    %dma_start3A_12 = tpu.memref_slice %arg4[%add3A, %dma_start3A_10, %dma_start3A_11] : memref<32x63x80xi32, #tpu.memory_space<hbm>> -> memref<1x63x80xi32, #tpu.memory_space<hbm>>
    %dma_start3A_13 = tpu.memref_squeeze %dma_start3A_12 : memref<1x63x80xi32, #tpu.memory_space<hbm>> -> memref<63x80xi32, #tpu.memory_space<hbm>>
    tpu.enqueue_dma source(%dma_start3A_13 : memref<63x80xi32, #tpu.memory_space<hbm>>) target(%arg8 : memref<63x80xi32, #tpu.memory_space<vmem>>) target_semaphore(%arg15 : memref<!tpu.dma_semaphore, #tpu.memory_space<semaphore_mem>>)
    %scan3A = arith.constant 0 : i32
    %scan3A_14 = arith.constant 80 : i32
    %scan3A_15 = arith.addi %scan3A, %scan3A_14 : i32
    %scan3A_16 = arith.constant 1 : i32
    scf.for %scan3A_119 = %scan3A to %scan3A_15 step %scan3A_16  : i32 {
      %mul3A_120 = arith.constant 1 : i32
      %mul3A_121 = arith.muli %scan3A_119, %mul3A_120 : i32
      %add3A_122 = arith.constant 0 : i32
      %add3A_123 = arith.addi %add3A_122, %mul3A_121 : i32
      %scan3A_124 = arith.constant 0 : i32
      %scan3A_125 = arith.constant 8 : i32
      %scan3A_126 = arith.addi %scan3A_124, %scan3A_125 : i32
      %scan3A_127 = arith.constant 1 : i32
      scf.for %scan3A_129 = %scan3A_124 to %scan3A_126 step %scan3A_127  : i32 {
        %mul3A_130 = arith.constant 1 : i32
        %mul3A_131 = arith.muli %scan3A_129, %mul3A_130 : i32
        %add3A_132 = arith.constant 0 : i32
        %add3A_133 = arith.addi %add3A_132, %mul3A_131 : i32
        %broadcast_in_dim3A = arith.constant 0.000000e+00 : f32
        %broadcast_in_dim3A_134 = vector.broadcast %broadcast_in_dim3A : f32 to vector<16xf32>
        %mul3A_135 = arith.constant 16 : i32
        %mul3A_136 = arith.muli %add3A_133, %mul3A_135 : i32
        %swap3A = arith.constant 0 : i32
        %swap3A_137 = arith.index_cast %swap3A : i32 to index
        %swap3A_138 = arith.index_cast %add3A_123 : i32 to index
        %swap3A_139 = arith.index_cast %mul3A_136 : i32 to index
        %swap3A_140 = tpu.vector_load %arg9[%swap3A_137, %swap3A_138, %swap3A_139] {strides = array<i32>} : memref<3x80x128xf32, #tpu.memory_space<vmem>>, vector<1x1x16xf32>,
        %swap3A_141 = vector.shape_cast %swap3A_140 : vector<1x1x16xf32> to vector<16xf32>
        %swap3A_142 = vector.shape_cast %broadcast_in_dim3A_134 : vector<16xf32> to vector<1x1x16xf32>
        tpu.vector_store %arg9[%swap3A_137, %swap3A_138, %swap3A_139], %swap3A_142 {strides = array<i32>} : memref<3x80x128xf32, #tpu.memory_space<vmem>>, vector<1x1x16xf32>,
      }
      %scan3A_128 = arith.constant 8 : i32
    }
    %scan3A_17 = arith.constant 80 : i32
    %scan3A_18 = arith.constant 0 : i32
    %scan3A_19 = arith.constant 0 : i32
    %scan3A_20 = arith.constant 8 : i32
    %scan3A_21 = arith.addi %scan3A_19, %scan3A_20 : i32
    %scan3A_22 = arith.constant 1 : i32
    scf.for %scan3A_119 = %scan3A_19 to %scan3A_21 step %scan3A_22  : i32 {
      %mul3A_120 = arith.constant 1 : i32
      %mul3A_121 = arith.muli %scan3A_119, %mul3A_120 : i32
      %add3A_122 = arith.constant 0 : i32
      %add3A_123 = arith.addi %add3A_122, %mul3A_121 : i32
      %mul3A_124 = arith.constant 16 : i32
      %mul3A_125 = arith.muli %add3A_123, %mul3A_124 : i32
      %add3A_126 = arith.addi %arg1, %mul3A_125 : i32
      %lt3A = arith.constant 125 : i32
      %lt3A_127 = arith.cmpi slt, %add3A_126, %lt3A : i32
      %convert_element_type3A = arith.extui %lt3A_127 : i1 to i32
      %cond3A = arith.constant 0 : i32
      %cond3A_128 = arith.cmpi ne, %convert_element_type3A, %cond3A : i32
      scf.if %cond3A_128 {
        %mul3A_129 = arith.constant 80 : i32
        %mul3A_130 = arith.muli %add3A_126, %mul3A_129 : i32
        "tpu.region"() ({
          %run_scoped3A = tpu.sem_alloc : memref<!tpu.dma_semaphore, #tpu.memory_space<semaphore_mem>>
          %dma_start3A_131 = arith.constant 0 : i32
          %dma_start3A_132 = arith.constant 0 : i32
          %dma_start3A_133 = tpu.memref_slice %arg9[%scan3A_18, %dma_start3A_131, %dma_start3A_132] : memref<3x80x128xf32, #tpu.memory_space<vmem>> -> memref<1x80x128xf32, #tpu.memory_space<vmem>>
          %dma_start3A_134 = tpu.memref_squeeze %dma_start3A_133 : memref<1x80x128xf32, #tpu.memory_space<vmem>> -> memref<80x128xf32, #tpu.memory_space<vmem>>
          %dma_start3A_135 = arith.constant 0 : i32
          %dma_start3A_136 = tpu.memref_slice %arg10[%mul3A_130, %dma_start3A_135] : memref<10000x128xf32, #tpu.memory_space<vmem_shared>> -> memref<80x128xf32, #tpu.memory_space<vmem_shared>>
          %dma_start3A_137 = arith.constant 0 : i32
          %dma_start3A_138 = tpu.memref_slice %arg10[%mul3A_130, %dma_start3A_137] : memref<10000x128xf32, #tpu.memory_space<vmem_shared>> -> memref<80x128xf32, #tpu.memory_space<vmem_shared>>
          %dma_start3A_139 = arith.constant 0 : i32
          %dma_start3A_140 = arith.constant 0 : i32
          %dma_start3A_141 = tpu.memref_slice %arg9[%scan3A_18, %dma_start3A_139, %dma_start3A_140] : memref<3x80x128xf32, #tpu.memory_space<vmem>> -> memref<1x80x128xf32, #tpu.memory_space<vmem>>
          %dma_start3A_142 = tpu.memref_squeeze %dma_start3A_141 : memref<1x80x128xf32, #tpu.memory_space<vmem>> -> memref<80x128xf32, #tpu.memory_space<vmem>>
          tpu.enqueue_dma source(%dma_start3A_142 : memref<80x128xf32, #tpu.memory_space<vmem>>) target(%dma_start3A_138 : memref<80x128xf32, #tpu.memory_space<vmem_shared>>) target_semaphore(%run_scoped3A : memref<!tpu.dma_semaphore, #tpu.memory_space<semaphore_mem>>)
          %dma_wait3A_143 = arith.constant 0 : i32
          %dma_wait3A_144 = arith.constant 0 : i32
          %dma_wait3A_145 = tpu.memref_slice %arg9[%scan3A_18, %dma_wait3A_143, %dma_wait3A_144] : memref<3x80x128xf32, #tpu.memory_space<vmem>> -> memref<1x80x128xf32, #tpu.memory_space<vmem>>
          %dma_wait3A_146 = tpu.memref_squeeze %dma_wait3A_145 : memref<1x80x128xf32, #tpu.memory_space<vmem>> -> memref<80x128xf32, #tpu.memory_space<vmem>>
          %dma_wait3A_147 = arith.constant 0 : i32
          %dma_wait3A_148 = tpu.memref_slice %arg10[%mul3A_130, %dma_wait3A_147] : memref<10000x128xf32, #tpu.memory_space<vmem_shared>> -> memref<80x128xf32, #tpu.memory_space<vmem_shared>>
          %dma_wait3A_149 = arith.constant 0 : i32
          %dma_wait3A_150 = tpu.memref_slice %arg10[%mul3A_130, %dma_wait3A_149] : memref<10000x128xf32, #tpu.memory_space<vmem_shared>> -> memref<80x128xf32, #tpu.memory_space<vmem_shared>>
          %dma_wait3A_151 = arith.constant 0 : i32
          %dma_wait3A_152 = arith.constant 0 : i32
          %dma_wait3A_153 = tpu.memref_slice %arg9[%scan3A_18, %dma_wait3A_151, %dma_wait3A_152] : memref<3x80x128xf32, #tpu.memory_space<vmem>> -> memref<1x80x128xf32, #tpu.memory_space<vmem>>
          %dma_wait3A_154 = tpu.memref_squeeze %dma_wait3A_153 : memref<1x80x128xf32, #tpu.memory_space<vmem>> -> memref<80x128xf32, #tpu.memory_space<vmem>>
          tpu.wait_dma2 semaphore(%run_scoped3A : memref<!tpu.dma_semaphore, #tpu.memory_space<semaphore_mem>>) src(%dma_wait3A_154 : memref<80x128xf32, #tpu.memory_space<vmem>>) dst(%dma_wait3A_150 : memref<80x128xf32, #tpu.memory_space<vmem_shared>>)
          tpu.yield
        }) : () -> ()
      } else {
      }
    }
    %scan3A_23 = arith.constant 8 : i32
    %dma_wait3A = arith.constant 0 : i32
    %dma_wait3A_24 = tpu.memref_slice %arg3[%add3A, %dma_wait3A] : memref<32x10000xi32, #tpu.memory_space<hbm>> -> memref<1x10000xi32, #tpu.memory_space<hbm>>
    %dma_wait3A_25 = tpu.memref_squeeze %dma_wait3A_24 : memref<1x10000xi32, #tpu.memory_space<hbm>> -> memref<10000xi32, #tpu.memory_space<hbm>>
    %dma_wait3A_26 = arith.constant 0 : i32
    %dma_wait3A_27 = tpu.memref_slice %arg3[%add3A, %dma_wait3A_26] : memref<32x10000xi32, #tpu.memory_space<hbm>> -> memref<1x10000xi32, #tpu.memory_space<hbm>>
    %dma_wait3A_28 = tpu.memref_squeeze %dma_wait3A_27 : memref<1x10000xi32, #tpu.memory_space<hbm>> -> memref<10000xi32, #tpu.memory_space<hbm>>
    tpu.wait_dma2 semaphore(%arg14 : memref<!tpu.dma_semaphore, #tpu.memory_space<semaphore_mem>>) src(%dma_wait3A_28 : memref<10000xi32, #tpu.memory_space<hbm>>) dst(%arg7 : memref<10000xi32, #tpu.memory_space<vmem>>)
    %dma_wait3A_29 = arith.constant 0 : i32
    %dma_wait3A_30 = arith.constant 0 : i32
    %dma_wait3A_31 = tpu.memref_slice %arg4[%add3A, %dma_wait3A_29, %dma_wait3A_30] : memref<32x63x80xi32, #tpu.memory_space<hbm>> -> memref<1x63x80xi32, #tpu.memory_space<hbm>>
    %dma_wait3A_32 = tpu.memref_squeeze %dma_wait3A_31 : memref<1x63x80xi32, #tpu.memory_space<hbm>> -> memref<63x80xi32, #tpu.memory_space<hbm>>
    %dma_wait3A_33 = arith.constant 0 : i32
    %dma_wait3A_34 = arith.constant 0 : i32
    %dma_wait3A_35 = tpu.memref_slice %arg4[%add3A, %dma_wait3A_33, %dma_wait3A_34] : memref<32x63x80xi32, #tpu.memory_space<hbm>> -> memref<1x63x80xi32, #tpu.memory_space<hbm>>
    %dma_wait3A_36 = tpu.memref_squeeze %dma_wait3A_35 : memref<1x63x80xi32, #tpu.memory_space<hbm>> -> memref<63x80xi32, #tpu.memory_space<hbm>>
    tpu.wait_dma2 semaphore(%arg15 : memref<!tpu.dma_semaphore, #tpu.memory_space<semaphore_mem>>) src(%dma_wait3A_36 : memref<63x80xi32, #tpu.memory_space<hbm>>) dst(%arg8 : memref<63x80xi32, #tpu.memory_space<vmem>>)
    %barrier3A = arith.constant 0 : index
    tpu.barrier barrier_id(%barrier3A)
    %dma_start3A_37 = arith.constant 0 : i32
    %dma_start3A_38 = arith.constant 0 : i32
    %dma_start3A_39 = arith.constant 0 : i32
    %dma_start3A_40 = tpu.memref_slice %arg9[%dma_start3A_37, %dma_start3A_38, %dma_start3A_39] : memref<3x80x128xf32, #tpu.memory_space<vmem>> -> memref<1x80x128xf32, #tpu.memory_space<vmem>>
    %dma_start3A_41 = tpu.memref_squeeze %dma_start3A_40 : memref<1x80x128xf32, #tpu.memory_space<vmem>> -> memref<80x128xf32, #tpu.memory_space<vmem>>
    %dma_start3A_42 = arith.constant 0 : i32
    %dma_start3A_43 = tpu.memref_slice %arg7[%dma_start3A_42] : memref<10000xi32, #tpu.memory_space<vmem>> -> memref<80xi32, #tpu.memory_space<vmem>>
    %dma_start3A_44 = arith.constant 0 : i32
    %dma_start3A_45 = arith.constant 0 : i32
    %dma_start3A_46 = tpu.memref_slice %arg2[%dma_start3A_44, %dma_start3A_45] : memref<10000x128xf32, #tpu.memory_space<hbm>> -> memref<10000x128xf32, #tpu.memory_space<hbm>>
    tpu.enqueue_indirect_dma source(%dma_start3A_46 : memref<10000x128xf32, #tpu.memory_space<hbm>>) target(%dma_start3A_41 : memref<80x128xf32, #tpu.memory_space<vmem>>) offsets(%dma_start3A_43 : memref<80xi32, #tpu.memory_space<vmem>>) semaphore(%arg11 : memref<!tpu.dma_semaphore, #tpu.memory_space<semaphore_mem>>)
    %dma_start3A_47 = arith.constant 1 : i32
    %dma_start3A_48 = arith.constant 0 : i32
    %dma_start3A_49 = arith.constant 0 : i32
    %dma_start3A_50 = tpu.memref_slice %arg9[%dma_start3A_47, %dma_start3A_48, %dma_start3A_49] : memref<3x80x128xf32, #tpu.memory_space<vmem>> -> memref<1x80x128xf32, #tpu.memory_space<vmem>>
    %dma_start3A_51 = tpu.memref_squeeze %dma_start3A_50 : memref<1x80x128xf32, #tpu.memory_space<vmem>> -> memref<80x128xf32, #tpu.memory_space<vmem>>
    %dma_start3A_52 = arith.constant 80 : i32
    %dma_start3A_53 = tpu.memref_slice %arg7[%dma_start3A_52] : memref<10000xi32, #tpu.memory_space<vmem>> -> memref<80xi32, #tpu.memory_space<vmem>>
    %dma_start3A_54 = arith.constant 0 : i32
    %dma_start3A_55 = arith.constant 0 : i32
    %dma_start3A_56 = tpu.memref_slice %arg2[%dma_start3A_54, %dma_start3A_55] : memref<10000x128xf32, #tpu.memory_space<hbm>> -> memref<10000x128xf32, #tpu.memory_space<hbm>>
    tpu.enqueue_indirect_dma source(%dma_start3A_56 : memref<10000x128xf32, #tpu.memory_space<hbm>>) target(%dma_start3A_51 : memref<80x128xf32, #tpu.memory_space<vmem>>) offsets(%dma_start3A_53 : memref<80xi32, #tpu.memory_space<vmem>>) semaphore(%arg12 : memref<!tpu.dma_semaphore, #tpu.memory_space<semaphore_mem>>)
    %dma_start3A_57 = arith.constant 2 : i32
    %dma_start3A_58 = arith.constant 0 : i32
    %dma_start3A_59 = arith.constant 0 : i32
    %dma_start3A_60 = tpu.memref_slice %arg9[%dma_start3A_57, %dma_start3A_58, %dma_start3A_59] : memref<3x80x128xf32, #tpu.memory_space<vmem>> -> memref<1x80x128xf32, #tpu.memory_space<vmem>>
    %dma_start3A_61 = tpu.memref_squeeze %dma_start3A_60 : memref<1x80x128xf32, #tpu.memory_space<vmem>> -> memref<80x128xf32, #tpu.memory_space<vmem>>
    %dma_start3A_62 = arith.constant 160 : i32
    %dma_start3A_63 = tpu.memref_slice %arg7[%dma_start3A_62] : memref<10000xi32, #tpu.memory_space<vmem>> -> memref<80xi32, #tpu.memory_space<vmem>>
    %dma_start3A_64 = arith.constant 0 : i32
    %dma_start3A_65 = arith.constant 0 : i32
    %dma_start3A_66 = tpu.memref_slice %arg2[%dma_start3A_64, %dma_start3A_65] : memref<10000x128xf32, #tpu.memory_space<hbm>> -> memref<10000x128xf32, #tpu.memory_space<hbm>>
    tpu.enqueue_indirect_dma source(%dma_start3A_66 : memref<10000x128xf32, #tpu.memory_space<hbm>>) target(%dma_start3A_61 : memref<80x128xf32, #tpu.memory_space<vmem>>) offsets(%dma_start3A_63 : memref<80xi32, #tpu.memory_space<vmem>>) semaphore(%arg13 : memref<!tpu.dma_semaphore, #tpu.memory_space<semaphore_mem>>)
    %scan3A_67 = arith.constant 0 : i32
    %scan3A_68 = arith.constant 1 : i32
    %scan3A_69 = arith.constant 2 : i32
    %scan3A_70 = arith.constant 0 : i32
    %scan3A_71 = arith.constant 21 : i32
    %scan3A_72 = arith.addi %scan3A_70, %scan3A_71 : i32
    %scan3A_73 = arith.constant 1 : i32
    scf.for %scan3A_119 = %scan3A_70 to %scan3A_72 step %scan3A_73  : i32 {
      %mul3A_120 = arith.constant 3 : i32
      %mul3A_121 = arith.muli %scan3A_119, %mul3A_120 : i32
      %add3A_122 = arith.constant 0 : i32
      %add3A_123 = arith.addi %add3A_122, %mul3A_121 : i32
      %add3A_124 = arith.constant 0 : i32
      %add3A_125 = arith.addi %add3A_123, %add3A_124 : i32
      %lt3A = arith.constant 63 : i32
      %lt3A_126 = arith.cmpi slt, %add3A_125, %lt3A : i32
      %convert_element_type3A = arith.extui %lt3A_126 : i1 to i32
      %cond3A = arith.constant 0 : i32
      %cond3A_127 = arith.cmpi ne, %convert_element_type3A, %cond3A : i32
      scf.if %cond3A_127 {
        %add3A_142 = arith.constant 0 : i32
        %add3A_143 = arith.addi %add3A_123, %add3A_142 : i32
        %add3A_144 = arith.constant 0 : i32
        %add3A_145 = arith.addi %add3A_144, %add3A_143 : i32
        %mul3A_146 = arith.constant 80 : i32
        %mul3A_147 = arith.muli %add3A_145, %mul3A_146 : i32
        %dma_wait3A_148 = arith.constant 0 : i32
        %dma_wait3A_149 = arith.constant 0 : i32
        %dma_wait3A_150 = tpu.memref_slice %arg9[%scan3A_67, %dma_wait3A_148, %dma_wait3A_149] : memref<3x80x128xf32, #tpu.memory_space<vmem>> -> memref<1x80x128xf32, #tpu.memory_space<vmem>>
        %dma_wait3A_151 = tpu.memref_squeeze %dma_wait3A_150 : memref<1x80x128xf32, #tpu.memory_space<vmem>> -> memref<80x128xf32, #tpu.memory_space<vmem>>
        %dma_wait3A_152 = tpu.memref_slice %arg7[%mul3A_147] : memref<10000xi32, #tpu.memory_space<vmem>> -> memref<80xi32, #tpu.memory_space<vmem>>
        %dma_wait3A_153 = arith.constant 0 : i32
        %dma_wait3A_154 = arith.constant 0 : i32
        %dma_wait3A_155 = tpu.memref_slice %arg2[%dma_wait3A_153, %dma_wait3A_154] : memref<10000x128xf32, #tpu.memory_space<hbm>> -> memref<10000x128xf32, #tpu.memory_space<hbm>>
        tpu.wait_indirect_dma semaphore(%arg11 : memref<!tpu.dma_semaphore, #tpu.memory_space<semaphore_mem>>) src(%dma_wait3A_155 : memref<10000x128xf32, #tpu.memory_space<hbm>>) dst(%dma_wait3A_151 : memref<80x128xf32, #tpu.memory_space<vmem>>)
        %add3A_156 = arith.constant 0 : i32
        %add3A_157 = arith.addi %add3A_123, %add3A_156 : i32
        "tpu.region"() ({
          %run_scoped3A = tpu.sem_alloc : memref<!tpu.dma_semaphore, #tpu.memory_space<semaphore_mem>>
          %dma_start3A_167 = arith.constant 0 : i32
          %dma_start3A_168 = arith.constant 0 : i32
          %dma_start3A_169 = tpu.memref_slice %arg9[%scan3A_67, %dma_start3A_167, %dma_start3A_168] : memref<3x80x128xf32, #tpu.memory_space<vmem>> -> memref<1x80x128xf32, #tpu.memory_space<vmem>>
          %dma_start3A_170 = tpu.memref_squeeze %dma_start3A_169 : memref<1x80x128xf32, #tpu.memory_space<vmem>> -> memref<80x128xf32, #tpu.memory_space<vmem>>
          %dma_start3A_171 = arith.constant 0 : i32
          %dma_start3A_172 = tpu.memref_slice %arg8[%add3A_157, %dma_start3A_171] : memref<63x80xi32, #tpu.memory_space<vmem>> -> memref<1x80xi32, #tpu.memory_space<vmem>>
          %dma_start3A_173 = tpu.memref_squeeze %dma_start3A_172 : memref<1x80xi32, #tpu.memory_space<vmem>> -> memref<80xi32, #tpu.memory_space<vmem>>
          %dma_start3A_174 = arith.constant 0 : i32
          %dma_start3A_175 = arith.constant 0 : i32
          %dma_start3A_176 = tpu.memref_slice %arg10[%dma_start3A_174, %dma_start3A_175] : memref<10000x128xf32, #tpu.memory_space<vmem_shared>> -> memref<10000x128xf32, #tpu.memory_space<vmem_shared>>
          tpu.enqueue_indirect_dma source(%dma_start3A_170 : memref<80x128xf32, #tpu.memory_space<vmem>>) target(%dma_start3A_176 : memref<10000x128xf32, #tpu.memory_space<vmem_shared>>) offsets(%dma_start3A_173 : memref<80xi32, #tpu.memory_space<vmem>>) semaphore(%run_scoped3A : memref<!tpu.dma_semaphore, #tpu.memory_space<semaphore_mem>>) {add = true}
          %dma_wait3A_177 = arith.constant 0 : i32
          %dma_wait3A_178 = arith.constant 0 : i32
          %dma_wait3A_179 = tpu.memref_slice %arg9[%scan3A_67, %dma_wait3A_177, %dma_wait3A_178] : memref<3x80x128xf32, #tpu.memory_space<vmem>> -> memref<1x80x128xf32, #tpu.memory_space<vmem>>
          %dma_wait3A_180 = tpu.memref_squeeze %dma_wait3A_179 : memref<1x80x128xf32, #tpu.memory_space<vmem>> -> memref<80x128xf32, #tpu.memory_space<vmem>>
          %dma_wait3A_181 = arith.constant 0 : i32
          %dma_wait3A_182 = tpu.memref_slice %arg8[%add3A_157, %dma_wait3A_181] : memref<63x80xi32, #tpu.memory_space<vmem>> -> memref<1x80xi32, #tpu.memory_space<vmem>>
          %dma_wait3A_183 = tpu.memref_squeeze %dma_wait3A_182 : memref<1x80xi32, #tpu.memory_space<vmem>> -> memref<80xi32, #tpu.memory_space<vmem>>
          %dma_wait3A_184 = arith.constant 0 : i32
          %dma_wait3A_185 = arith.constant 0 : i32
          %dma_wait3A_186 = tpu.memref_slice %arg10[%dma_wait3A_184, %dma_wait3A_185] : memref<10000x128xf32, #tpu.memory_space<vmem_shared>> -> memref<10000x128xf32, #tpu.memory_space<vmem_shared>>
          tpu.wait_indirect_dma semaphore(%run_scoped3A : memref<!tpu.dma_semaphore, #tpu.memory_space<semaphore_mem>>) src(%dma_wait3A_180 : memref<80x128xf32, #tpu.memory_space<vmem>>) dst(%dma_wait3A_186 : memref<10000x128xf32, #tpu.memory_space<vmem_shared>>)
          tpu.yield
        }) : () -> ()
        %add3A_158 = arith.constant 0 : i32
        %add3A_159 = arith.addi %add3A_123, %add3A_158 : i32
        %add3A_160 = arith.constant 3 : i32
        %add3A_161 = arith.addi %add3A_159, %add3A_160 : i32
        %lt3A_162 = arith.constant 63 : i32
        %lt3A_163 = arith.cmpi slt, %add3A_161, %lt3A_162 : i32
        %convert_element_type3A_164 = arith.extui %lt3A_163 : i1 to i32
        %cond3A_165 = arith.constant 0 : i32
        %cond3A_166 = arith.cmpi ne, %convert_element_type3A_164, %cond3A_165 : i32
        scf.if %cond3A_166 {
          %add3A_167 = arith.constant 0 : i32
          %add3A_168 = arith.addi %add3A_123, %add3A_167 : i32
          %add3A_169 = arith.constant 3 : i32
          %add3A_170 = arith.addi %add3A_168, %add3A_169 : i32
          %add3A_171 = arith.constant 0 : i32
          %add3A_172 = arith.addi %add3A_171, %add3A_170 : i32
          %mul3A_173 = arith.constant 80 : i32
          %mul3A_174 = arith.muli %add3A_172, %mul3A_173 : i32
          %dma_start3A_175 = arith.constant 0 : i32
          %dma_start3A_176 = arith.constant 0 : i32
          %dma_start3A_177 = tpu.memref_slice %arg9[%scan3A_67, %dma_start3A_175, %dma_start3A_176] : memref<3x80x128xf32, #tpu.memory_space<vmem>> -> memref<1x80x128xf32, #tpu.memory_space<vmem>>
          %dma_start3A_178 = tpu.memref_squeeze %dma_start3A_177 : memref<1x80x128xf32, #tpu.memory_space<vmem>> -> memref<80x128xf32, #tpu.memory_space<vmem>>
          %dma_start3A_179 = tpu.memref_slice %arg7[%mul3A_174] : memref<10000xi32, #tpu.memory_space<vmem>> -> memref<80xi32, #tpu.memory_space<vmem>>
          %dma_start3A_180 = arith.constant 0 : i32
          %dma_start3A_181 = arith.constant 0 : i32
          %dma_start3A_182 = tpu.memref_slice %arg2[%dma_start3A_180, %dma_start3A_181] : memref<10000x128xf32, #tpu.memory_space<hbm>> -> memref<10000x128xf32, #tpu.memory_space<hbm>>
          tpu.enqueue_indirect_dma source(%dma_start3A_182 : memref<10000x128xf32, #tpu.memory_space<hbm>>) target(%dma_start3A_178 : memref<80x128xf32, #tpu.memory_space<vmem>>) offsets(%dma_start3A_179 : memref<80xi32, #tpu.memory_space<vmem>>) semaphore(%arg11 : memref<!tpu.dma_semaphore, #tpu.memory_space<semaphore_mem>>)
        } else {
        }
      } else {
      }
      %add3A_128 = arith.constant 1 : i32
      %add3A_129 = arith.addi %add3A_123, %add3A_128 : i32
      %lt3A_130 = arith.constant 63 : i32
      %lt3A_131 = arith.cmpi slt, %add3A_129, %lt3A_130 : i32
      %convert_element_type3A_132 = arith.extui %lt3A_131 : i1 to i32
      %cond3A_133 = arith.constant 0 : i32
      %cond3A_134 = arith.cmpi ne, %convert_element_type3A_132, %cond3A_133 : i32
      scf.if %cond3A_134 {
        %add3A_142 = arith.constant 1 : i32
        %add3A_143 = arith.addi %add3A_123, %add3A_142 : i32
        %add3A_144 = arith.constant 0 : i32
        %add3A_145 = arith.addi %add3A_144, %add3A_143 : i32
        %mul3A_146 = arith.constant 80 : i32
        %mul3A_147 = arith.muli %add3A_145, %mul3A_146 : i32
        %dma_wait3A_148 = arith.constant 0 : i32
        %dma_wait3A_149 = arith.constant 0 : i32
        %dma_wait3A_150 = tpu.memref_slice %arg9[%scan3A_68, %dma_wait3A_148, %dma_wait3A_149] : memref<3x80x128xf32, #tpu.memory_space<vmem>> -> memref<1x80x128xf32, #tpu.memory_space<vmem>>
        %dma_wait3A_151 = tpu.memref_squeeze %dma_wait3A_150 : memref<1x80x128xf32, #tpu.memory_space<vmem>> -> memref<80x128xf32, #tpu.memory_space<vmem>>
        %dma_wait3A_152 = tpu.memref_slice %arg7[%mul3A_147] : memref<10000xi32, #tpu.memory_space<vmem>> -> memref<80xi32, #tpu.memory_space<vmem>>
        %dma_wait3A_153 = arith.constant 0 : i32
        %dma_wait3A_154 = arith.constant 0 : i32
        %dma_wait3A_155 = tpu.memref_slice %arg2[%dma_wait3A_153, %dma_wait3A_154] : memref<10000x128xf32, #tpu.memory_space<hbm>> -> memref<10000x128xf32, #tpu.memory_space<hbm>>
        tpu.wait_indirect_dma semaphore(%arg12 : memref<!tpu.dma_semaphore, #tpu.memory_space<semaphore_mem>>) src(%dma_wait3A_155 : memref<10000x128xf32, #tpu.memory_space<hbm>>) dst(%dma_wait3A_151 : memref<80x128xf32, #tpu.memory_space<vmem>>)
        %add3A_156 = arith.constant 1 : i32
        %add3A_157 = arith.addi %add3A_123, %add3A_156 : i32
        "tpu.region"() ({
          %run_scoped3A = tpu.sem_alloc : memref<!tpu.dma_semaphore, #tpu.memory_space<semaphore_mem>>
          %dma_start3A_167 = arith.constant 0 : i32
          %dma_start3A_168 = arith.constant 0 : i32
          %dma_start3A_169 = tpu.memref_slice %arg9[%scan3A_68, %dma_start3A_167, %dma_start3A_168] : memref<3x80x128xf32, #tpu.memory_space<vmem>> -> memref<1x80x128xf32, #tpu.memory_space<vmem>>
          %dma_start3A_170 = tpu.memref_squeeze %dma_start3A_169 : memref<1x80x128xf32, #tpu.memory_space<vmem>> -> memref<80x128xf32, #tpu.memory_space<vmem>>
          %dma_start3A_171 = arith.constant 0 : i32
          %dma_start3A_172 = tpu.memref_slice %arg8[%add3A_157, %dma_start3A_171] : memref<63x80xi32, #tpu.memory_space<vmem>> -> memref<1x80xi32, #tpu.memory_space<vmem>>
          %dma_start3A_173 = tpu.memref_squeeze %dma_start3A_172 : memref<1x80xi32, #tpu.memory_space<vmem>> -> memref<80xi32, #tpu.memory_space<vmem>>
          %dma_start3A_174 = arith.constant 0 : i32
          %dma_start3A_175 = arith.constant 0 : i32
          %dma_start3A_176 = tpu.memref_slice %arg10[%dma_start3A_174, %dma_start3A_175] : memref<10000x128xf32, #tpu.memory_space<vmem_shared>> -> memref<10000x128xf32, #tpu.memory_space<vmem_shared>>
          tpu.enqueue_indirect_dma source(%dma_start3A_170 : memref<80x128xf32, #tpu.memory_space<vmem>>) target(%dma_start3A_176 : memref<10000x128xf32, #tpu.memory_space<vmem_shared>>) offsets(%dma_start3A_173 : memref<80xi32, #tpu.memory_space<vmem>>) semaphore(%run_scoped3A : memref<!tpu.dma_semaphore, #tpu.memory_space<semaphore_mem>>) {add = true}
          %dma_wait3A_177 = arith.constant 0 : i32
          %dma_wait3A_178 = arith.constant 0 : i32
          %dma_wait3A_179 = tpu.memref_slice %arg9[%scan3A_68, %dma_wait3A_177, %dma_wait3A_178] : memref<3x80x128xf32, #tpu.memory_space<vmem>> -> memref<1x80x128xf32, #tpu.memory_space<vmem>>
          %dma_wait3A_180 = tpu.memref_squeeze %dma_wait3A_179 : memref<1x80x128xf32, #tpu.memory_space<vmem>> -> memref<80x128xf32, #tpu.memory_space<vmem>>
          %dma_wait3A_181 = arith.constant 0 : i32
          %dma_wait3A_182 = tpu.memref_slice %arg8[%add3A_157, %dma_wait3A_181] : memref<63x80xi32, #tpu.memory_space<vmem>> -> memref<1x80xi32, #tpu.memory_space<vmem>>
          %dma_wait3A_183 = tpu.memref_squeeze %dma_wait3A_182 : memref<1x80xi32, #tpu.memory_space<vmem>> -> memref<80xi32, #tpu.memory_space<vmem>>
          %dma_wait3A_184 = arith.constant 0 : i32
          %dma_wait3A_185 = arith.constant 0 : i32
          %dma_wait3A_186 = tpu.memref_slice %arg10[%dma_wait3A_184, %dma_wait3A_185] : memref<10000x128xf32, #tpu.memory_space<vmem_shared>> -> memref<10000x128xf32, #tpu.memory_space<vmem_shared>>
          tpu.wait_indirect_dma semaphore(%run_scoped3A : memref<!tpu.dma_semaphore, #tpu.memory_space<semaphore_mem>>) src(%dma_wait3A_180 : memref<80x128xf32, #tpu.memory_space<vmem>>) dst(%dma_wait3A_186 : memref<10000x128xf32, #tpu.memory_space<vmem_shared>>)
          tpu.yield
        }) : () -> ()
        %add3A_158 = arith.constant 1 : i32
        %add3A_159 = arith.addi %add3A_123, %add3A_158 : i32
        %add3A_160 = arith.constant 3 : i32
        %add3A_161 = arith.addi %add3A_159, %add3A_160 : i32
        %lt3A_162 = arith.constant 63 : i32
        %lt3A_163 = arith.cmpi slt, %add3A_161, %lt3A_162 : i32
        %convert_element_type3A_164 = arith.extui %lt3A_163 : i1 to i32
        %cond3A_165 = arith.constant 0 : i32
        %cond3A_166 = arith.cmpi ne, %convert_element_type3A_164, %cond3A_165 : i32
        scf.if %cond3A_166 {
          %add3A_167 = arith.constant 1 : i32
          %add3A_168 = arith.addi %add3A_123, %add3A_167 : i32
          %add3A_169 = arith.constant 3 : i32
          %add3A_170 = arith.addi %add3A_168, %add3A_169 : i32
          %add3A_171 = arith.constant 0 : i32
          %add3A_172 = arith.addi %add3A_171, %add3A_170 : i32
          %mul3A_173 = arith.constant 80 : i32
          %mul3A_174 = arith.muli %add3A_172, %mul3A_173 : i32
          %dma_start3A_175 = arith.constant 0 : i32
          %dma_start3A_176 = arith.constant 0 : i32
          %dma_start3A_177 = tpu.memref_slice %arg9[%scan3A_68, %dma_start3A_175, %dma_start3A_176] : memref<3x80x128xf32, #tpu.memory_space<vmem>> -> memref<1x80x128xf32, #tpu.memory_space<vmem>>
          %dma_start3A_178 = tpu.memref_squeeze %dma_start3A_177 : memref<1x80x128xf32, #tpu.memory_space<vmem>> -> memref<80x128xf32, #tpu.memory_space<vmem>>
          %dma_start3A_179 = tpu.memref_slice %arg7[%mul3A_174] : memref<10000xi32, #tpu.memory_space<vmem>> -> memref<80xi32, #tpu.memory_space<vmem>>
          %dma_start3A_180 = arith.constant 0 : i32
          %dma_start3A_181 = arith.constant 0 : i32
          %dma_start3A_182 = tpu.memref_slice %arg2[%dma_start3A_180, %dma_start3A_181] : memref<10000x128xf32, #tpu.memory_space<hbm>> -> memref<10000x128xf32, #tpu.memory_space<hbm>>
          tpu.enqueue_indirect_dma source(%dma_start3A_182 : memref<10000x128xf32, #tpu.memory_space<hbm>>) target(%dma_start3A_178 : memref<80x128xf32, #tpu.memory_space<vmem>>) offsets(%dma_start3A_179 : memref<80xi32, #tpu.memory_space<vmem>>) semaphore(%arg12 : memref<!tpu.dma_semaphore, #tpu.memory_space<semaphore_mem>>)
        } else {
        }
      } else {
      }
      %add3A_135 = arith.constant 2 : i32
      %add3A_136 = arith.addi %add3A_123, %add3A_135 : i32
      %lt3A_137 = arith.constant 63 : i32
      %lt3A_138 = arith.cmpi slt, %add3A_136, %lt3A_137 : i32
      %convert_element_type3A_139 = arith.extui %lt3A_138 : i1 to i32
      %cond3A_140 = arith.constant 0 : i32
      %cond3A_141 = arith.cmpi ne, %convert_element_type3A_139, %cond3A_140 : i32
      scf.if %cond3A_141 {
        %add3A_142 = arith.constant 2 : i32
        %add3A_143 = arith.addi %add3A_123, %add3A_142 : i32
        %add3A_144 = arith.constant 0 : i32
        %add3A_145 = arith.addi %add3A_144, %add3A_143 : i32
        %mul3A_146 = arith.constant 80 : i32
        %mul3A_147 = arith.muli %add3A_145, %mul3A_146 : i32
        %dma_wait3A_148 = arith.constant 0 : i32
        %dma_wait3A_149 = arith.constant 0 : i32
        %dma_wait3A_150 = tpu.memref_slice %arg9[%scan3A_69, %dma_wait3A_148, %dma_wait3A_149] : memref<3x80x128xf32, #tpu.memory_space<vmem>> -> memref<1x80x128xf32, #tpu.memory_space<vmem>>
        %dma_wait3A_151 = tpu.memref_squeeze %dma_wait3A_150 : memref<1x80x128xf32, #tpu.memory_space<vmem>> -> memref<80x128xf32, #tpu.memory_space<vmem>>
        %dma_wait3A_152 = tpu.memref_slice %arg7[%mul3A_147] : memref<10000xi32, #tpu.memory_space<vmem>> -> memref<80xi32, #tpu.memory_space<vmem>>
        %dma_wait3A_153 = arith.constant 0 : i32
        %dma_wait3A_154 = arith.constant 0 : i32
        %dma_wait3A_155 = tpu.memref_slice %arg2[%dma_wait3A_153, %dma_wait3A_154] : memref<10000x128xf32, #tpu.memory_space<hbm>> -> memref<10000x128xf32, #tpu.memory_space<hbm>>
        tpu.wait_indirect_dma semaphore(%arg13 : memref<!tpu.dma_semaphore, #tpu.memory_space<semaphore_mem>>) src(%dma_wait3A_155 : memref<10000x128xf32, #tpu.memory_space<hbm>>) dst(%dma_wait3A_151 : memref<80x128xf32, #tpu.memory_space<vmem>>)
        %add3A_156 = arith.constant 2 : i32
        %add3A_157 = arith.addi %add3A_123, %add3A_156 : i32
        "tpu.region"() ({
          %run_scoped3A = tpu.sem_alloc : memref<!tpu.dma_semaphore, #tpu.memory_space<semaphore_mem>>
          %dma_start3A_167 = arith.constant 0 : i32
          %dma_start3A_168 = arith.constant 0 : i32
          %dma_start3A_169 = tpu.memref_slice %arg9[%scan3A_69, %dma_start3A_167, %dma_start3A_168] : memref<3x80x128xf32, #tpu.memory_space<vmem>> -> memref<1x80x128xf32, #tpu.memory_space<vmem>>
          %dma_start3A_170 = tpu.memref_squeeze %dma_start3A_169 : memref<1x80x128xf32, #tpu.memory_space<vmem>> -> memref<80x128xf32, #tpu.memory_space<vmem>>
          %dma_start3A_171 = arith.constant 0 : i32
          %dma_start3A_172 = tpu.memref_slice %arg8[%add3A_157, %dma_start3A_171] : memref<63x80xi32, #tpu.memory_space<vmem>> -> memref<1x80xi32, #tpu.memory_space<vmem>>
          %dma_start3A_173 = tpu.memref_squeeze %dma_start3A_172 : memref<1x80xi32, #tpu.memory_space<vmem>> -> memref<80xi32, #tpu.memory_space<vmem>>
          %dma_start3A_174 = arith.constant 0 : i32
          %dma_start3A_175 = arith.constant 0 : i32
          %dma_start3A_176 = tpu.memref_slice %arg10[%dma_start3A_174, %dma_start3A_175] : memref<10000x128xf32, #tpu.memory_space<vmem_shared>> -> memref<10000x128xf32, #tpu.memory_space<vmem_shared>>
          tpu.enqueue_indirect_dma source(%dma_start3A_170 : memref<80x128xf32, #tpu.memory_space<vmem>>) target(%dma_start3A_176 : memref<10000x128xf32, #tpu.memory_space<vmem_shared>>) offsets(%dma_start3A_173 : memref<80xi32, #tpu.memory_space<vmem>>) semaphore(%run_scoped3A : memref<!tpu.dma_semaphore, #tpu.memory_space<semaphore_mem>>) {add = true}
          %dma_wait3A_177 = arith.constant 0 : i32
          %dma_wait3A_178 = arith.constant 0 : i32
          %dma_wait3A_179 = tpu.memref_slice %arg9[%scan3A_69, %dma_wait3A_177, %dma_wait3A_178] : memref<3x80x128xf32, #tpu.memory_space<vmem>> -> memref<1x80x128xf32, #tpu.memory_space<vmem>>
          %dma_wait3A_180 = tpu.memref_squeeze %dma_wait3A_179 : memref<1x80x128xf32, #tpu.memory_space<vmem>> -> memref<80x128xf32, #tpu.memory_space<vmem>>
          %dma_wait3A_181 = arith.constant 0 : i32
          %dma_wait3A_182 = tpu.memref_slice %arg8[%add3A_157, %dma_wait3A_181] : memref<63x80xi32, #tpu.memory_space<vmem>> -> memref<1x80xi32, #tpu.memory_space<vmem>>
          %dma_wait3A_183 = tpu.memref_squeeze %dma_wait3A_182 : memref<1x80xi32, #tpu.memory_space<vmem>> -> memref<80xi32, #tpu.memory_space<vmem>>
          %dma_wait3A_184 = arith.constant 0 : i32
          %dma_wait3A_185 = arith.constant 0 : i32
          %dma_wait3A_186 = tpu.memref_slice %arg10[%dma_wait3A_184, %dma_wait3A_185] : memref<10000x128xf32, #tpu.memory_space<vmem_shared>> -> memref<10000x128xf32, #tpu.memory_space<vmem_shared>>
          tpu.wait_indirect_dma semaphore(%run_scoped3A : memref<!tpu.dma_semaphore, #tpu.memory_space<semaphore_mem>>) src(%dma_wait3A_180 : memref<80x128xf32, #tpu.memory_space<vmem>>) dst(%dma_wait3A_186 : memref<10000x128xf32, #tpu.memory_space<vmem_shared>>)
          tpu.yield
        }) : () -> ()
        %add3A_158 = arith.constant 2 : i32
        %add3A_159 = arith.addi %add3A_123, %add3A_158 : i32
        %add3A_160 = arith.constant 3 : i32
        %add3A_161 = arith.addi %add3A_159, %add3A_160 : i32
        %lt3A_162 = arith.constant 63 : i32
        %lt3A_163 = arith.cmpi slt, %add3A_161, %lt3A_162 : i32
        %convert_element_type3A_164 = arith.extui %lt3A_163 : i1 to i32
        %cond3A_165 = arith.constant 0 : i32
        %cond3A_166 = arith.cmpi ne, %convert_element_type3A_164, %cond3A_165 : i32
        scf.if %cond3A_166 {
          %add3A_167 = arith.constant 2 : i32
          %add3A_168 = arith.addi %add3A_123, %add3A_167 : i32
          %add3A_169 = arith.constant 3 : i32
          %add3A_170 = arith.addi %add3A_168, %add3A_169 : i32
          %add3A_171 = arith.constant 0 : i32
          %add3A_172 = arith.addi %add3A_171, %add3A_170 : i32
          %mul3A_173 = arith.constant 80 : i32
          %mul3A_174 = arith.muli %add3A_172, %mul3A_173 : i32
          %dma_start3A_175 = arith.constant 0 : i32
          %dma_start3A_176 = arith.constant 0 : i32
          %dma_start3A_177 = tpu.memref_slice %arg9[%scan3A_69, %dma_start3A_175, %dma_start3A_176] : memref<3x80x128xf32, #tpu.memory_space<vmem>> -> memref<1x80x128xf32, #tpu.memory_space<vmem>>
          %dma_start3A_178 = tpu.memref_squeeze %dma_start3A_177 : memref<1x80x128xf32, #tpu.memory_space<vmem>> -> memref<80x128xf32, #tpu.memory_space<vmem>>
          %dma_start3A_179 = tpu.memref_slice %arg7[%mul3A_174] : memref<10000xi32, #tpu.memory_space<vmem>> -> memref<80xi32, #tpu.memory_space<vmem>>
          %dma_start3A_180 = arith.constant 0 : i32
          %dma_start3A_181 = arith.constant 0 : i32
          %dma_start3A_182 = tpu.memref_slice %arg2[%dma_start3A_180, %dma_start3A_181] : memref<10000x128xf32, #tpu.memory_space<hbm>> -> memref<10000x128xf32, #tpu.memory_space<hbm>>
          tpu.enqueue_indirect_dma source(%dma_start3A_182 : memref<10000x128xf32, #tpu.memory_space<hbm>>) target(%dma_start3A_178 : memref<80x128xf32, #tpu.memory_space<vmem>>) offsets(%dma_start3A_179 : memref<80xi32, #tpu.memory_space<vmem>>) semaphore(%arg13 : memref<!tpu.dma_semaphore, #tpu.memory_space<semaphore_mem>>)
        } else {
        }
      } else {
      }
    }
    %scan3A_74 = arith.constant 21 : i32
    "tpu.region"() ({
      %run_scoped3A = tpu.sem_alloc : memref<!tpu.dma_semaphore, #tpu.memory_space<semaphore_mem>>
      %dma_start3A_119 = arith.constant 0 : i32
      %dma_start3A_120 = arith.constant 0 : i32
      %dma_start3A_121 = tpu.memref_slice %arg8[%dma_start3A_119, %dma_start3A_120] : memref<63x80xi32, #tpu.memory_space<vmem>> -> memref<62x80xi32, #tpu.memory_space<vmem>>
      %dma_start3A_122 = arith.constant 0 : i32
      %dma_start3A_123 = arith.constant 0 : i32
      %dma_start3A_124 = tpu.memref_slice %arg5[%add3A, %dma_start3A_122, %dma_start3A_123] : memref<32x62x80xi32, #tpu.memory_space<hbm>> -> memref<1x62x80xi32, #tpu.memory_space<hbm>>
      %dma_start3A_125 = tpu.memref_squeeze %dma_start3A_124 : memref<1x62x80xi32, #tpu.memory_space<hbm>> -> memref<62x80xi32, #tpu.memory_space<hbm>>
      %dma_start3A_126 = arith.constant 0 : i32
      %dma_start3A_127 = arith.constant 0 : i32
      %dma_start3A_128 = tpu.memref_slice %arg8[%dma_start3A_126, %dma_start3A_127] : memref<63x80xi32, #tpu.memory_space<vmem>> -> memref<62x80xi32, #tpu.memory_space<vmem>>
      %dma_start3A_129 = arith.constant 0 : i32
      %dma_start3A_130 = arith.constant 0 : i32
      %dma_start3A_131 = tpu.memref_slice %arg5[%add3A, %dma_start3A_129, %dma_start3A_130] : memref<32x62x80xi32, #tpu.memory_space<hbm>> -> memref<1x62x80xi32, #tpu.memory_space<hbm>>
      %dma_start3A_132 = tpu.memref_squeeze %dma_start3A_131 : memref<1x62x80xi32, #tpu.memory_space<hbm>> -> memref<62x80xi32, #tpu.memory_space<hbm>>
      tpu.enqueue_dma source(%dma_start3A_132 : memref<62x80xi32, #tpu.memory_space<hbm>>) target(%dma_start3A_128 : memref<62x80xi32, #tpu.memory_space<vmem>>) target_semaphore(%run_scoped3A : memref<!tpu.dma_semaphore, #tpu.memory_space<semaphore_mem>>)
      %dma_wait3A_133 = arith.constant 0 : i32
      %dma_wait3A_134 = arith.constant 0 : i32
      %dma_wait3A_135 = tpu.memref_slice %arg8[%dma_wait3A_133, %dma_wait3A_134] : memref<63x80xi32, #tpu.memory_space<vmem>> -> memref<62x80xi32, #tpu.memory_space<vmem>>
      %dma_wait3A_136 = arith.constant 0 : i32
      %dma_wait3A_137 = arith.constant 0 : i32
      %dma_wait3A_138 = tpu.memref_slice %arg5[%add3A, %dma_wait3A_136, %dma_wait3A_137] : memref<32x62x80xi32, #tpu.memory_space<hbm>> -> memref<1x62x80xi32, #tpu.memory_space<hbm>>
      %dma_wait3A_139 = tpu.memref_squeeze %dma_wait3A_138 : memref<1x62x80xi32, #tpu.memory_space<hbm>> -> memref<62x80xi32, #tpu.memory_space<hbm>>
      %dma_wait3A_140 = arith.constant 0 : i32
      %dma_wait3A_141 = arith.constant 0 : i32
      %dma_wait3A_142 = tpu.memref_slice %arg8[%dma_wait3A_140, %dma_wait3A_141] : memref<63x80xi32, #tpu.memory_space<vmem>> -> memref<62x80xi32, #tpu.memory_space<vmem>>
      %dma_wait3A_143 = arith.constant 0 : i32
      %dma_wait3A_144 = arith.constant 0 : i32
      %dma_wait3A_145 = tpu.memref_slice %arg5[%add3A, %dma_wait3A_143, %dma_wait3A_144] : memref<32x62x80xi32, #tpu.memory_space<hbm>> -> memref<1x62x80xi32, #tpu.memory_space<hbm>>
      %dma_wait3A_146 = tpu.memref_squeeze %dma_wait3A_145 : memref<1x62x80xi32, #tpu.memory_space<hbm>> -> memref<62x80xi32, #tpu.memory_space<hbm>>
      tpu.wait_dma2 semaphore(%run_scoped3A : memref<!tpu.dma_semaphore, #tpu.memory_space<semaphore_mem>>) src(%dma_wait3A_146 : memref<62x80xi32, #tpu.memory_space<hbm>>) dst(%dma_wait3A_142 : memref<62x80xi32, #tpu.memory_space<vmem>>)
      tpu.yield
    }) : () -> ()
    %dma_start3A_75 = arith.constant 0 : i32
    %dma_start3A_76 = arith.constant 0 : i32
    %dma_start3A_77 = arith.constant 0 : i32
    %dma_start3A_78 = tpu.memref_slice %arg9[%dma_start3A_75, %dma_start3A_76, %dma_start3A_77] : memref<3x80x128xf32, #tpu.memory_space<vmem>> -> memref<1x80x128xf32, #tpu.memory_space<vmem>>
    %dma_start3A_79 = tpu.memref_squeeze %dma_start3A_78 : memref<1x80x128xf32, #tpu.memory_space<vmem>> -> memref<80x128xf32, #tpu.memory_space<vmem>>
    %dma_start3A_80 = arith.constant 5040 : i32
    %dma_start3A_81 = tpu.memref_slice %arg7[%dma_start3A_80] : memref<10000xi32, #tpu.memory_space<vmem>> -> memref<80xi32, #tpu.memory_space<vmem>>
    %dma_start3A_82 = arith.constant 0 : i32
    %dma_start3A_83 = arith.constant 0 : i32
    %dma_start3A_84 = tpu.memref_slice %arg2[%dma_start3A_82, %dma_start3A_83] : memref<10000x128xf32, #tpu.memory_space<hbm>> -> memref<10000x128xf32, #tpu.memory_space<hbm>>
    tpu.enqueue_indirect_dma source(%dma_start3A_84 : memref<10000x128xf32, #tpu.memory_space<hbm>>) target(%dma_start3A_79 : memref<80x128xf32, #tpu.memory_space<vmem>>) offsets(%dma_start3A_81 : memref<80xi32, #tpu.memory_space<vmem>>) semaphore(%arg11 : memref<!tpu.dma_semaphore, #tpu.memory_space<semaphore_mem>>)
    %dma_start3A_85 = arith.constant 1 : i32
    %dma_start3A_86 = arith.constant 0 : i32
    %dma_start3A_87 = arith.constant 0 : i32
    %dma_start3A_88 = tpu.memref_slice %arg9[%dma_start3A_85, %dma_start3A_86, %dma_start3A_87] : memref<3x80x128xf32, #tpu.memory_space<vmem>> -> memref<1x80x128xf32, #tpu.memory_space<vmem>>
    %dma_start3A_89 = tpu.memref_squeeze %dma_start3A_88 : memref<1x80x128xf32, #tpu.memory_space<vmem>> -> memref<80x128xf32, #tpu.memory_space<vmem>>
    %dma_start3A_90 = arith.constant 5120 : i32
    %dma_start3A_91 = tpu.memref_slice %arg7[%dma_start3A_90] : memref<10000xi32, #tpu.memory_space<vmem>> -> memref<80xi32, #tpu.memory_space<vmem>>
    %dma_start3A_92 = arith.constant 0 : i32
    %dma_start3A_93 = arith.constant 0 : i32
    %dma_start3A_94 = tpu.memref_slice %arg2[%dma_start3A_92, %dma_start3A_93] : memref<10000x128xf32, #tpu.memory_space<hbm>> -> memref<10000x128xf32, #tpu.memory_space<hbm>>
    tpu.enqueue_indirect_dma source(%dma_start3A_94 : memref<10000x128xf32, #tpu.memory_space<hbm>>) target(%dma_start3A_89 : memref<80x128xf32, #tpu.memory_space<vmem>>) offsets(%dma_start3A_91 : memref<80xi32, #tpu.memory_space<vmem>>) semaphore(%arg12 : memref<!tpu.dma_semaphore, #tpu.memory_space<semaphore_mem>>)
    %dma_start3A_95 = arith.constant 2 : i32
    %dma_start3A_96 = arith.constant 0 : i32
    %dma_start3A_97 = arith.constant 0 : i32
    %dma_start3A_98 = tpu.memref_slice %arg9[%dma_start3A_95, %dma_start3A_96, %dma_start3A_97] : memref<3x80x128xf32, #tpu.memory_space<vmem>> -> memref<1x80x128xf32, #tpu.memory_space<vmem>>
    %dma_start3A_99 = tpu.memref_squeeze %dma_start3A_98 : memref<1x80x128xf32, #tpu.memory_space<vmem>> -> memref<80x128xf32, #tpu.memory_space<vmem>>
    %dma_start3A_100 = arith.constant 5200 : i32
    %dma_start3A_101 = tpu.memref_slice %arg7[%dma_start3A_100] : memref<10000xi32, #tpu.memory_space<vmem>> -> memref<80xi32, #tpu.memory_space<vmem>>
    %dma_start3A_102 = arith.constant 0 : i32
    %dma_start3A_103 = arith.constant 0 : i32
    %dma_start3A_104 = tpu.memref_slice %arg2[%dma_start3A_102, %dma_start3A_103] : memref<10000x128xf32, #tpu.memory_space<hbm>> -> memref<10000x128xf32, #tpu.memory_space<hbm>>
    tpu.enqueue_indirect_dma source(%dma_start3A_104 : memref<10000x128xf32, #tpu.memory_space<hbm>>) target(%dma_start3A_99 : memref<80x128xf32, #tpu.memory_space<vmem>>) offsets(%dma_start3A_101 : memref<80xi32, #tpu.memory_space<vmem>>) semaphore(%arg13 : memref<!tpu.dma_semaphore, #tpu.memory_space<semaphore_mem>>)
    %scan3A_105 = arith.constant 0 : i32
    %scan3A_106 = arith.constant 1 : i32
    %scan3A_107 = arith.constant 2 : i32
    %scan3A_108 = arith.constant 0 : i32
    %scan3A_109 = arith.constant 21 : i32
    %scan3A_110 = arith.addi %scan3A_108, %scan3A_109 : i32
    %scan3A_111 = arith.constant 1 : i32
    scf.for %scan3A_119 = %scan3A_108 to %scan3A_110 step %scan3A_111  : i32 {
      %mul3A_120 = arith.constant 3 : i32
      %mul3A_121 = arith.muli %scan3A_119, %mul3A_120 : i32
      %add3A_122 = arith.constant 0 : i32
      %add3A_123 = arith.addi %add3A_122, %mul3A_121 : i32
      %add3A_124 = arith.constant 0 : i32
      %add3A_125 = arith.addi %add3A_123, %add3A_124 : i32
      %lt3A = arith.constant 62 : i32
      %lt3A_126 = arith.cmpi slt, %add3A_125, %lt3A : i32
      %convert_element_type3A = arith.extui %lt3A_126 : i1 to i32
      %cond3A = arith.constant 0 : i32
      %cond3A_127 = arith.cmpi ne, %convert_element_type3A, %cond3A : i32
      scf.if %cond3A_127 {
        %add3A_142 = arith.constant 0 : i32
        %add3A_143 = arith.addi %add3A_123, %add3A_142 : i32
        %add3A_144 = arith.constant 63 : i32
        %add3A_145 = arith.addi %add3A_144, %add3A_143 : i32
        %mul3A_146 = arith.constant 80 : i32
        %mul3A_147 = arith.muli %add3A_145, %mul3A_146 : i32
        %dma_wait3A_148 = arith.constant 0 : i32
        %dma_wait3A_149 = arith.constant 0 : i32
        %dma_wait3A_150 = tpu.memref_slice %arg9[%scan3A_105, %dma_wait3A_148, %dma_wait3A_149] : memref<3x80x128xf32, #tpu.memory_space<vmem>> -> memref<1x80x128xf32, #tpu.memory_space<vmem>>
        %dma_wait3A_151 = tpu.memref_squeeze %dma_wait3A_150 : memref<1x80x128xf32, #tpu.memory_space<vmem>> -> memref<80x128xf32, #tpu.memory_space<vmem>>
        %dma_wait3A_152 = tpu.memref_slice %arg7[%mul3A_147] : memref<10000xi32, #tpu.memory_space<vmem>> -> memref<80xi32, #tpu.memory_space<vmem>>
        %dma_wait3A_153 = arith.constant 0 : i32
        %dma_wait3A_154 = arith.constant 0 : i32
        %dma_wait3A_155 = tpu.memref_slice %arg2[%dma_wait3A_153, %dma_wait3A_154] : memref<10000x128xf32, #tpu.memory_space<hbm>> -> memref<10000x128xf32, #tpu.memory_space<hbm>>
        tpu.wait_indirect_dma semaphore(%arg11 : memref<!tpu.dma_semaphore, #tpu.memory_space<semaphore_mem>>) src(%dma_wait3A_155 : memref<10000x128xf32, #tpu.memory_space<hbm>>) dst(%dma_wait3A_151 : memref<80x128xf32, #tpu.memory_space<vmem>>)
        %add3A_156 = arith.constant 0 : i32
        %add3A_157 = arith.addi %add3A_123, %add3A_156 : i32
        "tpu.region"() ({
          %run_scoped3A = tpu.sem_alloc : memref<!tpu.dma_semaphore, #tpu.memory_space<semaphore_mem>>
          %dma_start3A_167 = arith.constant 0 : i32
          %dma_start3A_168 = arith.constant 0 : i32
          %dma_start3A_169 = tpu.memref_slice %arg9[%scan3A_105, %dma_start3A_167, %dma_start3A_168] : memref<3x80x128xf32, #tpu.memory_space<vmem>> -> memref<1x80x128xf32, #tpu.memory_space<vmem>>
          %dma_start3A_170 = tpu.memref_squeeze %dma_start3A_169 : memref<1x80x128xf32, #tpu.memory_space<vmem>> -> memref<80x128xf32, #tpu.memory_space<vmem>>
          %dma_start3A_171 = arith.constant 0 : i32
          %dma_start3A_172 = tpu.memref_slice %arg8[%add3A_157, %dma_start3A_171] : memref<63x80xi32, #tpu.memory_space<vmem>> -> memref<1x80xi32, #tpu.memory_space<vmem>>
          %dma_start3A_173 = tpu.memref_squeeze %dma_start3A_172 : memref<1x80xi32, #tpu.memory_space<vmem>> -> memref<80xi32, #tpu.memory_space<vmem>>
          %dma_start3A_174 = arith.constant 0 : i32
          %dma_start3A_175 = arith.constant 0 : i32
          %dma_start3A_176 = tpu.memref_slice %arg10[%dma_start3A_174, %dma_start3A_175] : memref<10000x128xf32, #tpu.memory_space<vmem_shared>> -> memref<10000x128xf32, #tpu.memory_space<vmem_shared>>
          tpu.enqueue_indirect_dma source(%dma_start3A_170 : memref<80x128xf32, #tpu.memory_space<vmem>>) target(%dma_start3A_176 : memref<10000x128xf32, #tpu.memory_space<vmem_shared>>) offsets(%dma_start3A_173 : memref<80xi32, #tpu.memory_space<vmem>>) semaphore(%run_scoped3A : memref<!tpu.dma_semaphore, #tpu.memory_space<semaphore_mem>>) {add = true}
          %dma_wait3A_177 = arith.constant 0 : i32
          %dma_wait3A_178 = arith.constant 0 : i32
          %dma_wait3A_179 = tpu.memref_slice %arg9[%scan3A_105, %dma_wait3A_177, %dma_wait3A_178] : memref<3x80x128xf32, #tpu.memory_space<vmem>> -> memref<1x80x128xf32, #tpu.memory_space<vmem>>
          %dma_wait3A_180 = tpu.memref_squeeze %dma_wait3A_179 : memref<1x80x128xf32, #tpu.memory_space<vmem>> -> memref<80x128xf32, #tpu.memory_space<vmem>>
          %dma_wait3A_181 = arith.constant 0 : i32
          %dma_wait3A_182 = tpu.memref_slice %arg8[%add3A_157, %dma_wait3A_181] : memref<63x80xi32, #tpu.memory_space<vmem>> -> memref<1x80xi32, #tpu.memory_space<vmem>>
          %dma_wait3A_183 = tpu.memref_squeeze %dma_wait3A_182 : memref<1x80xi32, #tpu.memory_space<vmem>> -> memref<80xi32, #tpu.memory_space<vmem>>
          %dma_wait3A_184 = arith.constant 0 : i32
          %dma_wait3A_185 = arith.constant 0 : i32
          %dma_wait3A_186 = tpu.memref_slice %arg10[%dma_wait3A_184, %dma_wait3A_185] : memref<10000x128xf32, #tpu.memory_space<vmem_shared>> -> memref<10000x128xf32, #tpu.memory_space<vmem_shared>>
          tpu.wait_indirect_dma semaphore(%run_scoped3A : memref<!tpu.dma_semaphore, #tpu.memory_space<semaphore_mem>>) src(%dma_wait3A_180 : memref<80x128xf32, #tpu.memory_space<vmem>>) dst(%dma_wait3A_186 : memref<10000x128xf32, #tpu.memory_space<vmem_shared>>)
          tpu.yield
        }) : () -> ()
        %add3A_158 = arith.constant 0 : i32
        %add3A_159 = arith.addi %add3A_123, %add3A_158 : i32
        %add3A_160 = arith.constant 3 : i32
        %add3A_161 = arith.addi %add3A_159, %add3A_160 : i32
        %lt3A_162 = arith.constant 62 : i32
        %lt3A_163 = arith.cmpi slt, %add3A_161, %lt3A_162 : i32
        %convert_element_type3A_164 = arith.extui %lt3A_163 : i1 to i32
        %cond3A_165 = arith.constant 0 : i32
        %cond3A_166 = arith.cmpi ne, %convert_element_type3A_164, %cond3A_165 : i32
        scf.if %cond3A_166 {
          %add3A_167 = arith.constant 0 : i32
          %add3A_168 = arith.addi %add3A_123, %add3A_167 : i32
          %add3A_169 = arith.constant 3 : i32
          %add3A_170 = arith.addi %add3A_168, %add3A_169 : i32
          %add3A_171 = arith.constant 63 : i32
          %add3A_172 = arith.addi %add3A_171, %add3A_170 : i32
          %mul3A_173 = arith.constant 80 : i32
          %mul3A_174 = arith.muli %add3A_172, %mul3A_173 : i32
          %dma_start3A_175 = arith.constant 0 : i32
          %dma_start3A_176 = arith.constant 0 : i32
          %dma_start3A_177 = tpu.memref_slice %arg9[%scan3A_105, %dma_start3A_175, %dma_start3A_176] : memref<3x80x128xf32, #tpu.memory_space<vmem>> -> memref<1x80x128xf32, #tpu.memory_space<vmem>>
          %dma_start3A_178 = tpu.memref_squeeze %dma_start3A_177 : memref<1x80x128xf32, #tpu.memory_space<vmem>> -> memref<80x128xf32, #tpu.memory_space<vmem>>
          %dma_start3A_179 = tpu.memref_slice %arg7[%mul3A_174] : memref<10000xi32, #tpu.memory_space<vmem>> -> memref<80xi32, #tpu.memory_space<vmem>>
          %dma_start3A_180 = arith.constant 0 : i32
          %dma_start3A_181 = arith.constant 0 : i32
          %dma_start3A_182 = tpu.memref_slice %arg2[%dma_start3A_180, %dma_start3A_181] : memref<10000x128xf32, #tpu.memory_space<hbm>> -> memref<10000x128xf32, #tpu.memory_space<hbm>>
          tpu.enqueue_indirect_dma source(%dma_start3A_182 : memref<10000x128xf32, #tpu.memory_space<hbm>>) target(%dma_start3A_178 : memref<80x128xf32, #tpu.memory_space<vmem>>) offsets(%dma_start3A_179 : memref<80xi32, #tpu.memory_space<vmem>>) semaphore(%arg11 : memref<!tpu.dma_semaphore, #tpu.memory_space<semaphore_mem>>)
        } else {
        }
      } else {
      }
      %add3A_128 = arith.constant 1 : i32
      %add3A_129 = arith.addi %add3A_123, %add3A_128 : i32
      %lt3A_130 = arith.constant 62 : i32
      %lt3A_131 = arith.cmpi slt, %add3A_129, %lt3A_130 : i32
      %convert_element_type3A_132 = arith.extui %lt3A_131 : i1 to i32
      %cond3A_133 = arith.constant 0 : i32
      %cond3A_134 = arith.cmpi ne, %convert_element_type3A_132, %cond3A_133 : i32
      scf.if %cond3A_134 {
        %add3A_142 = arith.constant 1 : i32
        %add3A_143 = arith.addi %add3A_123, %add3A_142 : i32
        %add3A_144 = arith.constant 63 : i32
        %add3A_145 = arith.addi %add3A_144, %add3A_143 : i32
        %mul3A_146 = arith.constant 80 : i32
        %mul3A_147 = arith.muli %add3A_145, %mul3A_146 : i32
        %dma_wait3A_148 = arith.constant 0 : i32
        %dma_wait3A_149 = arith.constant 0 : i32
        %dma_wait3A_150 = tpu.memref_slice %arg9[%scan3A_106, %dma_wait3A_148, %dma_wait3A_149] : memref<3x80x128xf32, #tpu.memory_space<vmem>> -> memref<1x80x128xf32, #tpu.memory_space<vmem>>
        %dma_wait3A_151 = tpu.memref_squeeze %dma_wait3A_150 : memref<1x80x128xf32, #tpu.memory_space<vmem>> -> memref<80x128xf32, #tpu.memory_space<vmem>>
        %dma_wait3A_152 = tpu.memref_slice %arg7[%mul3A_147] : memref<10000xi32, #tpu.memory_space<vmem>> -> memref<80xi32, #tpu.memory_space<vmem>>
        %dma_wait3A_153 = arith.constant 0 : i32
        %dma_wait3A_154 = arith.constant 0 : i32
        %dma_wait3A_155 = tpu.memref_slice %arg2[%dma_wait3A_153, %dma_wait3A_154] : memref<10000x128xf32, #tpu.memory_space<hbm>> -> memref<10000x128xf32, #tpu.memory_space<hbm>>
        tpu.wait_indirect_dma semaphore(%arg12 : memref<!tpu.dma_semaphore, #tpu.memory_space<semaphore_mem>>) src(%dma_wait3A_155 : memref<10000x128xf32, #tpu.memory_space<hbm>>) dst(%dma_wait3A_151 : memref<80x128xf32, #tpu.memory_space<vmem>>)
        %add3A_156 = arith.constant 1 : i32
        %add3A_157 = arith.addi %add3A_123, %add3A_156 : i32
        "tpu.region"() ({
          %run_scoped3A = tpu.sem_alloc : memref<!tpu.dma_semaphore, #tpu.memory_space<semaphore_mem>>
          %dma_start3A_167 = arith.constant 0 : i32
          %dma_start3A_168 = arith.constant 0 : i32
          %dma_start3A_169 = tpu.memref_slice %arg9[%scan3A_106, %dma_start3A_167, %dma_start3A_168] : memref<3x80x128xf32, #tpu.memory_space<vmem>> -> memref<1x80x128xf32, #tpu.memory_space<vmem>>
          %dma_start3A_170 = tpu.memref_squeeze %dma_start3A_169 : memref<1x80x128xf32, #tpu.memory_space<vmem>> -> memref<80x128xf32, #tpu.memory_space<vmem>>
          %dma_start3A_171 = arith.constant 0 : i32
          %dma_start3A_172 = tpu.memref_slice %arg8[%add3A_157, %dma_start3A_171] : memref<63x80xi32, #tpu.memory_space<vmem>> -> memref<1x80xi32, #tpu.memory_space<vmem>>
          %dma_start3A_173 = tpu.memref_squeeze %dma_start3A_172 : memref<1x80xi32, #tpu.memory_space<vmem>> -> memref<80xi32, #tpu.memory_space<vmem>>
          %dma_start3A_174 = arith.constant 0 : i32
          %dma_start3A_175 = arith.constant 0 : i32
          %dma_start3A_176 = tpu.memref_slice %arg10[%dma_start3A_174, %dma_start3A_175] : memref<10000x128xf32, #tpu.memory_space<vmem_shared>> -> memref<10000x128xf32, #tpu.memory_space<vmem_shared>>
          tpu.enqueue_indirect_dma source(%dma_start3A_170 : memref<80x128xf32, #tpu.memory_space<vmem>>) target(%dma_start3A_176 : memref<10000x128xf32, #tpu.memory_space<vmem_shared>>) offsets(%dma_start3A_173 : memref<80xi32, #tpu.memory_space<vmem>>) semaphore(%run_scoped3A : memref<!tpu.dma_semaphore, #tpu.memory_space<semaphore_mem>>) {add = true}
          %dma_wait3A_177 = arith.constant 0 : i32
          %dma_wait3A_178 = arith.constant 0 : i32
          %dma_wait3A_179 = tpu.memref_slice %arg9[%scan3A_106, %dma_wait3A_177, %dma_wait3A_178] : memref<3x80x128xf32, #tpu.memory_space<vmem>> -> memref<1x80x128xf32, #tpu.memory_space<vmem>>
          %dma_wait3A_180 = tpu.memref_squeeze %dma_wait3A_179 : memref<1x80x128xf32, #tpu.memory_space<vmem>> -> memref<80x128xf32, #tpu.memory_space<vmem>>
          %dma_wait3A_181 = arith.constant 0 : i32
          %dma_wait3A_182 = tpu.memref_slice %arg8[%add3A_157, %dma_wait3A_181] : memref<63x80xi32, #tpu.memory_space<vmem>> -> memref<1x80xi32, #tpu.memory_space<vmem>>
          %dma_wait3A_183 = tpu.memref_squeeze %dma_wait3A_182 : memref<1x80xi32, #tpu.memory_space<vmem>> -> memref<80xi32, #tpu.memory_space<vmem>>
          %dma_wait3A_184 = arith.constant 0 : i32
          %dma_wait3A_185 = arith.constant 0 : i32
          %dma_wait3A_186 = tpu.memref_slice %arg10[%dma_wait3A_184, %dma_wait3A_185] : memref<10000x128xf32, #tpu.memory_space<vmem_shared>> -> memref<10000x128xf32, #tpu.memory_space<vmem_shared>>
          tpu.wait_indirect_dma semaphore(%run_scoped3A : memref<!tpu.dma_semaphore, #tpu.memory_space<semaphore_mem>>) src(%dma_wait3A_180 : memref<80x128xf32, #tpu.memory_space<vmem>>) dst(%dma_wait3A_186 : memref<10000x128xf32, #tpu.memory_space<vmem_shared>>)
          tpu.yield
        }) : () -> ()
        %add3A_158 = arith.constant 1 : i32
        %add3A_159 = arith.addi %add3A_123, %add3A_158 : i32
        %add3A_160 = arith.constant 3 : i32
        %add3A_161 = arith.addi %add3A_159, %add3A_160 : i32
        %lt3A_162 = arith.constant 62 : i32
        %lt3A_163 = arith.cmpi slt, %add3A_161, %lt3A_162 : i32
        %convert_element_type3A_164 = arith.extui %lt3A_163 : i1 to i32
        %cond3A_165 = arith.constant 0 : i32
        %cond3A_166 = arith.cmpi ne, %convert_element_type3A_164, %cond3A_165 : i32
        scf.if %cond3A_166 {
          %add3A_167 = arith.constant 1 : i32
          %add3A_168 = arith.addi %add3A_123, %add3A_167 : i32
          %add3A_169 = arith.constant 3 : i32
          %add3A_170 = arith.addi %add3A_168, %add3A_169 : i32
          %add3A_171 = arith.constant 63 : i32
          %add3A_172 = arith.addi %add3A_171, %add3A_170 : i32
          %mul3A_173 = arith.constant 80 : i32
          %mul3A_174 = arith.muli %add3A_172, %mul3A_173 : i32
          %dma_start3A_175 = arith.constant 0 : i32
          %dma_start3A_176 = arith.constant 0 : i32
          %dma_start3A_177 = tpu.memref_slice %arg9[%scan3A_106, %dma_start3A_175, %dma_start3A_176] : memref<3x80x128xf32, #tpu.memory_space<vmem>> -> memref<1x80x128xf32, #tpu.memory_space<vmem>>
          %dma_start3A_178 = tpu.memref_squeeze %dma_start3A_177 : memref<1x80x128xf32, #tpu.memory_space<vmem>> -> memref<80x128xf32, #tpu.memory_space<vmem>>
          %dma_start3A_179 = tpu.memref_slice %arg7[%mul3A_174] : memref<10000xi32, #tpu.memory_space<vmem>> -> memref<80xi32, #tpu.memory_space<vmem>>
          %dma_start3A_180 = arith.constant 0 : i32
          %dma_start3A_181 = arith.constant 0 : i32
          %dma_start3A_182 = tpu.memref_slice %arg2[%dma_start3A_180, %dma_start3A_181] : memref<10000x128xf32, #tpu.memory_space<hbm>> -> memref<10000x128xf32, #tpu.memory_space<hbm>>
          tpu.enqueue_indirect_dma source(%dma_start3A_182 : memref<10000x128xf32, #tpu.memory_space<hbm>>) target(%dma_start3A_178 : memref<80x128xf32, #tpu.memory_space<vmem>>) offsets(%dma_start3A_179 : memref<80xi32, #tpu.memory_space<vmem>>) semaphore(%arg12 : memref<!tpu.dma_semaphore, #tpu.memory_space<semaphore_mem>>)
        } else {
        }
      } else {
      }
      %add3A_135 = arith.constant 2 : i32
      %add3A_136 = arith.addi %add3A_123, %add3A_135 : i32
      %lt3A_137 = arith.constant 62 : i32
      %lt3A_138 = arith.cmpi slt, %add3A_136, %lt3A_137 : i32
      %convert_element_type3A_139 = arith.extui %lt3A_138 : i1 to i32
      %cond3A_140 = arith.constant 0 : i32
      %cond3A_141 = arith.cmpi ne, %convert_element_type3A_139, %cond3A_140 : i32
      scf.if %cond3A_141 {
        %add3A_142 = arith.constant 2 : i32
        %add3A_143 = arith.addi %add3A_123, %add3A_142 : i32
        %add3A_144 = arith.constant 63 : i32
        %add3A_145 = arith.addi %add3A_144, %add3A_143 : i32
        %mul3A_146 = arith.constant 80 : i32
        %mul3A_147 = arith.muli %add3A_145, %mul3A_146 : i32
        %dma_wait3A_148 = arith.constant 0 : i32
        %dma_wait3A_149 = arith.constant 0 : i32
        %dma_wait3A_150 = tpu.memref_slice %arg9[%scan3A_107, %dma_wait3A_148, %dma_wait3A_149] : memref<3x80x128xf32, #tpu.memory_space<vmem>> -> memref<1x80x128xf32, #tpu.memory_space<vmem>>
        %dma_wait3A_151 = tpu.memref_squeeze %dma_wait3A_150 : memref<1x80x128xf32, #tpu.memory_space<vmem>> -> memref<80x128xf32, #tpu.memory_space<vmem>>
        %dma_wait3A_152 = tpu.memref_slice %arg7[%mul3A_147] : memref<10000xi32, #tpu.memory_space<vmem>> -> memref<80xi32, #tpu.memory_space<vmem>>
        %dma_wait3A_153 = arith.constant 0 : i32
        %dma_wait3A_154 = arith.constant 0 : i32
        %dma_wait3A_155 = tpu.memref_slice %arg2[%dma_wait3A_153, %dma_wait3A_154] : memref<10000x128xf32, #tpu.memory_space<hbm>> -> memref<10000x128xf32, #tpu.memory_space<hbm>>
        tpu.wait_indirect_dma semaphore(%arg13 : memref<!tpu.dma_semaphore, #tpu.memory_space<semaphore_mem>>) src(%dma_wait3A_155 : memref<10000x128xf32, #tpu.memory_space<hbm>>) dst(%dma_wait3A_151 : memref<80x128xf32, #tpu.memory_space<vmem>>)
        %add3A_156 = arith.constant 2 : i32
        %add3A_157 = arith.addi %add3A_123, %add3A_156 : i32
        "tpu.region"() ({
          %run_scoped3A = tpu.sem_alloc : memref<!tpu.dma_semaphore, #tpu.memory_space<semaphore_mem>>
          %dma_start3A_167 = arith.constant 0 : i32
          %dma_start3A_168 = arith.constant 0 : i32
          %dma_start3A_169 = tpu.memref_slice %arg9[%scan3A_107, %dma_start3A_167, %dma_start3A_168] : memref<3x80x128xf32, #tpu.memory_space<vmem>> -> memref<1x80x128xf32, #tpu.memory_space<vmem>>
          %dma_start3A_170 = tpu.memref_squeeze %dma_start3A_169 : memref<1x80x128xf32, #tpu.memory_space<vmem>> -> memref<80x128xf32, #tpu.memory_space<vmem>>
          %dma_start3A_171 = arith.constant 0 : i32
          %dma_start3A_172 = tpu.memref_slice %arg8[%add3A_157, %dma_start3A_171] : memref<63x80xi32, #tpu.memory_space<vmem>> -> memref<1x80xi32, #tpu.memory_space<vmem>>
          %dma_start3A_173 = tpu.memref_squeeze %dma_start3A_172 : memref<1x80xi32, #tpu.memory_space<vmem>> -> memref<80xi32, #tpu.memory_space<vmem>>
          %dma_start3A_174 = arith.constant 0 : i32
          %dma_start3A_175 = arith.constant 0 : i32
          %dma_start3A_176 = tpu.memref_slice %arg10[%dma_start3A_174, %dma_start3A_175] : memref<10000x128xf32, #tpu.memory_space<vmem_shared>> -> memref<10000x128xf32, #tpu.memory_space<vmem_shared>>
          tpu.enqueue_indirect_dma source(%dma_start3A_170 : memref<80x128xf32, #tpu.memory_space<vmem>>) target(%dma_start3A_176 : memref<10000x128xf32, #tpu.memory_space<vmem_shared>>) offsets(%dma_start3A_173 : memref<80xi32, #tpu.memory_space<vmem>>) semaphore(%run_scoped3A : memref<!tpu.dma_semaphore, #tpu.memory_space<semaphore_mem>>) {add = true}
          %dma_wait3A_177 = arith.constant 0 : i32
          %dma_wait3A_178 = arith.constant 0 : i32
          %dma_wait3A_179 = tpu.memref_slice %arg9[%scan3A_107, %dma_wait3A_177, %dma_wait3A_178] : memref<3x80x128xf32, #tpu.memory_space<vmem>> -> memref<1x80x128xf32, #tpu.memory_space<vmem>>
          %dma_wait3A_180 = tpu.memref_squeeze %dma_wait3A_179 : memref<1x80x128xf32, #tpu.memory_space<vmem>> -> memref<80x128xf32, #tpu.memory_space<vmem>>
          %dma_wait3A_181 = arith.constant 0 : i32
          %dma_wait3A_182 = tpu.memref_slice %arg8[%add3A_157, %dma_wait3A_181] : memref<63x80xi32, #tpu.memory_space<vmem>> -> memref<1x80xi32, #tpu.memory_space<vmem>>
          %dma_wait3A_183 = tpu.memref_squeeze %dma_wait3A_182 : memref<1x80xi32, #tpu.memory_space<vmem>> -> memref<80xi32, #tpu.memory_space<vmem>>
          %dma_wait3A_184 = arith.constant 0 : i32
          %dma_wait3A_185 = arith.constant 0 : i32
          %dma_wait3A_186 = tpu.memref_slice %arg10[%dma_wait3A_184, %dma_wait3A_185] : memref<10000x128xf32, #tpu.memory_space<vmem_shared>> -> memref<10000x128xf32, #tpu.memory_space<vmem_shared>>
          tpu.wait_indirect_dma semaphore(%run_scoped3A : memref<!tpu.dma_semaphore, #tpu.memory_space<semaphore_mem>>) src(%dma_wait3A_180 : memref<80x128xf32, #tpu.memory_space<vmem>>) dst(%dma_wait3A_186 : memref<10000x128xf32, #tpu.memory_space<vmem_shared>>)
          tpu.yield
        }) : () -> ()
        %add3A_158 = arith.constant 2 : i32
        %add3A_159 = arith.addi %add3A_123, %add3A_158 : i32
        %add3A_160 = arith.constant 3 : i32
        %add3A_161 = arith.addi %add3A_159, %add3A_160 : i32
        %lt3A_162 = arith.constant 62 : i32
        %lt3A_163 = arith.cmpi slt, %add3A_161, %lt3A_162 : i32
        %convert_element_type3A_164 = arith.extui %lt3A_163 : i1 to i32
        %cond3A_165 = arith.constant 0 : i32
        %cond3A_166 = arith.cmpi ne, %convert_element_type3A_164, %cond3A_165 : i32
        scf.if %cond3A_166 {
          %add3A_167 = arith.constant 2 : i32
          %add3A_168 = arith.addi %add3A_123, %add3A_167 : i32
          %add3A_169 = arith.constant 3 : i32
          %add3A_170 = arith.addi %add3A_168, %add3A_169 : i32
          %add3A_171 = arith.constant 63 : i32
          %add3A_172 = arith.addi %add3A_171, %add3A_170 : i32
          %mul3A_173 = arith.constant 80 : i32
          %mul3A_174 = arith.muli %add3A_172, %mul3A_173 : i32
          %dma_start3A_175 = arith.constant 0 : i32
          %dma_start3A_176 = arith.constant 0 : i32
          %dma_start3A_177 = tpu.memref_slice %arg9[%scan3A_107, %dma_start3A_175, %dma_start3A_176] : memref<3x80x128xf32, #tpu.memory_space<vmem>> -> memref<1x80x128xf32, #tpu.memory_space<vmem>>
          %dma_start3A_178 = tpu.memref_squeeze %dma_start3A_177 : memref<1x80x128xf32, #tpu.memory_space<vmem>> -> memref<80x128xf32, #tpu.memory_space<vmem>>
          %dma_start3A_179 = tpu.memref_slice %arg7[%mul3A_174] : memref<10000xi32, #tpu.memory_space<vmem>> -> memref<80xi32, #tpu.memory_space<vmem>>
          %dma_start3A_180 = arith.constant 0 : i32
          %dma_start3A_181 = arith.constant 0 : i32
          %dma_start3A_182 = tpu.memref_slice %arg2[%dma_start3A_180, %dma_start3A_181] : memref<10000x128xf32, #tpu.memory_space<hbm>> -> memref<10000x128xf32, #tpu.memory_space<hbm>>
          tpu.enqueue_indirect_dma source(%dma_start3A_182 : memref<10000x128xf32, #tpu.memory_space<hbm>>) target(%dma_start3A_178 : memref<80x128xf32, #tpu.memory_space<vmem>>) offsets(%dma_start3A_179 : memref<80xi32, #tpu.memory_space<vmem>>) semaphore(%arg13 : memref<!tpu.dma_semaphore, #tpu.memory_space<semaphore_mem>>)
        } else {
        }
      } else {
      }
    }
    %scan3A_112 = arith.constant 21 : i32
    %barrier3A_113 = arith.constant 0 : index
    tpu.barrier barrier_id(%barrier3A_113)
    %scan3A_114 = arith.constant 0 : i32
    %scan3A_115 = arith.constant 8 : i32
    %scan3A_116 = arith.addi %scan3A_114, %scan3A_115 : i32
    %scan3A_117 = arith.constant 1 : i32
    scf.for %scan3A_119 = %scan3A_114 to %scan3A_116 step %scan3A_117  : i32 {
      %mul3A_120 = arith.constant 1 : i32
      %mul3A_121 = arith.muli %scan3A_119, %mul3A_120 : i32
      %add3A_122 = arith.constant 0 : i32
      %add3A_123 = arith.addi %add3A_122, %mul3A_121 : i32
      %mul3A_124 = arith.constant 16 : i32
      %mul3A_125 = arith.muli %add3A_123, %mul3A_124 : i32
      %add3A_126 = arith.addi %arg1, %mul3A_125 : i32
      %lt3A = arith.constant 125 : i32
      %lt3A_127 = arith.cmpi slt, %add3A_126, %lt3A : i32
      %convert_element_type3A = arith.extui %lt3A_127 : i1 to i32
      %cond3A = arith.constant 0 : i32
      %cond3A_128 = arith.cmpi ne, %convert_element_type3A, %cond3A : i32
      scf.if %cond3A_128 {
        %mul3A_129 = arith.constant 80 : i32
        %mul3A_130 = arith.muli %add3A_126, %mul3A_129 : i32
        "tpu.region"() ({
          %run_scoped3A = tpu.sem_alloc : memref<!tpu.dma_semaphore, #tpu.memory_space<semaphore_mem>>
          %dma_start3A_131 = arith.constant 0 : i32
          %dma_start3A_132 = tpu.memref_slice %arg6[%arg0, %mul3A_130, %dma_start3A_131] : memref<2x10000x128xf32, #tpu.memory_space<hbm>> -> memref<1x80x128xf32, #tpu.memory_space<hbm>>
          %dma_start3A_133 = tpu.memref_squeeze %dma_start3A_132 : memref<1x80x128xf32, #tpu.memory_space<hbm>> -> memref<80x128xf32, #tpu.memory_space<hbm>>
          %dma_start3A_134 = arith.constant 0 : i32
          %dma_start3A_135 = tpu.memref_slice %arg10[%mul3A_130, %dma_start3A_134] : memref<10000x128xf32, #tpu.memory_space<vmem_shared>> -> memref<80x128xf32, #tpu.memory_space<vmem_shared>>
          tpu.enqueue_dma source(%dma_start3A_135 : memref<80x128xf32, #tpu.memory_space<vmem_shared>>) target(%dma_start3A_133 : memref<80x128xf32, #tpu.memory_space<hbm>>) target_semaphore(%run_scoped3A : memref<!tpu.dma_semaphore, #tpu.memory_space<semaphore_mem>>)
          %dma_wait3A_136 = arith.constant 0 : i32
          %dma_wait3A_137 = tpu.memref_slice %arg6[%arg0, %mul3A_130, %dma_wait3A_136] : memref<2x10000x128xf32, #tpu.memory_space<hbm>> -> memref<1x80x128xf32, #tpu.memory_space<hbm>>
          %dma_wait3A_138 = tpu.memref_squeeze %dma_wait3A_137 : memref<1x80x128xf32, #tpu.memory_space<hbm>> -> memref<80x128xf32, #tpu.memory_space<hbm>>
          %dma_wait3A_139 = arith.constant 0 : i32
          %dma_wait3A_140 = tpu.memref_slice %arg10[%mul3A_130, %dma_wait3A_139] : memref<10000x128xf32, #tpu.memory_space<vmem_shared>> -> memref<80x128xf32, #tpu.memory_space<vmem_shared>>
          tpu.wait_dma2 semaphore(%run_scoped3A : memref<!tpu.dma_semaphore, #tpu.memory_space<semaphore_mem>>) src(%dma_wait3A_140 : memref<80x128xf32, #tpu.memory_space<vmem_shared>>) dst(%dma_wait3A_138 : memref<80x128xf32, #tpu.memory_space<hbm>>)
          tpu.yield
        }) : () -> ()
      } else {
      }
    }
    %scan3A_118 = arith.constant 8 : i32
    return
  }
}

#map = affine_map<(d0, d1) -> (0, 0)>
#map1 = affine_map<(d0, d1) -> (0, 0, 0)>
module attributes {stable_mosaic.version = 14 : i64} {
  func.func @k(%arg0: i32, %arg1: i32, %arg2: memref<10000x128xf32, #tpu.memory_space<hbm>>, %arg3: memref<32x10000xi32, #tpu.memory_space<hbm>>, %arg4: memref<32x63x80xi32, #tpu.memory_space<hbm>>, %arg5: memref<32x62x80xi32, #tpu.memory_space<hbm>>, %arg6: memref<2x10000x128xf32, #tpu.memory_space<hbm>>, %arg7: memref<10000xi32, #tpu.memory_space<vmem>>, %arg8: memref<63x80xi32, #tpu.memory_space<vmem>>, %arg9: memref<3x80x128xf32, #tpu.memory_space<vmem>>, %arg10: memref<10000x128xf32, #tpu.memory_space<vmem_shared>>, %arg11: memref<!tpu.dma_semaphore, #tpu.memory_space<semaphore_mem>>, %arg12: memref<!tpu.dma_semaphore, #tpu.memory_space<semaphore_mem>>, %arg13: memref<!tpu.dma_semaphore, #tpu.memory_space<semaphore_mem>>, %arg14: memref<!tpu.dma_semaphore, #tpu.memory_space<semaphore_mem>>, %arg15: memref<!tpu.dma_semaphore, #tpu.memory_space<semaphore_mem>>) attributes {dimension_semantics = [#tpu.dimension_semantics<core_parallel>, #tpu.dimension_semantics<subcore_parallel>], iteration_bounds = array<i64: 2, 16>, scalar_prefetch = 0 : i64, scratch_operands = 9 : i64, tpu.core_type = #tpu.core_type<sc_vector_subcore>, window_params = [{transform_indices = #map}, {transform_indices = #map}, {transform_indices = #map1}, {transform_indices = #map1}, {transform_indices = #map1}]} {
    %mul3A = arith.constant 16 : i32
    %mul3A_0 = arith.muli %arg0, %mul3A : i32
    %add3A = arith.addi %mul3A_0, %arg1 : i32
    %dma_start3A = arith.constant 0 : i32
    %dma_start3A_1 = tpu.memref_slice %arg3[%add3A, %dma_start3A] : memref<32x10000xi32, #tpu.memory_space<hbm>> -> memref<1x10000xi32, #tpu.memory_space<hbm>>
    %dma_start3A_2 = tpu.memref_squeeze %dma_start3A_1 : memref<1x10000xi32, #tpu.memory_space<hbm>> -> memref<10000xi32, #tpu.memory_space<hbm>>
    %dma_start3A_3 = arith.constant 0 : i32
    %dma_start3A_4 = tpu.memref_slice %arg3[%add3A, %dma_start3A_3] : memref<32x10000xi32, #tpu.memory_space<hbm>> -> memref<1x10000xi32, #tpu.memory_space<hbm>>
    %dma_start3A_5 = tpu.memref_squeeze %dma_start3A_4 : memref<1x10000xi32, #tpu.memory_space<hbm>> -> memref<10000xi32, #tpu.memory_space<hbm>>
    tpu.enqueue_dma source(%dma_start3A_5 : memref<10000xi32, #tpu.memory_space<hbm>>) target(%arg7 : memref<10000xi32, #tpu.memory_space<vmem>>) target_semaphore(%arg14 : memref<!tpu.dma_semaphore, #tpu.memory_space<semaphore_mem>>)
    %dma_start3A_6 = arith.constant 0 : i32
    %dma_start3A_7 = arith.constant 0 : i32
    %dma_start3A_8 = tpu.memref_slice %arg4[%add3A, %dma_start3A_6, %dma_start3A_7] : memref<32x63x80xi32, #tpu.memory_space<hbm>> -> memref<1x63x80xi32, #tpu.memory_space<hbm>>
    %dma_start3A_9 = tpu.memref_squeeze %dma_start3A_8 : memref<1x63x80xi32, #tpu.memory_space<hbm>> -> memref<63x80xi32, #tpu.memory_space<hbm>>
    %dma_start3A_10 = arith.constant 0 : i32
    %dma_start3A_11 = arith.constant 0 : i32
    %dma_start3A_12 = tpu.memref_slice %arg4[%add3A, %dma_start3A_10, %dma_start3A_11] : memref<32x63x80xi32, #tpu.memory_space<hbm>> -> memref<1x63x80xi32, #tpu.memory_space<hbm>>
    %dma_start3A_13 = tpu.memref_squeeze %dma_start3A_12 : memref<1x63x80xi32, #tpu.memory_space<hbm>> -> memref<63x80xi32, #tpu.memory_space<hbm>>
    tpu.enqueue_dma source(%dma_start3A_13 : memref<63x80xi32, #tpu.memory_space<hbm>>) target(%arg8 : memref<63x80xi32, #tpu.memory_space<vmem>>) target_semaphore(%arg15 : memref<!tpu.dma_semaphore, #tpu.memory_space<semaphore_mem>>)
    %scan3A = arith.constant 0 : i32
    %scan3A_14 = arith.constant 80 : i32
    %scan3A_15 = arith.addi %scan3A, %scan3A_14 : i32
    %scan3A_16 = arith.constant 1 : i32
    scf.for %scan3A_119 = %scan3A to %scan3A_15 step %scan3A_16  : i32 {
      %mul3A_120 = arith.constant 1 : i32
      %mul3A_121 = arith.muli %scan3A_119, %mul3A_120 : i32
      %add3A_122 = arith.constant 0 : i32
      %add3A_123 = arith.addi %add3A_122, %mul3A_121 : i32
      %scan3A_124 = arith.constant 0 : i32
      %scan3A_125 = arith.constant 8 : i32
      %scan3A_126 = arith.addi %scan3A_124, %scan3A_125 : i32
      %scan3A_127 = arith.constant 1 : i32
      scf.for %scan3A_129 = %scan3A_124 to %scan3A_126 step %scan3A_127  : i32 {
        %mul3A_130 = arith.constant 1 : i32
        %mul3A_131 = arith.muli %scan3A_129, %mul3A_130 : i32
        %add3A_132 = arith.constant 0 : i32
        %add3A_133 = arith.addi %add3A_132, %mul3A_131 : i32
        %broadcast_in_dim3A = arith.constant 0.000000e+00 : f32
        %broadcast_in_dim3A_134 = vector.broadcast %broadcast_in_dim3A : f32 to vector<16xf32>
        %mul3A_135 = arith.constant 16 : i32
        %mul3A_136 = arith.muli %add3A_133, %mul3A_135 : i32
        %swap3A = arith.constant 0 : i32
        %swap3A_137 = arith.index_cast %swap3A : i32 to index
        %swap3A_138 = arith.index_cast %add3A_123 : i32 to index
        %swap3A_139 = arith.index_cast %mul3A_136 : i32 to index
        %swap3A_140 = tpu.vector_load %arg9[%swap3A_137, %swap3A_138, %swap3A_139] {strides = array<i32>} : memref<3x80x128xf32, #tpu.memory_space<vmem>>, vector<1x1x16xf32>,
        %swap3A_141 = vector.shape_cast %swap3A_140 : vector<1x1x16xf32> to vector<16xf32>
        %swap3A_142 = vector.shape_cast %broadcast_in_dim3A_134 : vector<16xf32> to vector<1x1x16xf32>
        tpu.vector_store %arg9[%swap3A_137, %swap3A_138, %swap3A_139], %swap3A_142 {strides = array<i32>} : memref<3x80x128xf32, #tpu.memory_space<vmem>>, vector<1x1x16xf32>,
      }
      %scan3A_128 = arith.constant 8 : i32
    }
    %scan3A_17 = arith.constant 80 : i32
    %scan3A_18 = arith.constant 0 : i32
    %scan3A_19 = arith.constant 0 : i32
    %scan3A_20 = arith.constant 8 : i32
    %scan3A_21 = arith.addi %scan3A_19, %scan3A_20 : i32
    %scan3A_22 = arith.constant 1 : i32
    scf.for %scan3A_119 = %scan3A_19 to %scan3A_21 step %scan3A_22  : i32 {
      %mul3A_120 = arith.constant 1 : i32
      %mul3A_121 = arith.muli %scan3A_119, %mul3A_120 : i32
      %add3A_122 = arith.constant 0 : i32
      %add3A_123 = arith.addi %add3A_122, %mul3A_121 : i32
      %mul3A_124 = arith.constant 16 : i32
      %mul3A_125 = arith.muli %add3A_123, %mul3A_124 : i32
      %add3A_126 = arith.addi %arg1, %mul3A_125 : i32
      %lt3A = arith.constant 125 : i32
      %lt3A_127 = arith.cmpi slt, %add3A_126, %lt3A : i32
      %convert_element_type3A = arith.extui %lt3A_127 : i1 to i32
      %cond3A = arith.constant 0 : i32
      %cond3A_128 = arith.cmpi ne, %convert_element_type3A, %cond3A : i32
      scf.if %cond3A_128 {
        %mul3A_129 = arith.constant 80 : i32
        %mul3A_130 = arith.muli %add3A_126, %mul3A_129 : i32
        "tpu.region"() ({
          %run_scoped3A = tpu.sem_alloc : memref<!tpu.dma_semaphore, #tpu.memory_space<semaphore_mem>>
          %dma_start3A_131 = arith.constant 0 : i32
          %dma_start3A_132 = arith.constant 0 : i32
          %dma_start3A_133 = tpu.memref_slice %arg9[%scan3A_18, %dma_start3A_131, %dma_start3A_132] : memref<3x80x128xf32, #tpu.memory_space<vmem>> -> memref<1x80x128xf32, #tpu.memory_space<vmem>>
          %dma_start3A_134 = tpu.memref_squeeze %dma_start3A_133 : memref<1x80x128xf32, #tpu.memory_space<vmem>> -> memref<80x128xf32, #tpu.memory_space<vmem>>
          %dma_start3A_135 = arith.constant 0 : i32
          %dma_start3A_136 = tpu.memref_slice %arg10[%mul3A_130, %dma_start3A_135] : memref<10000x128xf32, #tpu.memory_space<vmem_shared>> -> memref<80x128xf32, #tpu.memory_space<vmem_shared>>
          %dma_start3A_137 = arith.constant 0 : i32
          %dma_start3A_138 = tpu.memref_slice %arg10[%mul3A_130, %dma_start3A_137] : memref<10000x128xf32, #tpu.memory_space<vmem_shared>> -> memref<80x128xf32, #tpu.memory_space<vmem_shared>>
          %dma_start3A_139 = arith.constant 0 : i32
          %dma_start3A_140 = arith.constant 0 : i32
          %dma_start3A_141 = tpu.memref_slice %arg9[%scan3A_18, %dma_start3A_139, %dma_start3A_140] : memref<3x80x128xf32, #tpu.memory_space<vmem>> -> memref<1x80x128xf32, #tpu.memory_space<vmem>>
          %dma_start3A_142 = tpu.memref_squeeze %dma_start3A_141 : memref<1x80x128xf32, #tpu.memory_space<vmem>> -> memref<80x128xf32, #tpu.memory_space<vmem>>
          tpu.enqueue_dma source(%dma_start3A_142 : memref<80x128xf32, #tpu.memory_space<vmem>>) target(%dma_start3A_138 : memref<80x128xf32, #tpu.memory_space<vmem_shared>>) target_semaphore(%run_scoped3A : memref<!tpu.dma_semaphore, #tpu.memory_space<semaphore_mem>>)
          %dma_wait3A_143 = arith.constant 0 : i32
          %dma_wait3A_144 = arith.constant 0 : i32
          %dma_wait3A_145 = tpu.memref_slice %arg9[%scan3A_18, %dma_wait3A_143, %dma_wait3A_144] : memref<3x80x128xf32, #tpu.memory_space<vmem>> -> memref<1x80x128xf32, #tpu.memory_space<vmem>>
          %dma_wait3A_146 = tpu.memref_squeeze %dma_wait3A_145 : memref<1x80x128xf32, #tpu.memory_space<vmem>> -> memref<80x128xf32, #tpu.memory_space<vmem>>
          %dma_wait3A_147 = arith.constant 0 : i32
          %dma_wait3A_148 = tpu.memref_slice %arg10[%mul3A_130, %dma_wait3A_147] : memref<10000x128xf32, #tpu.memory_space<vmem_shared>> -> memref<80x128xf32, #tpu.memory_space<vmem_shared>>
          %dma_wait3A_149 = arith.constant 0 : i32
          %dma_wait3A_150 = tpu.memref_slice %arg10[%mul3A_130, %dma_wait3A_149] : memref<10000x128xf32, #tpu.memory_space<vmem_shared>> -> memref<80x128xf32, #tpu.memory_space<vmem_shared>>
          %dma_wait3A_151 = arith.constant 0 : i32
          %dma_wait3A_152 = arith.constant 0 : i32
          %dma_wait3A_153 = tpu.memref_slice %arg9[%scan3A_18, %dma_wait3A_151, %dma_wait3A_152] : memref<3x80x128xf32, #tpu.memory_space<vmem>> -> memref<1x80x128xf32, #tpu.memory_space<vmem>>
          %dma_wait3A_154 = tpu.memref_squeeze %dma_wait3A_153 : memref<1x80x128xf32, #tpu.memory_space<vmem>> -> memref<80x128xf32, #tpu.memory_space<vmem>>
          tpu.wait_dma2 semaphore(%run_scoped3A : memref<!tpu.dma_semaphore, #tpu.memory_space<semaphore_mem>>) src(%dma_wait3A_154 : memref<80x128xf32, #tpu.memory_space<vmem>>) dst(%dma_wait3A_150 : memref<80x128xf32, #tpu.memory_space<vmem_shared>>)
          tpu.yield
        }) : () -> ()
      } else {
      }
    }
    %scan3A_23 = arith.constant 8 : i32
    %dma_wait3A = arith.constant 0 : i32
    %dma_wait3A_24 = tpu.memref_slice %arg3[%add3A, %dma_wait3A] : memref<32x10000xi32, #tpu.memory_space<hbm>> -> memref<1x10000xi32, #tpu.memory_space<hbm>>
    %dma_wait3A_25 = tpu.memref_squeeze %dma_wait3A_24 : memref<1x10000xi32, #tpu.memory_space<hbm>> -> memref<10000xi32, #tpu.memory_space<hbm>>
    %dma_wait3A_26 = arith.constant 0 : i32
    %dma_wait3A_27 = tpu.memref_slice %arg3[%add3A, %dma_wait3A_26] : memref<32x10000xi32, #tpu.memory_space<hbm>> -> memref<1x10000xi32, #tpu.memory_space<hbm>>
    %dma_wait3A_28 = tpu.memref_squeeze %dma_wait3A_27 : memref<1x10000xi32, #tpu.memory_space<hbm>> -> memref<10000xi32, #tpu.memory_space<hbm>>
    tpu.wait_dma2 semaphore(%arg14 : memref<!tpu.dma_semaphore, #tpu.memory_space<semaphore_mem>>) src(%dma_wait3A_28 : memref<10000xi32, #tpu.memory_space<hbm>>) dst(%arg7 : memref<10000xi32, #tpu.memory_space<vmem>>)
    %dma_wait3A_29 = arith.constant 0 : i32
    %dma_wait3A_30 = arith.constant 0 : i32
    %dma_wait3A_31 = tpu.memref_slice %arg4[%add3A, %dma_wait3A_29, %dma_wait3A_30] : memref<32x63x80xi32, #tpu.memory_space<hbm>> -> memref<1x63x80xi32, #tpu.memory_space<hbm>>
    %dma_wait3A_32 = tpu.memref_squeeze %dma_wait3A_31 : memref<1x63x80xi32, #tpu.memory_space<hbm>> -> memref<63x80xi32, #tpu.memory_space<hbm>>
    %dma_wait3A_33 = arith.constant 0 : i32
    %dma_wait3A_34 = arith.constant 0 : i32
    %dma_wait3A_35 = tpu.memref_slice %arg4[%add3A, %dma_wait3A_33, %dma_wait3A_34] : memref<32x63x80xi32, #tpu.memory_space<hbm>> -> memref<1x63x80xi32, #tpu.memory_space<hbm>>
    %dma_wait3A_36 = tpu.memref_squeeze %dma_wait3A_35 : memref<1x63x80xi32, #tpu.memory_space<hbm>> -> memref<63x80xi32, #tpu.memory_space<hbm>>
    tpu.wait_dma2 semaphore(%arg15 : memref<!tpu.dma_semaphore, #tpu.memory_space<semaphore_mem>>) src(%dma_wait3A_36 : memref<63x80xi32, #tpu.memory_space<hbm>>) dst(%arg8 : memref<63x80xi32, #tpu.memory_space<vmem>>)
    %barrier3A = arith.constant 0 : index
    tpu.barrier barrier_id(%barrier3A)
    %dma_start3A_37 = arith.constant 0 : i32
    %dma_start3A_38 = arith.constant 0 : i32
    %dma_start3A_39 = arith.constant 0 : i32
    %dma_start3A_40 = tpu.memref_slice %arg9[%dma_start3A_37, %dma_start3A_38, %dma_start3A_39] : memref<3x80x128xf32, #tpu.memory_space<vmem>> -> memref<1x80x128xf32, #tpu.memory_space<vmem>>
    %dma_start3A_41 = tpu.memref_squeeze %dma_start3A_40 : memref<1x80x128xf32, #tpu.memory_space<vmem>> -> memref<80x128xf32, #tpu.memory_space<vmem>>
    %dma_start3A_42 = arith.constant 0 : i32
    %dma_start3A_43 = tpu.memref_slice %arg7[%dma_start3A_42] : memref<10000xi32, #tpu.memory_space<vmem>> -> memref<80xi32, #tpu.memory_space<vmem>>
    %dma_start3A_44 = arith.constant 0 : i32
    %dma_start3A_45 = arith.constant 0 : i32
    %dma_start3A_46 = tpu.memref_slice %arg2[%dma_start3A_44, %dma_start3A_45] : memref<10000x128xf32, #tpu.memory_space<hbm>> -> memref<10000x128xf32, #tpu.memory_space<hbm>>
    tpu.enqueue_indirect_dma source(%dma_start3A_46 : memref<10000x128xf32, #tpu.memory_space<hbm>>) target(%dma_start3A_41 : memref<80x128xf32, #tpu.memory_space<vmem>>) offsets(%dma_start3A_43 : memref<80xi32, #tpu.memory_space<vmem>>) semaphore(%arg11 : memref<!tpu.dma_semaphore, #tpu.memory_space<semaphore_mem>>)
    %dma_start3A_47 = arith.constant 1 : i32
    %dma_start3A_48 = arith.constant 0 : i32
    %dma_start3A_49 = arith.constant 0 : i32
    %dma_start3A_50 = tpu.memref_slice %arg9[%dma_start3A_47, %dma_start3A_48, %dma_start3A_49] : memref<3x80x128xf32, #tpu.memory_space<vmem>> -> memref<1x80x128xf32, #tpu.memory_space<vmem>>
    %dma_start3A_51 = tpu.memref_squeeze %dma_start3A_50 : memref<1x80x128xf32, #tpu.memory_space<vmem>> -> memref<80x128xf32, #tpu.memory_space<vmem>>
    %dma_start3A_52 = arith.constant 80 : i32
    %dma_start3A_53 = tpu.memref_slice %arg7[%dma_start3A_52] : memref<10000xi32, #tpu.memory_space<vmem>> -> memref<80xi32, #tpu.memory_space<vmem>>
    %dma_start3A_54 = arith.constant 0 : i32
    %dma_start3A_55 = arith.constant 0 : i32
    %dma_start3A_56 = tpu.memref_slice %arg2[%dma_start3A_54, %dma_start3A_55] : memref<10000x128xf32, #tpu.memory_space<hbm>> -> memref<10000x128xf32, #tpu.memory_space<hbm>>
    tpu.enqueue_indirect_dma source(%dma_start3A_56 : memref<10000x128xf32, #tpu.memory_space<hbm>>) target(%dma_start3A_51 : memref<80x128xf32, #tpu.memory_space<vmem>>) offsets(%dma_start3A_53 : memref<80xi32, #tpu.memory_space<vmem>>) semaphore(%arg12 : memref<!tpu.dma_semaphore, #tpu.memory_space<semaphore_mem>>)
    %dma_start3A_57 = arith.constant 2 : i32
    %dma_start3A_58 = arith.constant 0 : i32
    %dma_start3A_59 = arith.constant 0 : i32
    %dma_start3A_60 = tpu.memref_slice %arg9[%dma_start3A_57, %dma_start3A_58, %dma_start3A_59] : memref<3x80x128xf32, #tpu.memory_space<vmem>> -> memref<1x80x128xf32, #tpu.memory_space<vmem>>
    %dma_start3A_61 = tpu.memref_squeeze %dma_start3A_60 : memref<1x80x128xf32, #tpu.memory_space<vmem>> -> memref<80x128xf32, #tpu.memory_space<vmem>>
    %dma_start3A_62 = arith.constant 160 : i32
    %dma_start3A_63 = tpu.memref_slice %arg7[%dma_start3A_62] : memref<10000xi32, #tpu.memory_space<vmem>> -> memref<80xi32, #tpu.memory_space<vmem>>
    %dma_start3A_64 = arith.constant 0 : i32
    %dma_start3A_65 = arith.constant 0 : i32
    %dma_start3A_66 = tpu.memref_slice %arg2[%dma_start3A_64, %dma_start3A_65] : memref<10000x128xf32, #tpu.memory_space<hbm>> -> memref<10000x128xf32, #tpu.memory_space<hbm>>
    tpu.enqueue_indirect_dma source(%dma_start3A_66 : memref<10000x128xf32, #tpu.memory_space<hbm>>) target(%dma_start3A_61 : memref<80x128xf32, #tpu.memory_space<vmem>>) offsets(%dma_start3A_63 : memref<80xi32, #tpu.memory_space<vmem>>) semaphore(%arg13 : memref<!tpu.dma_semaphore, #tpu.memory_space<semaphore_mem>>)
    %scan3A_67 = arith.constant 0 : i32
    %scan3A_68 = arith.constant 1 : i32
    %scan3A_69 = arith.constant 2 : i32
    %scan3A_70 = arith.constant 0 : i32
    %scan3A_71 = arith.constant 21 : i32
    %scan3A_72 = arith.addi %scan3A_70, %scan3A_71 : i32
    %scan3A_73 = arith.constant 1 : i32
    scf.for %scan3A_119 = %scan3A_70 to %scan3A_72 step %scan3A_73  : i32 {
      %mul3A_120 = arith.constant 3 : i32
      %mul3A_121 = arith.muli %scan3A_119, %mul3A_120 : i32
      %add3A_122 = arith.constant 0 : i32
      %add3A_123 = arith.addi %add3A_122, %mul3A_121 : i32
      %add3A_124 = arith.constant 0 : i32
      %add3A_125 = arith.addi %add3A_123, %add3A_124 : i32
      %lt3A = arith.constant 63 : i32
      %lt3A_126 = arith.cmpi slt, %add3A_125, %lt3A : i32
      %convert_element_type3A = arith.extui %lt3A_126 : i1 to i32
      %cond3A = arith.constant 0 : i32
      %cond3A_127 = arith.cmpi ne, %convert_element_type3A, %cond3A : i32
      scf.if %cond3A_127 {
        %add3A_142 = arith.constant 0 : i32
        %add3A_143 = arith.addi %add3A_123, %add3A_142 : i32
        %add3A_144 = arith.constant 0 : i32
        %add3A_145 = arith.addi %add3A_144, %add3A_143 : i32
        %mul3A_146 = arith.constant 80 : i32
        %mul3A_147 = arith.muli %add3A_145, %mul3A_146 : i32
        %dma_wait3A_148 = arith.constant 0 : i32
        %dma_wait3A_149 = arith.constant 0 : i32
        %dma_wait3A_150 = tpu.memref_slice %arg9[%scan3A_67, %dma_wait3A_148, %dma_wait3A_149] : memref<3x80x128xf32, #tpu.memory_space<vmem>> -> memref<1x80x128xf32, #tpu.memory_space<vmem>>
        %dma_wait3A_151 = tpu.memref_squeeze %dma_wait3A_150 : memref<1x80x128xf32, #tpu.memory_space<vmem>> -> memref<80x128xf32, #tpu.memory_space<vmem>>
        %dma_wait3A_152 = tpu.memref_slice %arg7[%mul3A_147] : memref<10000xi32, #tpu.memory_space<vmem>> -> memref<80xi32, #tpu.memory_space<vmem>>
        %dma_wait3A_153 = arith.constant 0 : i32
        %dma_wait3A_154 = arith.constant 0 : i32
        %dma_wait3A_155 = tpu.memref_slice %arg2[%dma_wait3A_153, %dma_wait3A_154] : memref<10000x128xf32, #tpu.memory_space<hbm>> -> memref<10000x128xf32, #tpu.memory_space<hbm>>
        tpu.wait_indirect_dma semaphore(%arg11 : memref<!tpu.dma_semaphore, #tpu.memory_space<semaphore_mem>>) src(%dma_wait3A_155 : memref<10000x128xf32, #tpu.memory_space<hbm>>) dst(%dma_wait3A_151 : memref<80x128xf32, #tpu.memory_space<vmem>>)
        %add3A_156 = arith.constant 0 : i32
        %add3A_157 = arith.addi %add3A_123, %add3A_156 : i32
        "tpu.region"() ({
          %run_scoped3A = tpu.sem_alloc : memref<!tpu.dma_semaphore, #tpu.memory_space<semaphore_mem>>
          %dma_start3A_167 = arith.constant 0 : i32
          %dma_start3A_168 = arith.constant 0 : i32
          %dma_start3A_169 = tpu.memref_slice %arg9[%scan3A_67, %dma_start3A_167, %dma_start3A_168] : memref<3x80x128xf32, #tpu.memory_space<vmem>> -> memref<1x80x128xf32, #tpu.memory_space<vmem>>
          %dma_start3A_170 = tpu.memref_squeeze %dma_start3A_169 : memref<1x80x128xf32, #tpu.memory_space<vmem>> -> memref<80x128xf32, #tpu.memory_space<vmem>>
          %dma_start3A_171 = arith.constant 0 : i32
          %dma_start3A_172 = tpu.memref_slice %arg8[%add3A_157, %dma_start3A_171] : memref<63x80xi32, #tpu.memory_space<vmem>> -> memref<1x80xi32, #tpu.memory_space<vmem>>
          %dma_start3A_173 = tpu.memref_squeeze %dma_start3A_172 : memref<1x80xi32, #tpu.memory_space<vmem>> -> memref<80xi32, #tpu.memory_space<vmem>>
          %dma_start3A_174 = arith.constant 0 : i32
          %dma_start3A_175 = arith.constant 0 : i32
          %dma_start3A_176 = tpu.memref_slice %arg10[%dma_start3A_174, %dma_start3A_175] : memref<10000x128xf32, #tpu.memory_space<vmem_shared>> -> memref<10000x128xf32, #tpu.memory_space<vmem_shared>>
          tpu.enqueue_indirect_dma source(%dma_start3A_170 : memref<80x128xf32, #tpu.memory_space<vmem>>) target(%dma_start3A_176 : memref<10000x128xf32, #tpu.memory_space<vmem_shared>>) offsets(%dma_start3A_173 : memref<80xi32, #tpu.memory_space<vmem>>) semaphore(%run_scoped3A : memref<!tpu.dma_semaphore, #tpu.memory_space<semaphore_mem>>) {add = true}
          %dma_wait3A_177 = arith.constant 0 : i32
          %dma_wait3A_178 = arith.constant 0 : i32
          %dma_wait3A_179 = tpu.memref_slice %arg9[%scan3A_67, %dma_wait3A_177, %dma_wait3A_178] : memref<3x80x128xf32, #tpu.memory_space<vmem>> -> memref<1x80x128xf32, #tpu.memory_space<vmem>>
          %dma_wait3A_180 = tpu.memref_squeeze %dma_wait3A_179 : memref<1x80x128xf32, #tpu.memory_space<vmem>> -> memref<80x128xf32, #tpu.memory_space<vmem>>
          %dma_wait3A_181 = arith.constant 0 : i32
          %dma_wait3A_182 = tpu.memref_slice %arg8[%add3A_157, %dma_wait3A_181] : memref<63x80xi32, #tpu.memory_space<vmem>> -> memref<1x80xi32, #tpu.memory_space<vmem>>
          %dma_wait3A_183 = tpu.memref_squeeze %dma_wait3A_182 : memref<1x80xi32, #tpu.memory_space<vmem>> -> memref<80xi32, #tpu.memory_space<vmem>>
          %dma_wait3A_184 = arith.constant 0 : i32
          %dma_wait3A_185 = arith.constant 0 : i32
          %dma_wait3A_186 = tpu.memref_slice %arg10[%dma_wait3A_184, %dma_wait3A_185] : memref<10000x128xf32, #tpu.memory_space<vmem_shared>> -> memref<10000x128xf32, #tpu.memory_space<vmem_shared>>
          tpu.wait_indirect_dma semaphore(%run_scoped3A : memref<!tpu.dma_semaphore, #tpu.memory_space<semaphore_mem>>) src(%dma_wait3A_180 : memref<80x128xf32, #tpu.memory_space<vmem>>) dst(%dma_wait3A_186 : memref<10000x128xf32, #tpu.memory_space<vmem_shared>>)
          tpu.yield
        }) : () -> ()
        %add3A_158 = arith.constant 0 : i32
        %add3A_159 = arith.addi %add3A_123, %add3A_158 : i32
        %add3A_160 = arith.constant 3 : i32
        %add3A_161 = arith.addi %add3A_159, %add3A_160 : i32
        %lt3A_162 = arith.constant 63 : i32
        %lt3A_163 = arith.cmpi slt, %add3A_161, %lt3A_162 : i32
        %convert_element_type3A_164 = arith.extui %lt3A_163 : i1 to i32
        %cond3A_165 = arith.constant 0 : i32
        %cond3A_166 = arith.cmpi ne, %convert_element_type3A_164, %cond3A_165 : i32
        scf.if %cond3A_166 {
          %add3A_167 = arith.constant 0 : i32
          %add3A_168 = arith.addi %add3A_123, %add3A_167 : i32
          %add3A_169 = arith.constant 3 : i32
          %add3A_170 = arith.addi %add3A_168, %add3A_169 : i32
          %add3A_171 = arith.constant 0 : i32
          %add3A_172 = arith.addi %add3A_171, %add3A_170 : i32
          %mul3A_173 = arith.constant 80 : i32
          %mul3A_174 = arith.muli %add3A_172, %mul3A_173 : i32
          %dma_start3A_175 = arith.constant 0 : i32
          %dma_start3A_176 = arith.constant 0 : i32
          %dma_start3A_177 = tpu.memref_slice %arg9[%scan3A_67, %dma_start3A_175, %dma_start3A_176] : memref<3x80x128xf32, #tpu.memory_space<vmem>> -> memref<1x80x128xf32, #tpu.memory_space<vmem>>
          %dma_start3A_178 = tpu.memref_squeeze %dma_start3A_177 : memref<1x80x128xf32, #tpu.memory_space<vmem>> -> memref<80x128xf32, #tpu.memory_space<vmem>>
          %dma_start3A_179 = tpu.memref_slice %arg7[%mul3A_174] : memref<10000xi32, #tpu.memory_space<vmem>> -> memref<80xi32, #tpu.memory_space<vmem>>
          %dma_start3A_180 = arith.constant 0 : i32
          %dma_start3A_181 = arith.constant 0 : i32
          %dma_start3A_182 = tpu.memref_slice %arg2[%dma_start3A_180, %dma_start3A_181] : memref<10000x128xf32, #tpu.memory_space<hbm>> -> memref<10000x128xf32, #tpu.memory_space<hbm>>
          tpu.enqueue_indirect_dma source(%dma_start3A_182 : memref<10000x128xf32, #tpu.memory_space<hbm>>) target(%dma_start3A_178 : memref<80x128xf32, #tpu.memory_space<vmem>>) offsets(%dma_start3A_179 : memref<80xi32, #tpu.memory_space<vmem>>) semaphore(%arg11 : memref<!tpu.dma_semaphore, #tpu.memory_space<semaphore_mem>>)
        } else {
        }
      } else {
      }
      %add3A_128 = arith.constant 1 : i32
      %add3A_129 = arith.addi %add3A_123, %add3A_128 : i32
      %lt3A_130 = arith.constant 63 : i32
      %lt3A_131 = arith.cmpi slt, %add3A_129, %lt3A_130 : i32
      %convert_element_type3A_132 = arith.extui %lt3A_131 : i1 to i32
      %cond3A_133 = arith.constant 0 : i32
      %cond3A_134 = arith.cmpi ne, %convert_element_type3A_132, %cond3A_133 : i32
      scf.if %cond3A_134 {
        %add3A_142 = arith.constant 1 : i32
        %add3A_143 = arith.addi %add3A_123, %add3A_142 : i32
        %add3A_144 = arith.constant 0 : i32
        %add3A_145 = arith.addi %add3A_144, %add3A_143 : i32
        %mul3A_146 = arith.constant 80 : i32
        %mul3A_147 = arith.muli %add3A_145, %mul3A_146 : i32
        %dma_wait3A_148 = arith.constant 0 : i32
        %dma_wait3A_149 = arith.constant 0 : i32
        %dma_wait3A_150 = tpu.memref_slice %arg9[%scan3A_68, %dma_wait3A_148, %dma_wait3A_149] : memref<3x80x128xf32, #tpu.memory_space<vmem>> -> memref<1x80x128xf32, #tpu.memory_space<vmem>>
        %dma_wait3A_151 = tpu.memref_squeeze %dma_wait3A_150 : memref<1x80x128xf32, #tpu.memory_space<vmem>> -> memref<80x128xf32, #tpu.memory_space<vmem>>
        %dma_wait3A_152 = tpu.memref_slice %arg7[%mul3A_147] : memref<10000xi32, #tpu.memory_space<vmem>> -> memref<80xi32, #tpu.memory_space<vmem>>
        %dma_wait3A_153 = arith.constant 0 : i32
        %dma_wait3A_154 = arith.constant 0 : i32
        %dma_wait3A_155 = tpu.memref_slice %arg2[%dma_wait3A_153, %dma_wait3A_154] : memref<10000x128xf32, #tpu.memory_space<hbm>> -> memref<10000x128xf32, #tpu.memory_space<hbm>>
        tpu.wait_indirect_dma semaphore(%arg12 : memref<!tpu.dma_semaphore, #tpu.memory_space<semaphore_mem>>) src(%dma_wait3A_155 : memref<10000x128xf32, #tpu.memory_space<hbm>>) dst(%dma_wait3A_151 : memref<80x128xf32, #tpu.memory_space<vmem>>)
        %add3A_156 = arith.constant 1 : i32
        %add3A_157 = arith.addi %add3A_123, %add3A_156 : i32
        "tpu.region"() ({
          %run_scoped3A = tpu.sem_alloc : memref<!tpu.dma_semaphore, #tpu.memory_space<semaphore_mem>>
          %dma_start3A_167 = arith.constant 0 : i32
          %dma_start3A_168 = arith.constant 0 : i32
          %dma_start3A_169 = tpu.memref_slice %arg9[%scan3A_68, %dma_start3A_167, %dma_start3A_168] : memref<3x80x128xf32, #tpu.memory_space<vmem>> -> memref<1x80x128xf32, #tpu.memory_space<vmem>>
          %dma_start3A_170 = tpu.memref_squeeze %dma_start3A_169 : memref<1x80x128xf32, #tpu.memory_space<vmem>> -> memref<80x128xf32, #tpu.memory_space<vmem>>
          %dma_start3A_171 = arith.constant 0 : i32
          %dma_start3A_172 = tpu.memref_slice %arg8[%add3A_157, %dma_start3A_171] : memref<63x80xi32, #tpu.memory_space<vmem>> -> memref<1x80xi32, #tpu.memory_space<vmem>>
          %dma_start3A_173 = tpu.memref_squeeze %dma_start3A_172 : memref<1x80xi32, #tpu.memory_space<vmem>> -> memref<80xi32, #tpu.memory_space<vmem>>
          %dma_start3A_174 = arith.constant 0 : i32
          %dma_start3A_175 = arith.constant 0 : i32
          %dma_start3A_176 = tpu.memref_slice %arg10[%dma_start3A_174, %dma_start3A_175] : memref<10000x128xf32, #tpu.memory_space<vmem_shared>> -> memref<10000x128xf32, #tpu.memory_space<vmem_shared>>
          tpu.enqueue_indirect_dma source(%dma_start3A_170 : memref<80x128xf32, #tpu.memory_space<vmem>>) target(%dma_start3A_176 : memref<10000x128xf32, #tpu.memory_space<vmem_shared>>) offsets(%dma_start3A_173 : memref<80xi32, #tpu.memory_space<vmem>>) semaphore(%run_scoped3A : memref<!tpu.dma_semaphore, #tpu.memory_space<semaphore_mem>>) {add = true}
          %dma_wait3A_177 = arith.constant 0 : i32
          %dma_wait3A_178 = arith.constant 0 : i32
          %dma_wait3A_179 = tpu.memref_slice %arg9[%scan3A_68, %dma_wait3A_177, %dma_wait3A_178] : memref<3x80x128xf32, #tpu.memory_space<vmem>> -> memref<1x80x128xf32, #tpu.memory_space<vmem>>
          %dma_wait3A_180 = tpu.memref_squeeze %dma_wait3A_179 : memref<1x80x128xf32, #tpu.memory_space<vmem>> -> memref<80x128xf32, #tpu.memory_space<vmem>>
          %dma_wait3A_181 = arith.constant 0 : i32
          %dma_wait3A_182 = tpu.memref_slice %arg8[%add3A_157, %dma_wait3A_181] : memref<63x80xi32, #tpu.memory_space<vmem>> -> memref<1x80xi32, #tpu.memory_space<vmem>>
          %dma_wait3A_183 = tpu.memref_squeeze %dma_wait3A_182 : memref<1x80xi32, #tpu.memory_space<vmem>> -> memref<80xi32, #tpu.memory_space<vmem>>
          %dma_wait3A_184 = arith.constant 0 : i32
          %dma_wait3A_185 = arith.constant 0 : i32
          %dma_wait3A_186 = tpu.memref_slice %arg10[%dma_wait3A_184, %dma_wait3A_185] : memref<10000x128xf32, #tpu.memory_space<vmem_shared>> -> memref<10000x128xf32, #tpu.memory_space<vmem_shared>>
          tpu.wait_indirect_dma semaphore(%run_scoped3A : memref<!tpu.dma_semaphore, #tpu.memory_space<semaphore_mem>>) src(%dma_wait3A_180 : memref<80x128xf32, #tpu.memory_space<vmem>>) dst(%dma_wait3A_186 : memref<10000x128xf32, #tpu.memory_space<vmem_shared>>)
          tpu.yield
        }) : () -> ()
        %add3A_158 = arith.constant 1 : i32
        %add3A_159 = arith.addi %add3A_123, %add3A_158 : i32
        %add3A_160 = arith.constant 3 : i32
        %add3A_161 = arith.addi %add3A_159, %add3A_160 : i32
        %lt3A_162 = arith.constant 63 : i32
        %lt3A_163 = arith.cmpi slt, %add3A_161, %lt3A_162 : i32
        %convert_element_type3A_164 = arith.extui %lt3A_163 : i1 to i32
        %cond3A_165 = arith.constant 0 : i32
        %cond3A_166 = arith.cmpi ne, %convert_element_type3A_164, %cond3A_165 : i32
        scf.if %cond3A_166 {
          %add3A_167 = arith.constant 1 : i32
          %add3A_168 = arith.addi %add3A_123, %add3A_167 : i32
          %add3A_169 = arith.constant 3 : i32
          %add3A_170 = arith.addi %add3A_168, %add3A_169 : i32
          %add3A_171 = arith.constant 0 : i32
          %add3A_172 = arith.addi %add3A_171, %add3A_170 : i32
          %mul3A_173 = arith.constant 80 : i32
          %mul3A_174 = arith.muli %add3A_172, %mul3A_173 : i32
          %dma_start3A_175 = arith.constant 0 : i32
          %dma_start3A_176 = arith.constant 0 : i32
          %dma_start3A_177 = tpu.memref_slice %arg9[%scan3A_68, %dma_start3A_175, %dma_start3A_176] : memref<3x80x128xf32, #tpu.memory_space<vmem>> -> memref<1x80x128xf32, #tpu.memory_space<vmem>>
          %dma_start3A_178 = tpu.memref_squeeze %dma_start3A_177 : memref<1x80x128xf32, #tpu.memory_space<vmem>> -> memref<80x128xf32, #tpu.memory_space<vmem>>
          %dma_start3A_179 = tpu.memref_slice %arg7[%mul3A_174] : memref<10000xi32, #tpu.memory_space<vmem>> -> memref<80xi32, #tpu.memory_space<vmem>>
          %dma_start3A_180 = arith.constant 0 : i32
          %dma_start3A_181 = arith.constant 0 : i32
          %dma_start3A_182 = tpu.memref_slice %arg2[%dma_start3A_180, %dma_start3A_181] : memref<10000x128xf32, #tpu.memory_space<hbm>> -> memref<10000x128xf32, #tpu.memory_space<hbm>>
          tpu.enqueue_indirect_dma source(%dma_start3A_182 : memref<10000x128xf32, #tpu.memory_space<hbm>>) target(%dma_start3A_178 : memref<80x128xf32, #tpu.memory_space<vmem>>) offsets(%dma_start3A_179 : memref<80xi32, #tpu.memory_space<vmem>>) semaphore(%arg12 : memref<!tpu.dma_semaphore, #tpu.memory_space<semaphore_mem>>)
        } else {
        }
      } else {
      }
      %add3A_135 = arith.constant 2 : i32
      %add3A_136 = arith.addi %add3A_123, %add3A_135 : i32
      %lt3A_137 = arith.constant 63 : i32
      %lt3A_138 = arith.cmpi slt, %add3A_136, %lt3A_137 : i32
      %convert_element_type3A_139 = arith.extui %lt3A_138 : i1 to i32
      %cond3A_140 = arith.constant 0 : i32
      %cond3A_141 = arith.cmpi ne, %convert_element_type3A_139, %cond3A_140 : i32
      scf.if %cond3A_141 {
        %add3A_142 = arith.constant 2 : i32
        %add3A_143 = arith.addi %add3A_123, %add3A_142 : i32
        %add3A_144 = arith.constant 0 : i32
        %add3A_145 = arith.addi %add3A_144, %add3A_143 : i32
        %mul3A_146 = arith.constant 80 : i32
        %mul3A_147 = arith.muli %add3A_145, %mul3A_146 : i32
        %dma_wait3A_148 = arith.constant 0 : i32
        %dma_wait3A_149 = arith.constant 0 : i32
        %dma_wait3A_150 = tpu.memref_slice %arg9[%scan3A_69, %dma_wait3A_148, %dma_wait3A_149] : memref<3x80x128xf32, #tpu.memory_space<vmem>> -> memref<1x80x128xf32, #tpu.memory_space<vmem>>
        %dma_wait3A_151 = tpu.memref_squeeze %dma_wait3A_150 : memref<1x80x128xf32, #tpu.memory_space<vmem>> -> memref<80x128xf32, #tpu.memory_space<vmem>>
        %dma_wait3A_152 = tpu.memref_slice %arg7[%mul3A_147] : memref<10000xi32, #tpu.memory_space<vmem>> -> memref<80xi32, #tpu.memory_space<vmem>>
        %dma_wait3A_153 = arith.constant 0 : i32
        %dma_wait3A_154 = arith.constant 0 : i32
        %dma_wait3A_155 = tpu.memref_slice %arg2[%dma_wait3A_153, %dma_wait3A_154] : memref<10000x128xf32, #tpu.memory_space<hbm>> -> memref<10000x128xf32, #tpu.memory_space<hbm>>
        tpu.wait_indirect_dma semaphore(%arg13 : memref<!tpu.dma_semaphore, #tpu.memory_space<semaphore_mem>>) src(%dma_wait3A_155 : memref<10000x128xf32, #tpu.memory_space<hbm>>) dst(%dma_wait3A_151 : memref<80x128xf32, #tpu.memory_space<vmem>>)
        %add3A_156 = arith.constant 2 : i32
        %add3A_157 = arith.addi %add3A_123, %add3A_156 : i32
        "tpu.region"() ({
          %run_scoped3A = tpu.sem_alloc : memref<!tpu.dma_semaphore, #tpu.memory_space<semaphore_mem>>
          %dma_start3A_167 = arith.constant 0 : i32
          %dma_start3A_168 = arith.constant 0 : i32
          %dma_start3A_169 = tpu.memref_slice %arg9[%scan3A_69, %dma_start3A_167, %dma_start3A_168] : memref<3x80x128xf32, #tpu.memory_space<vmem>> -> memref<1x80x128xf32, #tpu.memory_space<vmem>>
          %dma_start3A_170 = tpu.memref_squeeze %dma_start3A_169 : memref<1x80x128xf32, #tpu.memory_space<vmem>> -> memref<80x128xf32, #tpu.memory_space<vmem>>
          %dma_start3A_171 = arith.constant 0 : i32
          %dma_start3A_172 = tpu.memref_slice %arg8[%add3A_157, %dma_start3A_171] : memref<63x80xi32, #tpu.memory_space<vmem>> -> memref<1x80xi32, #tpu.memory_space<vmem>>
          %dma_start3A_173 = tpu.memref_squeeze %dma_start3A_172 : memref<1x80xi32, #tpu.memory_space<vmem>> -> memref<80xi32, #tpu.memory_space<vmem>>
          %dma_start3A_174 = arith.constant 0 : i32
          %dma_start3A_175 = arith.constant 0 : i32
          %dma_start3A_176 = tpu.memref_slice %arg10[%dma_start3A_174, %dma_start3A_175] : memref<10000x128xf32, #tpu.memory_space<vmem_shared>> -> memref<10000x128xf32, #tpu.memory_space<vmem_shared>>
          tpu.enqueue_indirect_dma source(%dma_start3A_170 : memref<80x128xf32, #tpu.memory_space<vmem>>) target(%dma_start3A_176 : memref<10000x128xf32, #tpu.memory_space<vmem_shared>>) offsets(%dma_start3A_173 : memref<80xi32, #tpu.memory_space<vmem>>) semaphore(%run_scoped3A : memref<!tpu.dma_semaphore, #tpu.memory_space<semaphore_mem>>) {add = true}
          %dma_wait3A_177 = arith.constant 0 : i32
          %dma_wait3A_178 = arith.constant 0 : i32
          %dma_wait3A_179 = tpu.memref_slice %arg9[%scan3A_69, %dma_wait3A_177, %dma_wait3A_178] : memref<3x80x128xf32, #tpu.memory_space<vmem>> -> memref<1x80x128xf32, #tpu.memory_space<vmem>>
          %dma_wait3A_180 = tpu.memref_squeeze %dma_wait3A_179 : memref<1x80x128xf32, #tpu.memory_space<vmem>> -> memref<80x128xf32, #tpu.memory_space<vmem>>
          %dma_wait3A_181 = arith.constant 0 : i32
          %dma_wait3A_182 = tpu.memref_slice %arg8[%add3A_157, %dma_wait3A_181] : memref<63x80xi32, #tpu.memory_space<vmem>> -> memref<1x80xi32, #tpu.memory_space<vmem>>
          %dma_wait3A_183 = tpu.memref_squeeze %dma_wait3A_182 : memref<1x80xi32, #tpu.memory_space<vmem>> -> memref<80xi32, #tpu.memory_space<vmem>>
          %dma_wait3A_184 = arith.constant 0 : i32
          %dma_wait3A_185 = arith.constant 0 : i32
          %dma_wait3A_186 = tpu.memref_slice %arg10[%dma_wait3A_184, %dma_wait3A_185] : memref<10000x128xf32, #tpu.memory_space<vmem_shared>> -> memref<10000x128xf32, #tpu.memory_space<vmem_shared>>
          tpu.wait_indirect_dma semaphore(%run_scoped3A : memref<!tpu.dma_semaphore, #tpu.memory_space<semaphore_mem>>) src(%dma_wait3A_180 : memref<80x128xf32, #tpu.memory_space<vmem>>) dst(%dma_wait3A_186 : memref<10000x128xf32, #tpu.memory_space<vmem_shared>>)
          tpu.yield
        }) : () -> ()
        %add3A_158 = arith.constant 2 : i32
        %add3A_159 = arith.addi %add3A_123, %add3A_158 : i32
        %add3A_160 = arith.constant 3 : i32
        %add3A_161 = arith.addi %add3A_159, %add3A_160 : i32
        %lt3A_162 = arith.constant 63 : i32
        %lt3A_163 = arith.cmpi slt, %add3A_161, %lt3A_162 : i32
        %convert_element_type3A_164 = arith.extui %lt3A_163 : i1 to i32
        %cond3A_165 = arith.constant 0 : i32
        %cond3A_166 = arith.cmpi ne, %convert_element_type3A_164, %cond3A_165 : i32
        scf.if %cond3A_166 {
          %add3A_167 = arith.constant 2 : i32
          %add3A_168 = arith.addi %add3A_123, %add3A_167 : i32
          %add3A_169 = arith.constant 3 : i32
          %add3A_170 = arith.addi %add3A_168, %add3A_169 : i32
          %add3A_171 = arith.constant 0 : i32
          %add3A_172 = arith.addi %add3A_171, %add3A_170 : i32
          %mul3A_173 = arith.constant 80 : i32
          %mul3A_174 = arith.muli %add3A_172, %mul3A_173 : i32
          %dma_start3A_175 = arith.constant 0 : i32
          %dma_start3A_176 = arith.constant 0 : i32
          %dma_start3A_177 = tpu.memref_slice %arg9[%scan3A_69, %dma_start3A_175, %dma_start3A_176] : memref<3x80x128xf32, #tpu.memory_space<vmem>> -> memref<1x80x128xf32, #tpu.memory_space<vmem>>
          %dma_start3A_178 = tpu.memref_squeeze %dma_start3A_177 : memref<1x80x128xf32, #tpu.memory_space<vmem>> -> memref<80x128xf32, #tpu.memory_space<vmem>>
          %dma_start3A_179 = tpu.memref_slice %arg7[%mul3A_174] : memref<10000xi32, #tpu.memory_space<vmem>> -> memref<80xi32, #tpu.memory_space<vmem>>
          %dma_start3A_180 = arith.constant 0 : i32
          %dma_start3A_181 = arith.constant 0 : i32
          %dma_start3A_182 = tpu.memref_slice %arg2[%dma_start3A_180, %dma_start3A_181] : memref<10000x128xf32, #tpu.memory_space<hbm>> -> memref<10000x128xf32, #tpu.memory_space<hbm>>
          tpu.enqueue_indirect_dma source(%dma_start3A_182 : memref<10000x128xf32, #tpu.memory_space<hbm>>) target(%dma_start3A_178 : memref<80x128xf32, #tpu.memory_space<vmem>>) offsets(%dma_start3A_179 : memref<80xi32, #tpu.memory_space<vmem>>) semaphore(%arg13 : memref<!tpu.dma_semaphore, #tpu.memory_space<semaphore_mem>>)
        } else {
        }
      } else {
      }
    }
    %scan3A_74 = arith.constant 21 : i32
    "tpu.region"() ({
      %run_scoped3A = tpu.sem_alloc : memref<!tpu.dma_semaphore, #tpu.memory_space<semaphore_mem>>
      %dma_start3A_119 = arith.constant 0 : i32
      %dma_start3A_120 = arith.constant 0 : i32
      %dma_start3A_121 = tpu.memref_slice %arg8[%dma_start3A_119, %dma_start3A_120] : memref<63x80xi32, #tpu.memory_space<vmem>> -> memref<62x80xi32, #tpu.memory_space<vmem>>
      %dma_start3A_122 = arith.constant 0 : i32
      %dma_start3A_123 = arith.constant 0 : i32
      %dma_start3A_124 = tpu.memref_slice %arg5[%add3A, %dma_start3A_122, %dma_start3A_123] : memref<32x62x80xi32, #tpu.memory_space<hbm>> -> memref<1x62x80xi32, #tpu.memory_space<hbm>>
      %dma_start3A_125 = tpu.memref_squeeze %dma_start3A_124 : memref<1x62x80xi32, #tpu.memory_space<hbm>> -> memref<62x80xi32, #tpu.memory_space<hbm>>
      %dma_start3A_126 = arith.constant 0 : i32
      %dma_start3A_127 = arith.constant 0 : i32
      %dma_start3A_128 = tpu.memref_slice %arg8[%dma_start3A_126, %dma_start3A_127] : memref<63x80xi32, #tpu.memory_space<vmem>> -> memref<62x80xi32, #tpu.memory_space<vmem>>
      %dma_start3A_129 = arith.constant 0 : i32
      %dma_start3A_130 = arith.constant 0 : i32
      %dma_start3A_131 = tpu.memref_slice %arg5[%add3A, %dma_start3A_129, %dma_start3A_130] : memref<32x62x80xi32, #tpu.memory_space<hbm>> -> memref<1x62x80xi32, #tpu.memory_space<hbm>>
      %dma_start3A_132 = tpu.memref_squeeze %dma_start3A_131 : memref<1x62x80xi32, #tpu.memory_space<hbm>> -> memref<62x80xi32, #tpu.memory_space<hbm>>
      tpu.enqueue_dma source(%dma_start3A_132 : memref<62x80xi32, #tpu.memory_space<hbm>>) target(%dma_start3A_128 : memref<62x80xi32, #tpu.memory_space<vmem>>) target_semaphore(%run_scoped3A : memref<!tpu.dma_semaphore, #tpu.memory_space<semaphore_mem>>)
      %dma_wait3A_133 = arith.constant 0 : i32
      %dma_wait3A_134 = arith.constant 0 : i32
      %dma_wait3A_135 = tpu.memref_slice %arg8[%dma_wait3A_133, %dma_wait3A_134] : memref<63x80xi32, #tpu.memory_space<vmem>> -> memref<62x80xi32, #tpu.memory_space<vmem>>
      %dma_wait3A_136 = arith.constant 0 : i32
      %dma_wait3A_137 = arith.constant 0 : i32
      %dma_wait3A_138 = tpu.memref_slice %arg5[%add3A, %dma_wait3A_136, %dma_wait3A_137] : memref<32x62x80xi32, #tpu.memory_space<hbm>> -> memref<1x62x80xi32, #tpu.memory_space<hbm>>
      %dma_wait3A_139 = tpu.memref_squeeze %dma_wait3A_138 : memref<1x62x80xi32, #tpu.memory_space<hbm>> -> memref<62x80xi32, #tpu.memory_space<hbm>>
      %dma_wait3A_140 = arith.constant 0 : i32
      %dma_wait3A_141 = arith.constant 0 : i32
      %dma_wait3A_142 = tpu.memref_slice %arg8[%dma_wait3A_140, %dma_wait3A_141] : memref<63x80xi32, #tpu.memory_space<vmem>> -> memref<62x80xi32, #tpu.memory_space<vmem>>
      %dma_wait3A_143 = arith.constant 0 : i32
      %dma_wait3A_144 = arith.constant 0 : i32
      %dma_wait3A_145 = tpu.memref_slice %arg5[%add3A, %dma_wait3A_143, %dma_wait3A_144] : memref<32x62x80xi32, #tpu.memory_space<hbm>> -> memref<1x62x80xi32, #tpu.memory_space<hbm>>
      %dma_wait3A_146 = tpu.memref_squeeze %dma_wait3A_145 : memref<1x62x80xi32, #tpu.memory_space<hbm>> -> memref<62x80xi32, #tpu.memory_space<hbm>>
      tpu.wait_dma2 semaphore(%run_scoped3A : memref<!tpu.dma_semaphore, #tpu.memory_space<semaphore_mem>>) src(%dma_wait3A_146 : memref<62x80xi32, #tpu.memory_space<hbm>>) dst(%dma_wait3A_142 : memref<62x80xi32, #tpu.memory_space<vmem>>)
      tpu.yield
    }) : () -> ()
    %dma_start3A_75 = arith.constant 0 : i32
    %dma_start3A_76 = arith.constant 0 : i32
    %dma_start3A_77 = arith.constant 0 : i32
    %dma_start3A_78 = tpu.memref_slice %arg9[%dma_start3A_75, %dma_start3A_76, %dma_start3A_77] : memref<3x80x128xf32, #tpu.memory_space<vmem>> -> memref<1x80x128xf32, #tpu.memory_space<vmem>>
    %dma_start3A_79 = tpu.memref_squeeze %dma_start3A_78 : memref<1x80x128xf32, #tpu.memory_space<vmem>> -> memref<80x128xf32, #tpu.memory_space<vmem>>
    %dma_start3A_80 = arith.constant 5040 : i32
    %dma_start3A_81 = tpu.memref_slice %arg7[%dma_start3A_80] : memref<10000xi32, #tpu.memory_space<vmem>> -> memref<80xi32, #tpu.memory_space<vmem>>
    %dma_start3A_82 = arith.constant 0 : i32
    %dma_start3A_83 = arith.constant 0 : i32
    %dma_start3A_84 = tpu.memref_slice %arg2[%dma_start3A_82, %dma_start3A_83] : memref<10000x128xf32, #tpu.memory_space<hbm>> -> memref<10000x128xf32, #tpu.memory_space<hbm>>
    tpu.enqueue_indirect_dma source(%dma_start3A_84 : memref<10000x128xf32, #tpu.memory_space<hbm>>) target(%dma_start3A_79 : memref<80x128xf32, #tpu.memory_space<vmem>>) offsets(%dma_start3A_81 : memref<80xi32, #tpu.memory_space<vmem>>) semaphore(%arg11 : memref<!tpu.dma_semaphore, #tpu.memory_space<semaphore_mem>>)
    %dma_start3A_85 = arith.constant 1 : i32
    %dma_start3A_86 = arith.constant 0 : i32
    %dma_start3A_87 = arith.constant 0 : i32
    %dma_start3A_88 = tpu.memref_slice %arg9[%dma_start3A_85, %dma_start3A_86, %dma_start3A_87] : memref<3x80x128xf32, #tpu.memory_space<vmem>> -> memref<1x80x128xf32, #tpu.memory_space<vmem>>
    %dma_start3A_89 = tpu.memref_squeeze %dma_start3A_88 : memref<1x80x128xf32, #tpu.memory_space<vmem>> -> memref<80x128xf32, #tpu.memory_space<vmem>>
    %dma_start3A_90 = arith.constant 5120 : i32
    %dma_start3A_91 = tpu.memref_slice %arg7[%dma_start3A_90] : memref<10000xi32, #tpu.memory_space<vmem>> -> memref<80xi32, #tpu.memory_space<vmem>>
    %dma_start3A_92 = arith.constant 0 : i32
    %dma_start3A_93 = arith.constant 0 : i32
    %dma_start3A_94 = tpu.memref_slice %arg2[%dma_start3A_92, %dma_start3A_93] : memref<10000x128xf32, #tpu.memory_space<hbm>> -> memref<10000x128xf32, #tpu.memory_space<hbm>>
    tpu.enqueue_indirect_dma source(%dma_start3A_94 : memref<10000x128xf32, #tpu.memory_space<hbm>>) target(%dma_start3A_89 : memref<80x128xf32, #tpu.memory_space<vmem>>) offsets(%dma_start3A_91 : memref<80xi32, #tpu.memory_space<vmem>>) semaphore(%arg12 : memref<!tpu.dma_semaphore, #tpu.memory_space<semaphore_mem>>)
    %dma_start3A_95 = arith.constant 2 : i32
    %dma_start3A_96 = arith.constant 0 : i32
    %dma_start3A_97 = arith.constant 0 : i32
    %dma_start3A_98 = tpu.memref_slice %arg9[%dma_start3A_95, %dma_start3A_96, %dma_start3A_97] : memref<3x80x128xf32, #tpu.memory_space<vmem>> -> memref<1x80x128xf32, #tpu.memory_space<vmem>>
    %dma_start3A_99 = tpu.memref_squeeze %dma_start3A_98 : memref<1x80x128xf32, #tpu.memory_space<vmem>> -> memref<80x128xf32, #tpu.memory_space<vmem>>
    %dma_start3A_100 = arith.constant 5200 : i32
    %dma_start3A_101 = tpu.memref_slice %arg7[%dma_start3A_100] : memref<10000xi32, #tpu.memory_space<vmem>> -> memref<80xi32, #tpu.memory_space<vmem>>
    %dma_start3A_102 = arith.constant 0 : i32
    %dma_start3A_103 = arith.constant 0 : i32
    %dma_start3A_104 = tpu.memref_slice %arg2[%dma_start3A_102, %dma_start3A_103] : memref<10000x128xf32, #tpu.memory_space<hbm>> -> memref<10000x128xf32, #tpu.memory_space<hbm>>
    tpu.enqueue_indirect_dma source(%dma_start3A_104 : memref<10000x128xf32, #tpu.memory_space<hbm>>) target(%dma_start3A_99 : memref<80x128xf32, #tpu.memory_space<vmem>>) offsets(%dma_start3A_101 : memref<80xi32, #tpu.memory_space<vmem>>) semaphore(%arg13 : memref<!tpu.dma_semaphore, #tpu.memory_space<semaphore_mem>>)
    %scan3A_105 = arith.constant 0 : i32
    %scan3A_106 = arith.constant 1 : i32
    %scan3A_107 = arith.constant 2 : i32
    %scan3A_108 = arith.constant 0 : i32
    %scan3A_109 = arith.constant 21 : i32
    %scan3A_110 = arith.addi %scan3A_108, %scan3A_109 : i32
    %scan3A_111 = arith.constant 1 : i32
    scf.for %scan3A_119 = %scan3A_108 to %scan3A_110 step %scan3A_111  : i32 {
      %mul3A_120 = arith.constant 3 : i32
      %mul3A_121 = arith.muli %scan3A_119, %mul3A_120 : i32
      %add3A_122 = arith.constant 0 : i32
      %add3A_123 = arith.addi %add3A_122, %mul3A_121 : i32
      %add3A_124 = arith.constant 0 : i32
      %add3A_125 = arith.addi %add3A_123, %add3A_124 : i32
      %lt3A = arith.constant 62 : i32
      %lt3A_126 = arith.cmpi slt, %add3A_125, %lt3A : i32
      %convert_element_type3A = arith.extui %lt3A_126 : i1 to i32
      %cond3A = arith.constant 0 : i32
      %cond3A_127 = arith.cmpi ne, %convert_element_type3A, %cond3A : i32
      scf.if %cond3A_127 {
        %add3A_142 = arith.constant 0 : i32
        %add3A_143 = arith.addi %add3A_123, %add3A_142 : i32
        %add3A_144 = arith.constant 63 : i32
        %add3A_145 = arith.addi %add3A_144, %add3A_143 : i32
        %mul3A_146 = arith.constant 80 : i32
        %mul3A_147 = arith.muli %add3A_145, %mul3A_146 : i32
        %dma_wait3A_148 = arith.constant 0 : i32
        %dma_wait3A_149 = arith.constant 0 : i32
        %dma_wait3A_150 = tpu.memref_slice %arg9[%scan3A_105, %dma_wait3A_148, %dma_wait3A_149] : memref<3x80x128xf32, #tpu.memory_space<vmem>> -> memref<1x80x128xf32, #tpu.memory_space<vmem>>
        %dma_wait3A_151 = tpu.memref_squeeze %dma_wait3A_150 : memref<1x80x128xf32, #tpu.memory_space<vmem>> -> memref<80x128xf32, #tpu.memory_space<vmem>>
        %dma_wait3A_152 = tpu.memref_slice %arg7[%mul3A_147] : memref<10000xi32, #tpu.memory_space<vmem>> -> memref<80xi32, #tpu.memory_space<vmem>>
        %dma_wait3A_153 = arith.constant 0 : i32
        %dma_wait3A_154 = arith.constant 0 : i32
        %dma_wait3A_155 = tpu.memref_slice %arg2[%dma_wait3A_153, %dma_wait3A_154] : memref<10000x128xf32, #tpu.memory_space<hbm>> -> memref<10000x128xf32, #tpu.memory_space<hbm>>
        tpu.wait_indirect_dma semaphore(%arg11 : memref<!tpu.dma_semaphore, #tpu.memory_space<semaphore_mem>>) src(%dma_wait3A_155 : memref<10000x128xf32, #tpu.memory_space<hbm>>) dst(%dma_wait3A_151 : memref<80x128xf32, #tpu.memory_space<vmem>>)
        %add3A_156 = arith.constant 0 : i32
        %add3A_157 = arith.addi %add3A_123, %add3A_156 : i32
        "tpu.region"() ({
          %run_scoped3A = tpu.sem_alloc : memref<!tpu.dma_semaphore, #tpu.memory_space<semaphore_mem>>
          %dma_start3A_167 = arith.constant 0 : i32
          %dma_start3A_168 = arith.constant 0 : i32
          %dma_start3A_169 = tpu.memref_slice %arg9[%scan3A_105, %dma_start3A_167, %dma_start3A_168] : memref<3x80x128xf32, #tpu.memory_space<vmem>> -> memref<1x80x128xf32, #tpu.memory_space<vmem>>
          %dma_start3A_170 = tpu.memref_squeeze %dma_start3A_169 : memref<1x80x128xf32, #tpu.memory_space<vmem>> -> memref<80x128xf32, #tpu.memory_space<vmem>>
          %dma_start3A_171 = arith.constant 0 : i32
          %dma_start3A_172 = tpu.memref_slice %arg8[%add3A_157, %dma_start3A_171] : memref<63x80xi32, #tpu.memory_space<vmem>> -> memref<1x80xi32, #tpu.memory_space<vmem>>
          %dma_start3A_173 = tpu.memref_squeeze %dma_start3A_172 : memref<1x80xi32, #tpu.memory_space<vmem>> -> memref<80xi32, #tpu.memory_space<vmem>>
          %dma_start3A_174 = arith.constant 0 : i32
          %dma_start3A_175 = arith.constant 0 : i32
          %dma_start3A_176 = tpu.memref_slice %arg10[%dma_start3A_174, %dma_start3A_175] : memref<10000x128xf32, #tpu.memory_space<vmem_shared>> -> memref<10000x128xf32, #tpu.memory_space<vmem_shared>>
          tpu.enqueue_indirect_dma source(%dma_start3A_170 : memref<80x128xf32, #tpu.memory_space<vmem>>) target(%dma_start3A_176 : memref<10000x128xf32, #tpu.memory_space<vmem_shared>>) offsets(%dma_start3A_173 : memref<80xi32, #tpu.memory_space<vmem>>) semaphore(%run_scoped3A : memref<!tpu.dma_semaphore, #tpu.memory_space<semaphore_mem>>) {add = true}
          %dma_wait3A_177 = arith.constant 0 : i32
          %dma_wait3A_178 = arith.constant 0 : i32
          %dma_wait3A_179 = tpu.memref_slice %arg9[%scan3A_105, %dma_wait3A_177, %dma_wait3A_178] : memref<3x80x128xf32, #tpu.memory_space<vmem>> -> memref<1x80x128xf32, #tpu.memory_space<vmem>>
          %dma_wait3A_180 = tpu.memref_squeeze %dma_wait3A_179 : memref<1x80x128xf32, #tpu.memory_space<vmem>> -> memref<80x128xf32, #tpu.memory_space<vmem>>
          %dma_wait3A_181 = arith.constant 0 : i32
          %dma_wait3A_182 = tpu.memref_slice %arg8[%add3A_157, %dma_wait3A_181] : memref<63x80xi32, #tpu.memory_space<vmem>> -> memref<1x80xi32, #tpu.memory_space<vmem>>
          %dma_wait3A_183 = tpu.memref_squeeze %dma_wait3A_182 : memref<1x80xi32, #tpu.memory_space<vmem>> -> memref<80xi32, #tpu.memory_space<vmem>>
          %dma_wait3A_184 = arith.constant 0 : i32
          %dma_wait3A_185 = arith.constant 0 : i32
          %dma_wait3A_186 = tpu.memref_slice %arg10[%dma_wait3A_184, %dma_wait3A_185] : memref<10000x128xf32, #tpu.memory_space<vmem_shared>> -> memref<10000x128xf32, #tpu.memory_space<vmem_shared>>
          tpu.wait_indirect_dma semaphore(%run_scoped3A : memref<!tpu.dma_semaphore, #tpu.memory_space<semaphore_mem>>) src(%dma_wait3A_180 : memref<80x128xf32, #tpu.memory_space<vmem>>) dst(%dma_wait3A_186 : memref<10000x128xf32, #tpu.memory_space<vmem_shared>>)
          tpu.yield
        }) : () -> ()
        %add3A_158 = arith.constant 0 : i32
        %add3A_159 = arith.addi %add3A_123, %add3A_158 : i32
        %add3A_160 = arith.constant 3 : i32
        %add3A_161 = arith.addi %add3A_159, %add3A_160 : i32
        %lt3A_162 = arith.constant 62 : i32
        %lt3A_163 = arith.cmpi slt, %add3A_161, %lt3A_162 : i32
        %convert_element_type3A_164 = arith.extui %lt3A_163 : i1 to i32
        %cond3A_165 = arith.constant 0 : i32
        %cond3A_166 = arith.cmpi ne, %convert_element_type3A_164, %cond3A_165 : i32
        scf.if %cond3A_166 {
          %add3A_167 = arith.constant 0 : i32
          %add3A_168 = arith.addi %add3A_123, %add3A_167 : i32
          %add3A_169 = arith.constant 3 : i32
          %add3A_170 = arith.addi %add3A_168, %add3A_169 : i32
          %add3A_171 = arith.constant 63 : i32
          %add3A_172 = arith.addi %add3A_171, %add3A_170 : i32
          %mul3A_173 = arith.constant 80 : i32
          %mul3A_174 = arith.muli %add3A_172, %mul3A_173 : i32
          %dma_start3A_175 = arith.constant 0 : i32
          %dma_start3A_176 = arith.constant 0 : i32
          %dma_start3A_177 = tpu.memref_slice %arg9[%scan3A_105, %dma_start3A_175, %dma_start3A_176] : memref<3x80x128xf32, #tpu.memory_space<vmem>> -> memref<1x80x128xf32, #tpu.memory_space<vmem>>
          %dma_start3A_178 = tpu.memref_squeeze %dma_start3A_177 : memref<1x80x128xf32, #tpu.memory_space<vmem>> -> memref<80x128xf32, #tpu.memory_space<vmem>>
          %dma_start3A_179 = tpu.memref_slice %arg7[%mul3A_174] : memref<10000xi32, #tpu.memory_space<vmem>> -> memref<80xi32, #tpu.memory_space<vmem>>
          %dma_start3A_180 = arith.constant 0 : i32
          %dma_start3A_181 = arith.constant 0 : i32
          %dma_start3A_182 = tpu.memref_slice %arg2[%dma_start3A_180, %dma_start3A_181] : memref<10000x128xf32, #tpu.memory_space<hbm>> -> memref<10000x128xf32, #tpu.memory_space<hbm>>
          tpu.enqueue_indirect_dma source(%dma_start3A_182 : memref<10000x128xf32, #tpu.memory_space<hbm>>) target(%dma_start3A_178 : memref<80x128xf32, #tpu.memory_space<vmem>>) offsets(%dma_start3A_179 : memref<80xi32, #tpu.memory_space<vmem>>) semaphore(%arg11 : memref<!tpu.dma_semaphore, #tpu.memory_space<semaphore_mem>>)
        } else {
        }
      } else {
      }
      %add3A_128 = arith.constant 1 : i32
      %add3A_129 = arith.addi %add3A_123, %add3A_128 : i32
      %lt3A_130 = arith.constant 62 : i32
      %lt3A_131 = arith.cmpi slt, %add3A_129, %lt3A_130 : i32
      %convert_element_type3A_132 = arith.extui %lt3A_131 : i1 to i32
      %cond3A_133 = arith.constant 0 : i32
      %cond3A_134 = arith.cmpi ne, %convert_element_type3A_132, %cond3A_133 : i32
      scf.if %cond3A_134 {
        %add3A_142 = arith.constant 1 : i32
        %add3A_143 = arith.addi %add3A_123, %add3A_142 : i32
        %add3A_144 = arith.constant 63 : i32
        %add3A_145 = arith.addi %add3A_144, %add3A_143 : i32
        %mul3A_146 = arith.constant 80 : i32
        %mul3A_147 = arith.muli %add3A_145, %mul3A_146 : i32
        %dma_wait3A_148 = arith.constant 0 : i32
        %dma_wait3A_149 = arith.constant 0 : i32
        %dma_wait3A_150 = tpu.memref_slice %arg9[%scan3A_106, %dma_wait3A_148, %dma_wait3A_149] : memref<3x80x128xf32, #tpu.memory_space<vmem>> -> memref<1x80x128xf32, #tpu.memory_space<vmem>>
        %dma_wait3A_151 = tpu.memref_squeeze %dma_wait3A_150 : memref<1x80x128xf32, #tpu.memory_space<vmem>> -> memref<80x128xf32, #tpu.memory_space<vmem>>
        %dma_wait3A_152 = tpu.memref_slice %arg7[%mul3A_147] : memref<10000xi32, #tpu.memory_space<vmem>> -> memref<80xi32, #tpu.memory_space<vmem>>
        %dma_wait3A_153 = arith.constant 0 : i32
        %dma_wait3A_154 = arith.constant 0 : i32
        %dma_wait3A_155 = tpu.memref_slice %arg2[%dma_wait3A_153, %dma_wait3A_154] : memref<10000x128xf32, #tpu.memory_space<hbm>> -> memref<10000x128xf32, #tpu.memory_space<hbm>>
        tpu.wait_indirect_dma semaphore(%arg12 : memref<!tpu.dma_semaphore, #tpu.memory_space<semaphore_mem>>) src(%dma_wait3A_155 : memref<10000x128xf32, #tpu.memory_space<hbm>>) dst(%dma_wait3A_151 : memref<80x128xf32, #tpu.memory_space<vmem>>)
        %add3A_156 = arith.constant 1 : i32
        %add3A_157 = arith.addi %add3A_123, %add3A_156 : i32
        "tpu.region"() ({
          %run_scoped3A = tpu.sem_alloc : memref<!tpu.dma_semaphore, #tpu.memory_space<semaphore_mem>>
          %dma_start3A_167 = arith.constant 0 : i32
          %dma_start3A_168 = arith.constant 0 : i32
          %dma_start3A_169 = tpu.memref_slice %arg9[%scan3A_106, %dma_start3A_167, %dma_start3A_168] : memref<3x80x128xf32, #tpu.memory_space<vmem>> -> memref<1x80x128xf32, #tpu.memory_space<vmem>>
          %dma_start3A_170 = tpu.memref_squeeze %dma_start3A_169 : memref<1x80x128xf32, #tpu.memory_space<vmem>> -> memref<80x128xf32, #tpu.memory_space<vmem>>
          %dma_start3A_171 = arith.constant 0 : i32
          %dma_start3A_172 = tpu.memref_slice %arg8[%add3A_157, %dma_start3A_171] : memref<63x80xi32, #tpu.memory_space<vmem>> -> memref<1x80xi32, #tpu.memory_space<vmem>>
          %dma_start3A_173 = tpu.memref_squeeze %dma_start3A_172 : memref<1x80xi32, #tpu.memory_space<vmem>> -> memref<80xi32, #tpu.memory_space<vmem>>
          %dma_start3A_174 = arith.constant 0 : i32
          %dma_start3A_175 = arith.constant 0 : i32
          %dma_start3A_176 = tpu.memref_slice %arg10[%dma_start3A_174, %dma_start3A_175] : memref<10000x128xf32, #tpu.memory_space<vmem_shared>> -> memref<10000x128xf32, #tpu.memory_space<vmem_shared>>
          tpu.enqueue_indirect_dma source(%dma_start3A_170 : memref<80x128xf32, #tpu.memory_space<vmem>>) target(%dma_start3A_176 : memref<10000x128xf32, #tpu.memory_space<vmem_shared>>) offsets(%dma_start3A_173 : memref<80xi32, #tpu.memory_space<vmem>>) semaphore(%run_scoped3A : memref<!tpu.dma_semaphore, #tpu.memory_space<semaphore_mem>>) {add = true}
          %dma_wait3A_177 = arith.constant 0 : i32
          %dma_wait3A_178 = arith.constant 0 : i32
          %dma_wait3A_179 = tpu.memref_slice %arg9[%scan3A_106, %dma_wait3A_177, %dma_wait3A_178] : memref<3x80x128xf32, #tpu.memory_space<vmem>> -> memref<1x80x128xf32, #tpu.memory_space<vmem>>
          %dma_wait3A_180 = tpu.memref_squeeze %dma_wait3A_179 : memref<1x80x128xf32, #tpu.memory_space<vmem>> -> memref<80x128xf32, #tpu.memory_space<vmem>>
          %dma_wait3A_181 = arith.constant 0 : i32
          %dma_wait3A_182 = tpu.memref_slice %arg8[%add3A_157, %dma_wait3A_181] : memref<63x80xi32, #tpu.memory_space<vmem>> -> memref<1x80xi32, #tpu.memory_space<vmem>>
          %dma_wait3A_183 = tpu.memref_squeeze %dma_wait3A_182 : memref<1x80xi32, #tpu.memory_space<vmem>> -> memref<80xi32, #tpu.memory_space<vmem>>
          %dma_wait3A_184 = arith.constant 0 : i32
          %dma_wait3A_185 = arith.constant 0 : i32
          %dma_wait3A_186 = tpu.memref_slice %arg10[%dma_wait3A_184, %dma_wait3A_185] : memref<10000x128xf32, #tpu.memory_space<vmem_shared>> -> memref<10000x128xf32, #tpu.memory_space<vmem_shared>>
          tpu.wait_indirect_dma semaphore(%run_scoped3A : memref<!tpu.dma_semaphore, #tpu.memory_space<semaphore_mem>>) src(%dma_wait3A_180 : memref<80x128xf32, #tpu.memory_space<vmem>>) dst(%dma_wait3A_186 : memref<10000x128xf32, #tpu.memory_space<vmem_shared>>)
          tpu.yield
        }) : () -> ()
        %add3A_158 = arith.constant 1 : i32
        %add3A_159 = arith.addi %add3A_123, %add3A_158 : i32
        %add3A_160 = arith.constant 3 : i32
        %add3A_161 = arith.addi %add3A_159, %add3A_160 : i32
        %lt3A_162 = arith.constant 62 : i32
        %lt3A_163 = arith.cmpi slt, %add3A_161, %lt3A_162 : i32
        %convert_element_type3A_164 = arith.extui %lt3A_163 : i1 to i32
        %cond3A_165 = arith.constant 0 : i32
        %cond3A_166 = arith.cmpi ne, %convert_element_type3A_164, %cond3A_165 : i32
        scf.if %cond3A_166 {
          %add3A_167 = arith.constant 1 : i32
          %add3A_168 = arith.addi %add3A_123, %add3A_167 : i32
          %add3A_169 = arith.constant 3 : i32
          %add3A_170 = arith.addi %add3A_168, %add3A_169 : i32
          %add3A_171 = arith.constant 63 : i32
          %add3A_172 = arith.addi %add3A_171, %add3A_170 : i32
          %mul3A_173 = arith.constant 80 : i32
          %mul3A_174 = arith.muli %add3A_172, %mul3A_173 : i32
          %dma_start3A_175 = arith.constant 0 : i32
          %dma_start3A_176 = arith.constant 0 : i32
          %dma_start3A_177 = tpu.memref_slice %arg9[%scan3A_106, %dma_start3A_175, %dma_start3A_176] : memref<3x80x128xf32, #tpu.memory_space<vmem>> -> memref<1x80x128xf32, #tpu.memory_space<vmem>>
          %dma_start3A_178 = tpu.memref_squeeze %dma_start3A_177 : memref<1x80x128xf32, #tpu.memory_space<vmem>> -> memref<80x128xf32, #tpu.memory_space<vmem>>
          %dma_start3A_179 = tpu.memref_slice %arg7[%mul3A_174] : memref<10000xi32, #tpu.memory_space<vmem>> -> memref<80xi32, #tpu.memory_space<vmem>>
          %dma_start3A_180 = arith.constant 0 : i32
          %dma_start3A_181 = arith.constant 0 : i32
          %dma_start3A_182 = tpu.memref_slice %arg2[%dma_start3A_180, %dma_start3A_181] : memref<10000x128xf32, #tpu.memory_space<hbm>> -> memref<10000x128xf32, #tpu.memory_space<hbm>>
          tpu.enqueue_indirect_dma source(%dma_start3A_182 : memref<10000x128xf32, #tpu.memory_space<hbm>>) target(%dma_start3A_178 : memref<80x128xf32, #tpu.memory_space<vmem>>) offsets(%dma_start3A_179 : memref<80xi32, #tpu.memory_space<vmem>>) semaphore(%arg12 : memref<!tpu.dma_semaphore, #tpu.memory_space<semaphore_mem>>)
        } else {
        }
      } else {
      }
      %add3A_135 = arith.constant 2 : i32
      %add3A_136 = arith.addi %add3A_123, %add3A_135 : i32
      %lt3A_137 = arith.constant 62 : i32
      %lt3A_138 = arith.cmpi slt, %add3A_136, %lt3A_137 : i32
      %convert_element_type3A_139 = arith.extui %lt3A_138 : i1 to i32
      %cond3A_140 = arith.constant 0 : i32
      %cond3A_141 = arith.cmpi ne, %convert_element_type3A_139, %cond3A_140 : i32
      scf.if %cond3A_141 {
        %add3A_142 = arith.constant 2 : i32
        %add3A_143 = arith.addi %add3A_123, %add3A_142 : i32
        %add3A_144 = arith.constant 63 : i32
        %add3A_145 = arith.addi %add3A_144, %add3A_143 : i32
        %mul3A_146 = arith.constant 80 : i32
        %mul3A_147 = arith.muli %add3A_145, %mul3A_146 : i32
        %dma_wait3A_148 = arith.constant 0 : i32
        %dma_wait3A_149 = arith.constant 0 : i32
        %dma_wait3A_150 = tpu.memref_slice %arg9[%scan3A_107, %dma_wait3A_148, %dma_wait3A_149] : memref<3x80x128xf32, #tpu.memory_space<vmem>> -> memref<1x80x128xf32, #tpu.memory_space<vmem>>
        %dma_wait3A_151 = tpu.memref_squeeze %dma_wait3A_150 : memref<1x80x128xf32, #tpu.memory_space<vmem>> -> memref<80x128xf32, #tpu.memory_space<vmem>>
        %dma_wait3A_152 = tpu.memref_slice %arg7[%mul3A_147] : memref<10000xi32, #tpu.memory_space<vmem>> -> memref<80xi32, #tpu.memory_space<vmem>>
        %dma_wait3A_153 = arith.constant 0 : i32
        %dma_wait3A_154 = arith.constant 0 : i32
        %dma_wait3A_155 = tpu.memref_slice %arg2[%dma_wait3A_153, %dma_wait3A_154] : memref<10000x128xf32, #tpu.memory_space<hbm>> -> memref<10000x128xf32, #tpu.memory_space<hbm>>
        tpu.wait_indirect_dma semaphore(%arg13 : memref<!tpu.dma_semaphore, #tpu.memory_space<semaphore_mem>>) src(%dma_wait3A_155 : memref<10000x128xf32, #tpu.memory_space<hbm>>) dst(%dma_wait3A_151 : memref<80x128xf32, #tpu.memory_space<vmem>>)
        %add3A_156 = arith.constant 2 : i32
        %add3A_157 = arith.addi %add3A_123, %add3A_156 : i32
        "tpu.region"() ({
          %run_scoped3A = tpu.sem_alloc : memref<!tpu.dma_semaphore, #tpu.memory_space<semaphore_mem>>
          %dma_start3A_167 = arith.constant 0 : i32
          %dma_start3A_168 = arith.constant 0 : i32
          %dma_start3A_169 = tpu.memref_slice %arg9[%scan3A_107, %dma_start3A_167, %dma_start3A_168] : memref<3x80x128xf32, #tpu.memory_space<vmem>> -> memref<1x80x128xf32, #tpu.memory_space<vmem>>
          %dma_start3A_170 = tpu.memref_squeeze %dma_start3A_169 : memref<1x80x128xf32, #tpu.memory_space<vmem>> -> memref<80x128xf32, #tpu.memory_space<vmem>>
          %dma_start3A_171 = arith.constant 0 : i32
          %dma_start3A_172 = tpu.memref_slice %arg8[%add3A_157, %dma_start3A_171] : memref<63x80xi32, #tpu.memory_space<vmem>> -> memref<1x80xi32, #tpu.memory_space<vmem>>
          %dma_start3A_173 = tpu.memref_squeeze %dma_start3A_172 : memref<1x80xi32, #tpu.memory_space<vmem>> -> memref<80xi32, #tpu.memory_space<vmem>>
          %dma_start3A_174 = arith.constant 0 : i32
          %dma_start3A_175 = arith.constant 0 : i32
          %dma_start3A_176 = tpu.memref_slice %arg10[%dma_start3A_174, %dma_start3A_175] : memref<10000x128xf32, #tpu.memory_space<vmem_shared>> -> memref<10000x128xf32, #tpu.memory_space<vmem_shared>>
          tpu.enqueue_indirect_dma source(%dma_start3A_170 : memref<80x128xf32, #tpu.memory_space<vmem>>) target(%dma_start3A_176 : memref<10000x128xf32, #tpu.memory_space<vmem_shared>>) offsets(%dma_start3A_173 : memref<80xi32, #tpu.memory_space<vmem>>) semaphore(%run_scoped3A : memref<!tpu.dma_semaphore, #tpu.memory_space<semaphore_mem>>) {add = true}
          %dma_wait3A_177 = arith.constant 0 : i32
          %dma_wait3A_178 = arith.constant 0 : i32
          %dma_wait3A_179 = tpu.memref_slice %arg9[%scan3A_107, %dma_wait3A_177, %dma_wait3A_178] : memref<3x80x128xf32, #tpu.memory_space<vmem>> -> memref<1x80x128xf32, #tpu.memory_space<vmem>>
          %dma_wait3A_180 = tpu.memref_squeeze %dma_wait3A_179 : memref<1x80x128xf32, #tpu.memory_space<vmem>> -> memref<80x128xf32, #tpu.memory_space<vmem>>
          %dma_wait3A_181 = arith.constant 0 : i32
          %dma_wait3A_182 = tpu.memref_slice %arg8[%add3A_157, %dma_wait3A_181] : memref<63x80xi32, #tpu.memory_space<vmem>> -> memref<1x80xi32, #tpu.memory_space<vmem>>
          %dma_wait3A_183 = tpu.memref_squeeze %dma_wait3A_182 : memref<1x80xi32, #tpu.memory_space<vmem>> -> memref<80xi32, #tpu.memory_space<vmem>>
          %dma_wait3A_184 = arith.constant 0 : i32
          %dma_wait3A_185 = arith.constant 0 : i32
          %dma_wait3A_186 = tpu.memref_slice %arg10[%dma_wait3A_184, %dma_wait3A_185] : memref<10000x128xf32, #tpu.memory_space<vmem_shared>> -> memref<10000x128xf32, #tpu.memory_space<vmem_shared>>
          tpu.wait_indirect_dma semaphore(%run_scoped3A : memref<!tpu.dma_semaphore, #tpu.memory_space<semaphore_mem>>) src(%dma_wait3A_180 : memref<80x128xf32, #tpu.memory_space<vmem>>) dst(%dma_wait3A_186 : memref<10000x128xf32, #tpu.memory_space<vmem_shared>>)
          tpu.yield
        }) : () -> ()
        %add3A_158 = arith.constant 2 : i32
        %add3A_159 = arith.addi %add3A_123, %add3A_158 : i32
        %add3A_160 = arith.constant 3 : i32
        %add3A_161 = arith.addi %add3A_159, %add3A_160 : i32
        %lt3A_162 = arith.constant 62 : i32
        %lt3A_163 = arith.cmpi slt, %add3A_161, %lt3A_162 : i32
        %convert_element_type3A_164 = arith.extui %lt3A_163 : i1 to i32
        %cond3A_165 = arith.constant 0 : i32
        %cond3A_166 = arith.cmpi ne, %convert_element_type3A_164, %cond3A_165 : i32
        scf.if %cond3A_166 {
          %add3A_167 = arith.constant 2 : i32
          %add3A_168 = arith.addi %add3A_123, %add3A_167 : i32
          %add3A_169 = arith.constant 3 : i32
          %add3A_170 = arith.addi %add3A_168, %add3A_169 : i32
          %add3A_171 = arith.constant 63 : i32
          %add3A_172 = arith.addi %add3A_171, %add3A_170 : i32
          %mul3A_173 = arith.constant 80 : i32
          %mul3A_174 = arith.muli %add3A_172, %mul3A_173 : i32
          %dma_start3A_175 = arith.constant 0 : i32
          %dma_start3A_176 = arith.constant 0 : i32
          %dma_start3A_177 = tpu.memref_slice %arg9[%scan3A_107, %dma_start3A_175, %dma_start3A_176] : memref<3x80x128xf32, #tpu.memory_space<vmem>> -> memref<1x80x128xf32, #tpu.memory_space<vmem>>
          %dma_start3A_178 = tpu.memref_squeeze %dma_start3A_177 : memref<1x80x128xf32, #tpu.memory_space<vmem>> -> memref<80x128xf32, #tpu.memory_space<vmem>>
          %dma_start3A_179 = tpu.memref_slice %arg7[%mul3A_174] : memref<10000xi32, #tpu.memory_space<vmem>> -> memref<80xi32, #tpu.memory_space<vmem>>
          %dma_start3A_180 = arith.constant 0 : i32
          %dma_start3A_181 = arith.constant 0 : i32
          %dma_start3A_182 = tpu.memref_slice %arg2[%dma_start3A_180, %dma_start3A_181] : memref<10000x128xf32, #tpu.memory_space<hbm>> -> memref<10000x128xf32, #tpu.memory_space<hbm>>
          tpu.enqueue_indirect_dma source(%dma_start3A_182 : memref<10000x128xf32, #tpu.memory_space<hbm>>) target(%dma_start3A_178 : memref<80x128xf32, #tpu.memory_space<vmem>>) offsets(%dma_start3A_179 : memref<80xi32, #tpu.memory_space<vmem>>) semaphore(%arg13 : memref<!tpu.dma_semaphore, #tpu.memory_space<semaphore_mem>>)
        } else {
        }
      } else {
      }
    }
    %scan3A_112 = arith.constant 21 : i32
    %barrier3A_113 = arith.constant 0 : index
    tpu.barrier barrier_id(%barrier3A_113)
    %scan3A_114 = arith.constant 0 : i32
    %scan3A_115 = arith.constant 8 : i32
    %scan3A_116 = arith.addi %scan3A_114, %scan3A_115 : i32
    %scan3A_117 = arith.constant 1 : i32
    scf.for %scan3A_119 = %scan3A_114 to %scan3A_116 step %scan3A_117  : i32 {
      %mul3A_120 = arith.constant 1 : i32
      %mul3A_121 = arith.muli %scan3A_119, %mul3A_120 : i32
      %add3A_122 = arith.constant 0 : i32
      %add3A_123 = arith.addi %add3A_122, %mul3A_121 : i32
      %mul3A_124 = arith.constant 16 : i32
      %mul3A_125 = arith.muli %add3A_123, %mul3A_124 : i32
      %add3A_126 = arith.addi %arg1, %mul3A_125 : i32
      %lt3A = arith.constant 125 : i32
      %lt3A_127 = arith.cmpi slt, %add3A_126, %lt3A : i32
      %convert_element_type3A = arith.extui %lt3A_127 : i1 to i32
      %cond3A = arith.constant 0 : i32
      %cond3A_128 = arith.cmpi ne, %convert_element_type3A, %cond3A : i32
      scf.if %cond3A_128 {
        %mul3A_129 = arith.constant 80 : i32
        %mul3A_130 = arith.muli %add3A_126, %mul3A_129 : i32
        "tpu.region"() ({
          %run_scoped3A = tpu.sem_alloc : memref<!tpu.dma_semaphore, #tpu.memory_space<semaphore_mem>>
          %dma_start3A_131 = arith.constant 0 : i32
          %dma_start3A_132 = tpu.memref_slice %arg6[%arg0, %mul3A_130, %dma_start3A_131] : memref<2x10000x128xf32, #tpu.memory_space<hbm>> -> memref<1x80x128xf32, #tpu.memory_space<hbm>>
          %dma_start3A_133 = tpu.memref_squeeze %dma_start3A_132 : memref<1x80x128xf32, #tpu.memory_space<hbm>> -> memref<80x128xf32, #tpu.memory_space<hbm>>
          %dma_start3A_134 = arith.constant 0 : i32
          %dma_start3A_135 = tpu.memref_slice %arg10[%mul3A_130, %dma_start3A_134] : memref<10000x128xf32, #tpu.memory_space<vmem_shared>> -> memref<80x128xf32, #tpu.memory_space<vmem_shared>>
          tpu.enqueue_dma source(%dma_start3A_135 : memref<80x128xf32, #tpu.memory_space<vmem_shared>>) target(%dma_start3A_133 : memref<80x128xf32, #tpu.memory_space<hbm>>) target_semaphore(%run_scoped3A : memref<!tpu.dma_semaphore, #tpu.memory_space<semaphore_mem>>)
          %dma_wait3A_136 = arith.constant 0 : i32
          %dma_wait3A_137 = tpu.memref_slice %arg6[%arg0, %mul3A_130, %dma_wait3A_136] : memref<2x10000x128xf32, #tpu.memory_space<hbm>> -> memref<1x80x128xf32, #tpu.memory_space<hbm>>
          %dma_wait3A_138 = tpu.memref_squeeze %dma_wait3A_137 : memref<1x80x128xf32, #tpu.memory_space<hbm>> -> memref<80x128xf32, #tpu.memory_space<hbm>>
          %dma_wait3A_139 = arith.constant 0 : i32
          %dma_wait3A_140 = tpu.memref_slice %arg10[%mul3A_130, %dma_wait3A_139] : memref<10000x128xf32, #tpu.memory_space<vmem_shared>> -> memref<80x128xf32, #tpu.memory_space<vmem_shared>>
          tpu.wait_dma2 semaphore(%run_scoped3A : memref<!tpu.dma_semaphore, #tpu.memory_space<semaphore_mem>>) src(%dma_wait3A_140 : memref<80x128xf32, #tpu.memory_space<vmem_shared>>) dst(%dma_wait3A_138 : memref<80x128xf32, #tpu.memory_space<hbm>>)
          tpu.yield
        }) : () -> ()
      } else {
      }
    }
    %scan3A_118 = arith.constant 8 : i32
    return
  }
}

module attributes {stable_mosaic.version = 14 : i64} {
  func.func @body(%arg0: i32, %arg1: memref<1000x128xf32, #tpu.memory_space<vmem>>, %arg2: memref<128x128xf32, #tpu.memory_space<vmem>>, %arg3: memref<1000x128xf32, #tpu.memory_space<vmem>>) attributes {dimension_semantics = [#tpu.dimension_semantics<arbitrary>], iteration_bounds = array<i64: 10>, scalar_prefetch = 0 : i64, scratch_operands = 0 : i64, tpu.core_type = #tpu.core_type<tc>, window_params = [{transform_indices = @transform_0, window_bounds = array<i64: 1000, 128>}, {pipeline_mode = #tpu.pipeline_mode<synchronous>, transform_indices = @transform_1, window_bounds = array<i64: 128, 128>}, {transform_indices = @transform_2, window_bounds = array<i64: 1000, 128>}]} {
    %get3A = arith.constant 0 : index
    %get3A_0 = arith.constant 0 : index
    %get3A_1 = vector.load %arg1[%get3A, %get3A_0] : memref<1000x128xf32, #tpu.memory_space<vmem>>, vector<1000x128xf32>
    %get3A_2 = arith.constant 0 : index
    %get3A_3 = arith.constant 0 : index
    %get3A_4 = vector.load %arg2[%get3A_2, %get3A_3] : memref<128x128xf32, #tpu.memory_space<vmem>>, vector<128x128xf32>
    %dot_general3A = arith.constant dense<0.000000e+00> : vector<1000x128xf32>
    %dot_general3A_5 = tpu.matmul %get3A_1, %get3A_4, %dot_general3A {dimension_numbers = #tpu.dot_dimension_numbers<[1], [0], [0], [1], [0, 0, 1, 1], [], []>, transpose_lhs_hint = false} : vector<1000x128xf32>, vector<128x128xf32>, vector<1000x128xf32> -> vector<1000x128xf32>
    %swap3A = arith.constant 0 : index
    %swap3A_6 = arith.constant 0 : index
    %swap3A_7 = vector.load %arg3[%swap3A, %swap3A_6] : memref<1000x128xf32, #tpu.memory_space<vmem>>, vector<1000x128xf32>
    tpu.vector_store %arg3[%swap3A, %swap3A_6], %dot_general3A_5 {strides = array<i32>} : memref<1000x128xf32, #tpu.memory_space<vmem>>, vector<1000x128xf32>,
    return
  }
  func.func @transform_0(%arg0: i32) -> (i32, i32) {
    %c0_i32 = arith.constant 0 : i32
    %c0_i32_0 = arith.constant 0 : i32
    return %arg0, %c0_i32 : i32, i32
  }
  func.func @transform_1(%arg0: i32) -> (i32, i32) {
    %c0_i32 = arith.constant 0 : i32
    %c0_i32_0 = arith.constant 0 : i32
    %c0_i32_1 = arith.constant 0 : i32
    return %c0_i32, %c0_i32_0 : i32, i32
  }
  func.func @transform_2(%arg0: i32) -> (i32, i32) {
    %c0_i32 = arith.constant 0 : i32
    %c0_i32_0 = arith.constant 0 : i32
    return %arg0, %c0_i32 : i32, i32
  }
}

module attributes {stable_mosaic.version = 14 : i64} {
  func.func @body(%arg0: i32, %arg1: memref<2x1000x128xf32, #tpu.memory_space<vmem>>, %arg2: memref<1x128xf32, #tpu.memory_space<vmem>>, %arg3: memref<1x128xf32, #tpu.memory_space<vmem>>, %arg4: memref<1x128xf32, #tpu.memory_space<vmem>>, %arg5: memref<1x128xf32, #tpu.memory_space<vmem>>, %arg6: memref<1x128xf32, #tpu.memory_space<vmem>>, %arg7: memref<128x128xf32, #tpu.memory_space<vmem>>, %arg8: memref<1000x128xf32, #tpu.memory_space<vmem>>) attributes {dimension_semantics = [#tpu.dimension_semantics<arbitrary>], iteration_bounds = array<i64: 10>, scalar_prefetch = 0 : i64, scratch_operands = 0 : i64, tpu.core_type = #tpu.core_type<tc>, window_params = [{transform_indices = @transform_0, window_bounds = array<i64: 2, 1000, 128>}, {pipeline_mode = #tpu.pipeline_mode<synchronous>, transform_indices = @transform_1, window_bounds = array<i64: 1, 128>}, {pipeline_mode = #tpu.pipeline_mode<synchronous>, transform_indices = @transform_2, window_bounds = array<i64: 1, 128>}, {pipeline_mode = #tpu.pipeline_mode<synchronous>, transform_indices = @transform_3, window_bounds = array<i64: 1, 128>}, {pipeline_mode = #tpu.pipeline_mode<synchronous>, transform_indices = @transform_4, window_bounds = array<i64: 1, 128>}, {pipeline_mode = #tpu.pipeline_mode<synchronous>, transform_indices = @transform_5, window_bounds = array<i64: 1, 128>}, {pipeline_mode = #tpu.pipeline_mode<synchronous>, transform_indices = @transform_6, window_bounds = array<i64: 128, 128>}, {transform_indices = @transform_7, window_bounds = array<i64: 1000, 128>}]} {
    %get3A = arith.constant 0 : index
    %get3A_0 = arith.constant 0 : index
    %get3A_1 = arith.constant 0 : index
    %get3A_2 = vector.load %arg1[%get3A, %get3A_0, %get3A_1] : memref<2x1000x128xf32, #tpu.memory_space<vmem>>, vector<1x1000x128xf32>
    %get3A_3 = vector.shape_cast %get3A_2 : vector<1x1000x128xf32> to vector<1000x128xf32>
    %get3A_4 = arith.constant 1 : index
    %get3A_5 = arith.constant 0 : index
    %get3A_6 = arith.constant 0 : index
    %get3A_7 = vector.load %arg1[%get3A_4, %get3A_5, %get3A_6] : memref<2x1000x128xf32, #tpu.memory_space<vmem>>, vector<1x1000x128xf32>
    %get3A_8 = vector.shape_cast %get3A_7 : vector<1x1000x128xf32> to vector<1000x128xf32>
    %add3A = arith.addf %get3A_3, %get3A_8 : vector<1000x128xf32>
    %get3A_9 = arith.constant 0 : index
    %get3A_10 = arith.constant 0 : index
    %get3A_11 = vector.load %arg2[%get3A_9, %get3A_10] : memref<1x128xf32, #tpu.memory_space<vmem>>, vector<1x128xf32>
    %add3A_12 = vector.broadcast %get3A_11 : vector<1x128xf32> to vector<1000x128xf32>
    %add3A_13 = arith.addf %add3A, %add3A_12 : vector<1000x128xf32>
    %get3A_14 = arith.constant 0 : index
    %get3A_15 = arith.constant 0 : index
    %get3A_16 = vector.load %arg3[%get3A_14, %get3A_15] : memref<1x128xf32, #tpu.memory_space<vmem>>, vector<1x128xf32>
    %get3A_17 = arith.constant 0 : index
    %get3A_18 = arith.constant 0 : index
    %get3A_19 = vector.load %arg6[%get3A_17, %get3A_18] : memref<1x128xf32, #tpu.memory_space<vmem>>, vector<1x128xf32>
    %add3A_20 = arith.constant 9.99999974E-6 : f32
    %add3A_21 = vector.broadcast %add3A_20 : f32 to vector<1x128xf32>
    %add3A_22 = arith.addf %get3A_19, %add3A_21 : vector<1x128xf32>
    %rsqrt3A = math.rsqrt %add3A_22 : vector<1x128xf32>
    %mul3A = arith.mulf %get3A_16, %rsqrt3A : vector<1x128xf32>
    %get3A_23 = arith.constant 0 : index
    %get3A_24 = arith.constant 0 : index
    %get3A_25 = vector.load %arg5[%get3A_23, %get3A_24] : memref<1x128xf32, #tpu.memory_space<vmem>>, vector<1x128xf32>
    %sub3A = vector.broadcast %get3A_25 : vector<1x128xf32> to vector<1000x128xf32>
    %sub3A_26 = arith.subf %add3A_13, %sub3A : vector<1000x128xf32>
    %mul3A_27 = vector.broadcast %mul3A : vector<1x128xf32> to vector<1000x128xf32>
    %mul3A_28 = arith.mulf %sub3A_26, %mul3A_27 : vector<1000x128xf32>
    %get3A_29 = arith.constant 0 : index
    %get3A_30 = arith.constant 0 : index
    %get3A_31 = vector.load %arg4[%get3A_29, %get3A_30] : memref<1x128xf32, #tpu.memory_space<vmem>>, vector<1x128xf32>
    %add3A_32 = vector.broadcast %get3A_31 : vector<1x128xf32> to vector<1000x128xf32>
    %add3A_33 = arith.addf %mul3A_28, %add3A_32 : vector<1000x128xf32>
    %max3A = arith.constant 0.000000e+00 : f32
    %max3A_34 = vector.broadcast %max3A : f32 to vector<1000x128xf32>
    %max3A_35 = arith.maximumf %add3A_33, %max3A_34 : vector<1000x128xf32>
    %get3A_36 = arith.constant 0 : index
    %get3A_37 = arith.constant 0 : index
    %get3A_38 = vector.load %arg7[%get3A_36, %get3A_37] : memref<128x128xf32, #tpu.memory_space<vmem>>, vector<128x128xf32>
    %dot_general3A = arith.constant dense<0.000000e+00> : vector<1000x128xf32>
    %dot_general3A_39 = tpu.matmul %max3A_35, %get3A_38, %dot_general3A {dimension_numbers = #tpu.dot_dimension_numbers<[1], [0], [0], [1], [0, 0, 1, 1], [], []>, transpose_lhs_hint = false} : vector<1000x128xf32>, vector<128x128xf32>, vector<1000x128xf32> -> vector<1000x128xf32>
    %swap3A = arith.constant 0 : index
    %swap3A_40 = arith.constant 0 : index
    %swap3A_41 = vector.load %arg8[%swap3A, %swap3A_40] : memref<1000x128xf32, #tpu.memory_space<vmem>>, vector<1000x128xf32>
    tpu.vector_store %arg8[%swap3A, %swap3A_40], %dot_general3A_39 {strides = array<i32>} : memref<1000x128xf32, #tpu.memory_space<vmem>>, vector<1000x128xf32>,
    return
  }
  func.func @transform_0(%arg0: i32) -> (i32, i32, i32) {
    %c0_i32 = arith.constant 0 : i32
    %c0_i32_0 = arith.constant 0 : i32
    %c0_i32_1 = arith.constant 0 : i32
    return %c0_i32, %arg0, %c0_i32_0 : i32, i32, i32
  }
  func.func @transform_1(%arg0: i32) -> (i32, i32) {
    %c0_i32 = arith.constant 0 : i32
    %c0_i32_0 = arith.constant 0 : i32
    %c0_i32_1 = arith.constant 0 : i32
    return %c0_i32, %c0_i32_0 : i32, i32
  }
  func.func @transform_2(%arg0: i32) -> (i32, i32) {
    %c0_i32 = arith.constant 0 : i32
    %c0_i32_0 = arith.constant 0 : i32
    %c0_i32_1 = arith.constant 0 : i32
    return %c0_i32, %c0_i32_0 : i32, i32
  }
  func.func @transform_3(%arg0: i32) -> (i32, i32) {
    %c0_i32 = arith.constant 0 : i32
    %c0_i32_0 = arith.constant 0 : i32
    %c0_i32_1 = arith.constant 0 : i32
    return %c0_i32, %c0_i32_0 : i32, i32
  }
  func.func @transform_4(%arg0: i32) -> (i32, i32) {
    %c0_i32 = arith.constant 0 : i32
    %c0_i32_0 = arith.constant 0 : i32
    %c0_i32_1 = arith.constant 0 : i32
    return %c0_i32, %c0_i32_0 : i32, i32
  }
  func.func @transform_5(%arg0: i32) -> (i32, i32) {
    %c0_i32 = arith.constant 0 : i32
    %c0_i32_0 = arith.constant 0 : i32
    %c0_i32_1 = arith.constant 0 : i32
    return %c0_i32, %c0_i32_0 : i32, i32
  }
  func.func @transform_6(%arg0: i32) -> (i32, i32) {
    %c0_i32 = arith.constant 0 : i32
    %c0_i32_0 = arith.constant 0 : i32
    %c0_i32_1 = arith.constant 0 : i32
    return %c0_i32, %c0_i32_0 : i32, i32
  }
  func.func @transform_7(%arg0: i32) -> (i32, i32) {
    %c0_i32 = arith.constant 0 : i32
    %c0_i32_0 = arith.constant 0 : i32
    return %arg0, %c0_i32 : i32, i32
  }
}

module attributes {stable_mosaic.version = 14 : i64} {
  func.func @body(%arg0: i32, %arg1: memref<2x1000x128xf32, #tpu.memory_space<vmem>>, %arg2: memref<1x128xf32, #tpu.memory_space<vmem>>, %arg3: memref<1000x128xf32, #tpu.memory_space<vmem>>) attributes {dimension_semantics = [#tpu.dimension_semantics<arbitrary>], iteration_bounds = array<i64: 10>, scalar_prefetch = 0 : i64, scratch_operands = 0 : i64, tpu.core_type = #tpu.core_type<tc>, window_params = [{transform_indices = @transform_0, window_bounds = array<i64: 2, 1000, 128>}, {pipeline_mode = #tpu.pipeline_mode<synchronous>, transform_indices = @transform_1, window_bounds = array<i64: 1, 128>}, {transform_indices = @transform_2, window_bounds = array<i64: 1000, 128>}]} {
    %get3A = arith.constant 0 : index
    %get3A_0 = arith.constant 0 : index
    %get3A_1 = arith.constant 0 : index
    %get3A_2 = vector.load %arg1[%get3A, %get3A_0, %get3A_1] : memref<2x1000x128xf32, #tpu.memory_space<vmem>>, vector<1x1000x128xf32>
    %get3A_3 = vector.shape_cast %get3A_2 : vector<1x1000x128xf32> to vector<1000x128xf32>
    %get3A_4 = arith.constant 1 : index
    %get3A_5 = arith.constant 0 : index
    %get3A_6 = arith.constant 0 : index
    %get3A_7 = vector.load %arg1[%get3A_4, %get3A_5, %get3A_6] : memref<2x1000x128xf32, #tpu.memory_space<vmem>>, vector<1x1000x128xf32>
    %get3A_8 = vector.shape_cast %get3A_7 : vector<1x1000x128xf32> to vector<1000x128xf32>
    %add3A = arith.addf %get3A_3, %get3A_8 : vector<1000x128xf32>
    %get3A_9 = arith.constant 0 : index
    %get3A_10 = arith.constant 0 : index
    %get3A_11 = vector.load %arg2[%get3A_9, %get3A_10] : memref<1x128xf32, #tpu.memory_space<vmem>>, vector<1x128xf32>
    %add3A_12 = vector.broadcast %get3A_11 : vector<1x128xf32> to vector<1000x128xf32>
    %add3A_13 = arith.addf %add3A, %add3A_12 : vector<1000x128xf32>
    %swap3A = arith.constant 0 : index
    %swap3A_14 = arith.constant 0 : index
    %swap3A_15 = vector.load %arg3[%swap3A, %swap3A_14] : memref<1000x128xf32, #tpu.memory_space<vmem>>, vector<1000x128xf32>
    tpu.vector_store %arg3[%swap3A, %swap3A_14], %add3A_13 {strides = array<i32>} : memref<1000x128xf32, #tpu.memory_space<vmem>>, vector<1000x128xf32>,
    return
  }
  func.func @transform_0(%arg0: i32) -> (i32, i32, i32) {
    %c0_i32 = arith.constant 0 : i32
    %c0_i32_0 = arith.constant 0 : i32
    %c0_i32_1 = arith.constant 0 : i32
    return %c0_i32, %arg0, %c0_i32_0 : i32, i32, i32
  }
  func.func @transform_1(%arg0: i32) -> (i32, i32) {
    %c0_i32 = arith.constant 0 : i32
    %c0_i32_0 = arith.constant 0 : i32
    %c0_i32_1 = arith.constant 0 : i32
    return %c0_i32, %c0_i32_0 : i32, i32
  }
  func.func @transform_2(%arg0: i32) -> (i32, i32) {
    %c0_i32 = arith.constant 0 : i32
    %c0_i32_0 = arith.constant 0 : i32
    return %arg0, %c0_i32 : i32, i32
  }
}

</mosaic_0001>

<sc_bundles>
// kernel: kernel.10.cloned.1.call-start
scs
__scs_entry_jumppad:
0x0: {  	(pc) =	sbr.rel $0x88, $3  }
0x1: {  	(tag) =	ssettag $0x0;
	lr =	simm.s32 $0x1  }
0x2: {  	[smem:$0x3F97] =	sst lr;
	_ =	strace $0xD0000000  }
0x3: {  	_ = 	snop  }
0x4: {  	_ = 	snop  }
0x5: {  	_ = 	snop  }
0x6: {  	_ = 	snop  }
0x7: {  	_ = 	snop  }
__scs_overlays_trampoline_lowered:
0x8: {  	[smem:$0x3FA6] =	sst s0  }
0x9: {  	[smem:$0x3FA7] =	sst s1  }
0xa: {  	[smem:$0x3FA8] =	sst s2  }
0xb: {  	[smem:$0x3FA9] =	sst s3  }
0xc: {  	[smem:$0x3FAA] =	sst s4  }
0xd: {  	[smem:$0x3FAB] =	sst s5  }
0xe: {  	[smem:$0x3FAC] =	sst s6  }
0xf: {  	[smem:$0x3FAD] =	sst s7  }
0x10: {  	[smem:$0x3FAE] =	sst s8  }
0x11: {  	[smem:$0x3FAF] =	sst s9;
	s0 =	simm.s32 @!p0 $0x0  }
0x12: {  	s1 =	sld [smem:$0x3F95];
	s0 =	simm.s32 @p0 $0x1  }
0x13: {  	[smem:$0x3FB0] =	sst s0;
	s0 =	simm.s32 @!p1 $0x0  }
0x14: {  	s2 =	sld [smem:$0x3F94];
	s0 =	simm.s32 @p1 $0x1  }
0x15: {  	[smem:$0x3FB1] =	sst s0;
	s0 =	simm.s32 @!p2 $0x0  }
0x16: {  	s3 =	sld [smem:$0x3FDB];
	s0 =	simm.s32 @p2 $0x1  }
0x17: {  	s4 =	simm.s32 $0x1BF5;
	[smem:$0x3FB3] =	sst s0  }
0x18: {  	s0 =	sld [smem:$0x3F96];
	_ =	swait.ge [sflag:s4], $0x0  }
0x19: {  	s7 =	sld [smem:$0x3F97]  }
0x1a: {  	s8 =	sadd.s32 $0xFFFFE003, lr  }
0x1b: {  	s9 =	sadd.s32 $0xFFFFFEF7, lr;
	s5 =	simm.s32 $0xFFFFFFFF;
	p2 =	slt.u32 s8, $0xFFFFF086  }
0x1c: {  	p1 =	slt.u32 s9, $0xF7A;
	s5 =	simm.s32 @!p2 $0x0  }
0x1d: {  	s5 =	simm.s32 @p1 $0x1;
	p0 =	seq.s32 s7, s2  }
0x1e: {  	s7 =	smul.u32 @!p0 $0xF7A, s2;
	p2 =	seq.s32 @!p0 s5, $0x0  }
0x1f: {  	s9 =	smul.u32 $0xF7A, s1;
	s8 =	simm.s32 @!p0 $0x1BF5;
	p2 =	por !p2, p0  }
0x20: {  	[sflag:s8] =	ssyncset.s32 @!p0 $0xFFFFF086;
	s6 =	sadd.s32 @!p0 s3, s7;
	s7 =	simm.s32 @!p0 $0x108  }
0x21: {  	s3 =	sadd.s32 s3, s9;
	s6 =	sadd.s32 @!p0 $0x88, s6;
	s7 =	simm.s32 @p2 $0x1082  }
0x22: {  	[simem:s7], [sflag:s8] =	dma.local @!p0 [hbm:s6], $0xF7A  }
0x23: {  	s9 =	sor.u32 $0xD0000000, s2;
	s6 =	simm.s32 $0x108;
	_ =	swait.ge @!p0 [sflag:s8], $0x0  }
0x24: {  	s3 =	sadd.s32 $0x88, s3;
	s6 =	simm.s32 @!p1 $0x1082;
	[sflag:s4] =	ssyncset.s32 $0xFFFFF086  }
0x25: {  	[simem:s6], [sflag:s4] =	dma.local [hbm:s3], $0xF7A  }
0x26: {  	[smem:$0x3F97] =	sst s1;
	(tag) =	ssettag s2;
	_ =	strace s9  }
0x27: {  	s1 =	sld [smem:$0x3FA7]  }
0x28: {  	s2 =	sld [smem:$0x3FA8]  }
0x29: {  	s4 =	sld [smem:$0x3FAA]  }
0x2a: {  	p0 =	seq.s32 s5, $0x0;
	s5 =	sld [smem:$0x3FAB]  }
0x2b: {  	s6 =	sld [smem:$0x3FAC]  }
0x2c: {  	s7 =	sld [smem:$0x3FAD]  }
0x2d: {  	s3 =	simm.s32 $0x108;
	s8 =	sld [smem:$0x3FAE]  }
0x2e: {  	s3 =	simm.s32 @!p0 $0x1082;
	s9 =	sld [smem:$0x3FAF]  }
0x2f: {  	lr =	sadd.s32 s0, s3;
	s0 =	sld [smem:$0x3FA6]  }
0x30: {  	s3 =	sld [smem:$0x3FA9]  }
0x31: {  	[smem:$0x3FB2] =	sst s10  }
0x32: {  	s10 =	sld [smem:$0x3FB0];
	_ =	sdelay $0x3  }
0x33: {  	p0 =	seq.s32 s10, $0x1;
	s10 =	sld [smem:$0x3FB2];
	_ =	sdelay $0x3  }
0x34: {  	[smem:$0x3FB2] =	sst s10  }
0x35: {  	s10 =	sld [smem:$0x3FB1];
	_ =	sdelay $0x3  }
0x36: {  	p1 =	seq.s32 s10, $0x1;
	s10 =	sld [smem:$0x3FB2];
	_ =	sdelay $0x3  }
0x37: {  	[smem:$0x3FB2] =	sst s10  }
0x38: {  	s10 =	sld [smem:$0x3FB3]  }
0x39: {  	_ = 	snop;
	(pc) =	sbr.ind lr, $3  }
0x3a: {  	_ = 	snop  }
0x3b: {  	_ = 	snop  }
0x3c: {  	p2 =	seq.s32 s10, $0x1;
	s10 =	sld [smem:$0x3FB2]  }
0x3d: {  	_ =	shalt  }
0x3e: {  	_ =	shalt  }
0x3f: {  	_ =	shalt  }
0x40: {  	_ =	shalt  }
0x41: {  	_ =	shalt  }
0x42: {  	_ =	shalt  }
0x43: {  	_ =	shalt  }
0x44: {  	_ =	shalt  }
0x45: {  	_ =	shalt  }
0x46: {  	_ =	shalt  }
0x47: {  	_ =	shalt  }
0x48: {  	_ =	shalt  }
0x49: {  	_ =	shalt  }
0x4a: {  	_ =	shalt  }
0x4b: {  	_ =	shalt  }
0x4c: {  	_ =	shalt  }
0x4d: {  	_ =	shalt  }
0x4e: {  	_ =	shalt  }
0x4f: {  	_ =	shalt  }
0x50: {  	_ =	shalt  }
0x51: {  	_ =	shalt  }
0x52: {  	_ =	shalt  }
0x53: {  	_ =	shalt  }
0x54: {  	_ =	shalt  }
0x55: {  	_ =	shalt  }
0x56: {  	_ =	shalt  }
0x57: {  	_ =	shalt  }
0x58: {  	_ =	shalt  }
0x59: {  	_ =	shalt  }
0x5a: {  	_ =	shalt  }
0x5b: {  	_ =	shalt  }
0x5c: {  	_ =	shalt  }
0x5d: {  	_ =	shalt  }
0x5e: {  	_ =	shalt  }
0x5f: {  	_ =	shalt  }
0x60: {  	_ =	shalt  }
0x61: {  	_ =	shalt  }
0x62: {  	_ =	shalt  }
0x63: {  	_ =	shalt  }
0x64: {  	_ =	shalt  }
0x65: {  	_ =	shalt  }
0x66: {  	_ =	shalt  }
0x67: {  	_ =	shalt  }
0x68: {  	_ =	shalt  }
0x69: {  	_ =	shalt  }
0x6a: {  	_ =	shalt  }
0x6b: {  	_ =	shalt  }
0x6c: {  	_ =	shalt  }
0x6d: {  	_ =	shalt  }
0x6e: {  	_ =	shalt  }
0x6f: {  	_ =	shalt  }
0x70: {  	_ =	shalt  }
0x71: {  	_ =	shalt  }
0x72: {  	_ =	shalt  }
0x73: {  	_ =	shalt  }
0x74: {  	_ =	shalt  }
0x75: {  	_ =	shalt  }
0x76: {  	_ =	shalt  }
0x77: {  	_ =	shalt  }
0x78: {  	_ =	shalt  }
0x79: {  	_ =	shalt  }
0x7a: {  	_ =	shalt  }
0x7b: {  	_ =	shalt  }
0x7c: {  	_ =	shalt  }
0x7d: {  	_ =	shalt  }
0x7e: {  	_ =	shalt  }
0x7f: {  	_ =	shalt  }
0x80: {  	_ =	shalt  }
0x81: {  	_ =	shalt  }
0x82: {  	_ =	shalt  }
0x83: {  	_ =	shalt  }
0x84: {  	_ =	shalt  }
0x85: {  	_ =	shalt  }
0x86: {  	_ =	shalt  }
0x87: {  	_ =	shalt  }
.Lfunc_end0:
.L_simem_size_0:
called_computation.1_lowered:
.L_overlay_start_0:
0x88: {  	s2 =	sld [smem:$0x3FD9]  }
0x89: {  	s3 =	sld [smem:$0x3FFE];
	_ =	sdelay $0x1  }
0x8a: {  	s1 =	srdreg.scid  }
0x8b: {  	s0 =	sand.u32 $0x1, s1  }
0x8c: {  	s17 =	sshll.u32 s0, $0xA;
	s2 =	sadd.s32 s3, s2  }
0x8d: {  	s2 =	sadd.s32 s2, s17  }
0x8e: {  	[smem:$0x3FBE] =	sst s2  }
0x8f: {  	_ = 	snop  }
0x90: {  	s2 =	sld [smem:$0x3FD0];
	(tm) =	ssettm $0x1  }
0x91: {  	s18 =	sld [smem:$0x3FFB];
	_ =	sdelay $0x3  }
0x92: {  	_ =	strace s18  }
0x93: {  	s3 =	sld [smem:$0x3FFC];
	_ =	sdelay $0x3  }
0x94: {  	_ =	strace s3  }
0x95: {  	s3 =	sld [smem:$0x3FFD];
	_ =	sdelay $0x3  }
0x96: {  	_ =	strace s3  }
0x97: {  	_ =	strace $0x8FFFFFFF  }
0x98: {  	s19 =	sld [smem:$0x3FDB];
	_ =	sdelay $0x1  }
0x99: {  	s4 =	simm.s32 $_scs_section_size  }
0x9a: {  	s5 =	simm.s32 $_size__tile_overlayer_lowered;
	s6 =	simm.s32 $_tile_overlayer_lowered  }
0x9b: {  	s22 =	simm.s32 $0x1BFF;
	s21 =	sshll.u32 s6, $0x1;
	s3 =	sadd.s32 s4, s19  }
0x9c: {  	s7 =	simm.s32 $0x0;
	s20 =	sshll.u32 s5, $0x1;
	s5 =	sadd.s32 s21, s3  }
0x9d: {  	[timem:s7], [sflag:s22] =	dma.local [hbm:s5], s20  }
0x9e: {  	_ =	swait.ge [sflag:s22], s20  }
0x9f: {  	s4 =	ssub.s32 $0x0, s20;
	[sflag:s22] =	ssyncset.done $0x0  }
0xa0: {  	[sflag:s22] =	ssyncadd.s32 s4;
	_ =	sdelay $0x1  }
0xa1: {  	s23 =	simm.s32 $0x1B8B  }
0xa2: {  	_ =	swait.ge [sflag:s23], $0x1  }
0xa3: {  	[sflag:s23] =	ssyncset.done $0x0  }
0xa4: {  	s25 =	simm.s32 $0x1B8E;
	s24 =	sld [smem:$0x3FFE];
	[sflag:s23] =	ssyncadd.s32 $0xFFFFFFFF  }
0xa5: {  	s26 =	simm.s32 $execute0_lowered;
	[smem:$0x3FD2] =	sst s25  }
0xa6: {  	s5 =	sshll.u32 s26, $0x1;
	_ =	strace $0x80000049;
	[dreg:$0x1] =	wrdreg $0xFFFFFFFF  }
0xa7: {  	s28 =	simm.s32 $_size_execute0_lowered;
	s3 =	sadd.s32 s3, s5;
	[dreg:$0x0] =	wrdreg $0x0  }
0xa8: {  	s5 =	sshll.u32 s28, $0x1;
	[dreg:$0x2] =	wrdreg s3  }
0xa9: {  	[dreg:$0x3] =	wrdreg s5  }
0xaa: {  	[dreg:$0x4] =	wrdreg $0xC0  }
0xab: {  	_ =	task [dreg:s7], $0x5FFFF  }
0xac: {  	[dreg:$0x1] =	wrdreg $0xFFFFFFFF  }
0xad: {  	[dreg:$0x0] =	wrdreg $0x60  }
0xae: {  	[dreg:$0x2] =	wrdreg s2  }
0xaf: {  	[dreg:$0x3] =	wrdreg s24  }
0xb0: {  	[dreg:$0x4] =	wrdreg $0xBF800  }
0xb1: {  	[dreg:$0x5] =	wrdreg $0x9  }
0xb2: {  	_ =	task.clear_ibuf [dreg:s7], $0x6FFFF;
	_ =	strace $0x90000049  }
0xb3: {  	s29 =	simm.s32 $0x9;
	_ =	strace $0x8000004B  }
0xb4: {  	_ =	swait.ge [sflag:s29], $0x1  }
0xb5: {  	[sflag:s29] =	ssyncadd.s32 $0xFFFFFFFF  }
0xb6: {  	_ =	strace $0x9000004B  }
0xb7: {  	_ =	sfence  }
0xb8: {  	s30 =	sld [smem:$0x0];
	_ =	sdelay $0x2  }
0xb9: {  	s31 =	sshll.u32 s1, $0xD;
	s1 =	sshrl.u32 s1, $0x2  }
0xba: {  	s3 =	sand.u32 $0x4000, s31;
	s1 =	sadd.s32 s1, s30  }
0xbb: {  	s0 =	sor.u32 s3, s0;
	s1 =	sshll.u32 s1, $0x11  }
0xbc: {  	s0 =	sor.u32 s1, s0  }
0xbd: {  	s0 =	sadd.s32 $0x8F2B, s0  }
0xbe: {  	[sflag:s0] =	ssyncadd.remote.s32 $0x1  }
0xbf: {  	_ =	sfence.sel $0xFFFF  }
0xc0: {  	[dreg:$0x0] =	wrdreg $0xFFFFFFFF;
	(pc) =	sbr.abs _section_cstart, $3  }
0xc1: {  	[dreg:$0x1] =	wrdreg $0xFFFFFFFF  }
0xc2: {  	_ =	task.clear_ibuf [dreg:s7], $0x2FFFF;
	_ =	strace $0x9FFFFFFF  }
0xc3: {  	(tm) =	ssettm $0x7FFFFFFF  }
tec
execute0_lowered:
.L_overlay_start_1:
0x0: {  	(tag) =	ssettag $0x1  }
0x1: {  	s0 =	srdreg.scid;
	s1 =	rddreg [dreg:$0x0]  }
0x2: {  	s2 =	rddreg [dreg:$0x1];
	s20 =	stileid.u32  }
0x3: {  	s3 =	rddreg [dreg:$0x2];
	s7 =	simm.s32 $0x0;
	s23 =	smul.u32 $0xA000, s20  }
0x4: {  	s28 =	simm.s32 $0x2780;
	s0 =	sand.u32 $0x1, s0;
	s10 =	smul.u32 $0x2800, s20  }
0x5: {  	s29 =	simm.s32 $0x4780;
	s8 =	sor.u32 $0x10, s20;
	s22 =	smul.u32 $0x138800, s0  }
0x6: {  	s30 =	simm.s32 $0x6;
	s31 =	simm.s32 $0x4;
	s9 =	smul.u32 $0xA000, s8  }
0x7: {  	s6 =	sshll.u32 s20, $0x7;
	s11 =	sor.u32 $0x20, s20;
	s8 =	smul.u32 $0x2800, s8  }
0x8: {  	[smem:$0x7FF] =	sst s7;
	s12 =	sor.u32 $0x30, s20;
	s13 =	smul.u32 $0x2800, s11  }
0x9: {  	s14 =	sor.u32 $0x40, s20;
	s17 =	sor.u32 $0x50, s20;
	s15 =	smul.u32 $0x2800, s12  }
0xa: {  	s4 =	sshll.u32 s0, $0x4;
	s6 =	sand.u32 $0x380, s6;
	s18 =	smul.u32 $0x2800, s14  }
0xb: {  	_ =	strace $0x8000004A;
	s0 =	ssub.s32 $0x2, s0;
	s19 =	smul.u32 $0x2800, s17  }
0xc: {  	s4 =	sor.u32 s20, s4;
	s16 =	sshrl.u32 s0, $0x1;
	s23 =	sshrl.u32 s23, $0x2  }
0xd: {  	s5 =	sshrl.u32 s4, $0x3;
	s4 =	sshll.u32 s4, $0xA;
	s0 =	ssub.s32 s0, s16  }
0xe: {  	s16 =	sor.u32 $0x60, s20;
	s21 =	sadd.s32 s22, s10;
	s8 =	sadd.s32 s22, s8  }
0xf: {  	s13 =	sadd.s32 s22, s13;
	s15 =	sadd.s32 s22, s15;
	s18 =	sadd.s32 s22, s18  }
0x10: {  	s19 =	sadd.s32 s22, s19;
	s5 =	smul.u32 $0x13C00, s5;
	s4 =	sadd.s32 s4, s2  }
0x11: {  	s24 =	smul.u32 $0x2800, s16;
	s0 =	smax.u32 s0, $0x1;
	s8 =	sshrl.u32 s8, $0x3  }
0x12: {  	s18 =	sshrl.u32 s18, $0x3;
	s26 =	sadd.s32 $0x2000, s4;
	s4 =	sadd.s32 $0xA000, s4  }
0x13: {  	[dreg:$0x7] =	wrdreg s0;
	s0 =	simm.s32 $0x9780;
	s5 =	sor.u32 s6, s5  }
0x14: {  	[dreg:$0x5] =	wrdreg s26;
	s26 =	smul.u32 $0xA000, s14;
	s5 =	sshrl.u32 s5, $0x3  }
0x15: {  	[dreg:$0x6] =	wrdreg s4;
	s5 =	sadd.s32 s5, s2;
	s2 =	sadd.s32 $0x1BE00, s2  }
0x16: {  	s6 =	sshrl.u32 s26, $0x2;
	s26 =	sshrl.u32 s21, $0x3;
	s5 =	sadd.s32 $0x12000, s5  }
0x17: {  	s14 =	sadd.s32 s2, s26;
	s8 =	sadd.s32 s2, s8;
	[dreg:$0x4] =	wrdreg s5  }
0x18: {  	s21 =	sadd.s32 s2, s18;
	s5 =	sor.u32 $0x70, s20;
	[dreg:$0x8] =	wrdreg s14  }
0x19: {  	s20 =	sadd.s32 s22, s24;
	s24 =	smul.u32 $0xA000, s12;
	[dreg:$0x9] =	wrdreg s8  }
0x1a: {  	s12 =	smul.u32 $0xA000, s16;
	s16 =	sshrl.u32 s13, $0x3;
	[dreg:$0xc] =	wrdreg s21  }
0x1b: {  	s21 =	sadd.s32 s6, s3;
	s25 =	smul.u32 $0x2800, s5;
	s8 =	sadd.s32 s2, s16  }
0x1c: {  	s6 =	simm.s32 $0x3;
	p0 =	sgt.u32 s5, $0x7C;
	[dreg:$0xa] =	wrdreg s8  }
0x1d: {  	s26 =	sshrl.u32 s12, $0x2;
	s12 =	simm.s32 $0x0;
	s7 =	sadd.s32 s22, s25  }
0x1e: {  	s22 =	smul.u32 $0xA000, s11;
	s25 =	sshrl.u32 s9, $0x2;
	s9 =	sadd.s32 s23, s3  }
0x1f: {  	s23 =	sshrl.u32 s20, $0x3;
	s10 =	sadd.s32 s25, s3;
	s25 =	smul.u32 $0xA000, s17  }
0x20: {  	s17 =	sshrl.u32 s15, $0x3;
	s7 =	sshrl.u32 s7, $0x3;
	s4 =	sshrl.u32 s22, $0x2  }
0x21: {  	s8 =	sadd.s32 s2, s17;
	s22 =	sshrl.u32 s19, $0x3;
	s19 =	sadd.s32 s2, s7  }
0x22: {  	s7 =	simm.s32 $0x4580;
	s11 =	sadd.s32 s4, s3;
	s4 =	sshrl.u32 s24, $0x2  }
0x23: {  	[dreg:$0xb] =	wrdreg s8;
	s8 =	sadd.s32 s2, s22;
	s24 =	smul.u32 $0xA000, s5  }
0x24: {  	s25 =	sshrl.u32 s25, $0x2;
	s5 =	simm.s32 $0x2;
	[dreg:$0xd] =	wrdreg s8  }
0x25: {  	s8 =	sadd.s32 s2, s23;
	s20 =	sadd.s32 s4, s3;
	s22 =	sadd.s32 s25, s3  }
0x26: {  	s23 =	sadd.s32 s26, s3;
	s25 =	simm.s32 $0x50;
	s26 =	simm.s32 $0x6F80  }
0x27: {  	s4 =	simm.s32 $0x1;
	[dreg:$0xe] =	wrdreg s8;
	s2 =	sshrl.u32 s24, $0x2  }
0x28: {  	v0 =	vimm.f32 $0.0e+00;
	s8 =	simm.s32 $0x4600;
	s24 =	sadd.s32 s2, s3;
	s2 =	simm.s32 $0x5  }
.LBB2_1:
0x29: {  	s13 =	simm.s32 $0x0  }
0x2a: {  	s14 =	rddreg [dreg:$0x4];
	s15 =	simm.s32 $0x80;
	s16 =	simm.s32 $0x400  }
0x2b: {  	[tilespmem:s13], [sflag:$0x4] =	stream.strided.gather [hbm4b:s14+s15], $0x2780, s16, s15, $0x38;
	[tilespmem:$0x1F800] =	vst v63  }
0x2c: {  	s18 =	rddreg [dreg:$0x5]  }
0x2d: {  	[tilespmem:s28], [sflag:$0x5] =	stream.linear.gather [hbm4b:s18+s13], $0x1F80, $0x38;
	[tilespmem:$0x1F800] =	vst v63  }
0x2e: {  	s14 =	simm.s32 $0x3C0;
	s13 =	simm.s32 $0x70  }
.LBB2_2:
0x2f: {  	p1 =	sne.s32 s14, $0x9FC0;
	[tilespmem:s13+$0x4780] =	vst v0  }
0x30: {  	[tilespmem:s13+$0x4710] =	vst v0  }
0x31: {  	[tilespmem:s13+$0x4720] =	vst v0  }
.Ltmp0:
0x32: {  	[tilespmem:s13+$0x4730] =	vst v0;
	(pc) =	sbr.rel @p1 .LBB2_2-.Ltmp0, $4  }
0x33: {  	[tilespmem:s13+$0x4740] =	vst v0  }
0x34: {  	[tilespmem:s13+$0x4750] =	vst v0  }
0x35: {  	[tilespmem:s13+$0x4760] =	vst v0  }
0x36: {  	[tilespmem:s13+$0x4770] =	vst v0;
	s13 =	sshra.s32 s14, $0x2;
	s14 =	sadd.s32 $0x200, s14  }
0x37: {  	[tilespmem:s13+$0x4780] =	vst v0  }
0x38: {  	[tilespmem:s13+$0x4710] =	vst v0  }
0x39: {  	[tilespmem:s13+$0x4720] =	vst v0  }
0x3a: {  	[tilespmem:s13+$0x4730] =	vst v0  }
0x3b: {  	[tilespmem:s13+$0x4740] =	vst v0  }
0x3c: {  	[tilespmem:s13+$0x4750] =	vst v0  }
0x3d: {  	[tilespmem:s13+$0x4760] =	vst v0  }
0x3e: {  	[tilespmem:s13+$0x4770] =	vst v0  }
0x3f: {  	[spmem:s9] =	stream.linear.scatter [tilespmem:s29], [sflag:$0x6], $0x2800, $0x38;
	[tilespmem:$0x1F800] =	vst v63  }
0x40: {  	_ =	swait.ge [sflag:s30], $0x2800  }
0x41: {  	[sflag:s30] =	ssyncset.done $0x0  }
0x42: {  	[sflag:s30] =	ssyncadd.s32 $0xFFFFD800  }
0x43: {  	[spmem:s10] =	stream.linear.scatter [tilespmem:s29], [sflag:$0x6], $0x2800, $0x38;
	[tilespmem:$0x1F800] =	vst v63  }
0x44: {  	_ =	swait.ge [sflag:s30], $0x2800  }
0x45: {  	[sflag:s30] =	ssyncset.done $0x0  }
0x46: {  	[sflag:s30] =	ssyncadd.s32 $0xFFFFD800  }
0x47: {  	[spmem:s11] =	stream.linear.scatter [tilespmem:s29], [sflag:$0x6], $0x2800, $0x38;
	[tilespmem:$0x1F800] =	vst v63  }
0x48: {  	_ =	swait.ge [sflag:s30], $0x2800  }
0x49: {  	[sflag:s30] =	ssyncset.done $0x0  }
0x4a: {  	[sflag:s30] =	ssyncadd.s32 $0xFFFFD800  }
0x4b: {  	[spmem:s20] =	stream.linear.scatter [tilespmem:s29], [sflag:$0x6], $0x2800, $0x38;
	[tilespmem:$0x1F800] =	vst v63  }
0x4c: {  	_ =	swait.ge [sflag:s30], $0x2800  }
0x4d: {  	[sflag:s30] =	ssyncset.done $0x0  }
0x4e: {  	[sflag:s30] =	ssyncadd.s32 $0xFFFFD800  }
0x4f: {  	[spmem:s21] =	stream.linear.scatter [tilespmem:s29], [sflag:$0x6], $0x2800, $0x38;
	[tilespmem:$0x1F800] =	vst v63  }
0x50: {  	_ =	swait.ge [sflag:s30], $0x2800  }
0x51: {  	[sflag:s30] =	ssyncset.done $0x0  }
0x52: {  	[sflag:s30] =	ssyncadd.s32 $0xFFFFD800  }
0x53: {  	[spmem:s22] =	stream.linear.scatter [tilespmem:s29], [sflag:$0x6], $0x2800, $0x38;
	[tilespmem:$0x1F800] =	vst v63  }
0x54: {  	_ =	swait.ge [sflag:s30], $0x2800  }
0x55: {  	[sflag:s30] =	ssyncset.done $0x0  }
0x56: {  	[sflag:s30] =	ssyncadd.s32 $0xFFFFD800  }
0x57: {  	[spmem:s23] =	stream.linear.scatter [tilespmem:s29], [sflag:$0x6], $0x2800, $0x38;
	[tilespmem:$0x1F800] =	vst v63  }
0x58: {  	_ =	swait.ge [sflag:s30], $0x2800  }
0x59: {  	[sflag:s30] =	ssyncset.done $0x0  }
0x5a: {  	s13 =	simm.s32 @!p0 $0x4780;
	[sflag:s30] =	ssyncadd.s32 $0xFFFFD800  }
0x5b: {  	[spmem:s24] =	stream.linear.scatter @!p0 [tilespmem:s13], [sflag:$0x6], $0x2800, $0x38;
	[tilespmem:$0x1F800] =	vst v63  }
0x5c: {  	s13 =	simm.s32 @!p0 $0x6  }
0x5d: {  	_ =	swait.ge @!p0 [sflag:s13], $0x2800  }
0x5e: {  	[sflag:s13] =	ssyncset.done @!p0 $0x0  }
0x5f: {  	[sflag:s13] =	ssyncadd.s32 @!p0 $0xFFFFD800  }
0x60: {  	_ =	swait.ge [sflag:s31], $0x2780  }
0x61: {  	[sflag:s31] =	ssyncset.done $0x0  }
0x62: {  	[sflag:s31] =	ssyncadd.s32 $0xFFFFD880  }
0x63: {  	_ =	swait.ge [sflag:s2], $0x1F80  }
0x64: {  	[sflag:s2] =	ssyncset.done $0x0  }
0x65: {  	[sflag:s2] =	ssyncadd.s32 $0xFFFFE080  }
0x66: {  	s17 =	simm.s32 $0x0;
	[bflag:$0x0] =	sbarrier.arrive $0xFFFF  }
0x67: {  	[tilespmem:s29], [sflag:$0x1] =	stream.indirect.gather [hbm4b:s1+s25], $0x80, s17, s25, $0xb8;
	[tilespmem:$0x1F800] =	vst v63  }
0x68: {  	_ = 	snop  }
0x69: {  	[tilespmem:s26], [sflag:$0x2] =	stream.indirect.gather [hbm4b:s1+s25], $0x80, s25, s25, $0xb8;
	[tilespmem:$0x1F800] =	vst v63  }
0x6a: {  	s18 =	simm.s32 $0xA0  }
0x6b: {  	[tilespmem:s0], [sflag:$0x3] =	stream.indirect.gather [hbm4b:s1+s25], $0x80, s18, s25, $0xb8;
	[tilespmem:$0x1F800] =	vst v63  }
0x6c: {  	_ =	swait.ge [sflag:s4], $0x2800  }
0x6d: {  	[sflag:s4] =	ssyncset.done $0x0  }
0x6e: {  	s14 =	simm.s32 $0x2780;
	[sflag:s4] =	ssyncadd.s32 $0xFFFFD800  }
0x6f: {  	[spmem:s3] =	stream.indirect.scatter.add.f32 [tilespmem:s29], [sflag:$0x6], $0x80, s14, s25, $0xb8;
	[tilespmem:$0x1F800] =	vst v63  }
0x70: {  	_ =	swait.ge [sflag:s30], $0x2800  }
0x71: {  	[sflag:s30] =	ssyncset.done $0x0  }
0x72: {  	s15 =	simm.s32 $0xF0;
	[sflag:s30] =	ssyncadd.s32 $0xFFFFD800  }
0x73: {  	[tilespmem:s29], [sflag:$0x1] =	stream.indirect.gather [hbm4b:s1+s25], $0x80, s15, s25, $0xb8;
	[tilespmem:$0x1F800] =	vst v63  }
0x74: {  	_ =	swait.ge [sflag:s5], $0x2800  }
0x75: {  	[sflag:s5] =	ssyncset.done $0x0  }
0x76: {  	s16 =	simm.s32 $0x2800;
	[sflag:s5] =	ssyncadd.s32 $0xFFFFD800  }
0x77: {  	[spmem:s3] =	stream.indirect.scatter.add.f32 [tilespmem:s26], [sflag:$0x6], $0x80, s16, s25, $0xb8;
	[tilespmem:$0x1F800] =	vst v63  }
0x78: {  	_ =	swait.ge [sflag:s30], $0x2800  }
0x79: {  	[sflag:s30] =	ssyncset.done $0x0  }
0x7a: {  	s17 =	simm.s32 $0x140;
	[sflag:s30] =	ssyncadd.s32 $0xFFFFD800  }
0x7b: {  	[tilespmem:s26], [sflag:$0x2] =	stream.indirect.gather [hbm4b:s1+s25], $0x80, s17, s25, $0xb8;
	[tilespmem:$0x1F800] =	vst v63  }
0x7c: {  	_ =	swait.ge [sflag:s6], $0x2800  }
0x7d: {  	[sflag:s6] =	ssyncset.done $0x0  }
0x7e: {  	s18 =	simm.s32 $0x2880;
	[sflag:s6] =	ssyncadd.s32 $0xFFFFD800  }
0x7f: {  	[spmem:s3] =	stream.indirect.scatter.add.f32 [tilespmem:s0], [sflag:$0x6], $0x80, s18, s25, $0xb8;
	[tilespmem:$0x1F800] =	vst v63  }
0x80: {  	_ =	swait.ge [sflag:s30], $0x2800  }
0x81: {  	s13 =	simm.s32 $0x190;
	[sflag:s30] =	ssyncset.done $0x0  }
0x82: {  	s14 =	simm.s32 $0x600;
	s15 =	simm.s32 $0x280;
	[sflag:s30] =	ssyncadd.s32 $0xFFFFD800  }
.LBB2_4:
0x83: {  	[tilespmem:s0], [sflag:$0x3] =	stream.indirect.gather [hbm4b:s1+s25], $0x80, s13, s25, $0xb8;
	[tilespmem:$0x1F800] =	vst v63  }
0x84: {  	s16 =	smov.u32 s14;
	s13 =	smov.u32 s15  }
0x85: {  	p1 =	sne.s32 s14, $0x7200;
	s14 =	sadd.s32 $0x600, s14;
	_ =	swait.ge [sflag:s4], $0x2800  }
0x86: {  	s16 =	sshra.s32 s16, $0x2;
	[sflag:s4] =	ssyncset.done $0x0  }
0x87: {  	s17 =	sadd.s32 $0x2780, s16;
	[sflag:s4] =	ssyncadd.s32 $0xFFFFD800  }
0x88: {  	[spmem:s3] =	stream.indirect.scatter.add.f32 [tilespmem:s29], [sflag:$0x6], $0x80, s17, s25, $0xb8;
	[tilespmem:$0x1F800] =	vst v63  }
0x89: {  	_ =	swait.ge [sflag:s30], $0x2800  }
0x8a: {  	[sflag:s30] =	ssyncset.done $0x0  }
0x8b: {  	s17 =	sadd.s32 $0xFFFFFF60, s15;
	[sflag:s30] =	ssyncadd.s32 $0xFFFFD800  }
0x8c: {  	[tilespmem:s29], [sflag:$0x1] =	stream.indirect.gather [hbm4b:s1+s25], $0x80, s17, s25, $0xb8;
	[tilespmem:$0x1F800] =	vst v63  }
0x8d: {  	_ =	swait.ge [sflag:s5], $0x2800  }
0x8e: {  	[sflag:s5] =	ssyncset.done $0x0  }
0x8f: {  	s17 =	sadd.s32 $0x2800, s16;
	[sflag:s5] =	ssyncadd.s32 $0xFFFFD800  }
0x90: {  	[spmem:s3] =	stream.indirect.scatter.add.f32 [tilespmem:s26], [sflag:$0x6], $0x80, s17, s25, $0xb8;
	[tilespmem:$0x1F800] =	vst v63  }
0x91: {  	_ =	swait.ge [sflag:s30], $0x2800  }
0x92: {  	[sflag:s30] =	ssyncset.done $0x0  }
0x93: {  	s17 =	sadd.s32 $0xFFFFFFB0, s15;
	[sflag:s30] =	ssyncadd.s32 $0xFFFFD800  }
0x94: {  	[tilespmem:s26], [sflag:$0x2] =	stream.indirect.gather [hbm4b:s1+s25], $0x80, s17, s25, $0xb8;
	[tilespmem:$0x1F800] =	vst v63  }
0x95: {  	_ =	swait.ge [sflag:s6], $0x2800  }
0x96: {  	[sflag:s6] =	ssyncset.done $0x0  }
.Ltmp1:
0x97: {  	s16 =	sadd.s32 $0x2880, s16;
	[sflag:s6] =	ssyncadd.s32 $0xFFFFD800;
	(pc) =	sbr.rel @p1 .LBB2_4-.Ltmp1, $4  }
0x98: {  	[spmem:s3] =	stream.indirect.scatter.add.f32 [tilespmem:s0], [sflag:$0x6], $0x80, s16, s25, $0xb8;
	[tilespmem:$0x1F800] =	vst v63  }
0x99: {  	_ =	swait.ge [sflag:s30], $0x2800  }
0x9a: {  	[sflag:s30] =	ssyncset.done $0x0  }
0x9b: {  	s15 =	sadd.s32 $0xF0, s15;
	[sflag:s30] =	ssyncadd.s32 $0xFFFFD800  }
0x9c: {  	[tilespmem:s0], [sflag:$0x3] =	stream.indirect.gather [hbm4b:s1+s25], $0x80, s13, s25, $0xb8;
	[tilespmem:$0x1F800] =	vst v63  }
0x9d: {  	_ =	swait.ge [sflag:s4], $0x2800  }
0x9e: {  	[sflag:s4] =	ssyncset.done $0x0  }
0x9f: {  	[sflag:s4] =	ssyncadd.s32 $0xFFFFD800  }
0xa0: {  	[spmem:s3] =	stream.indirect.scatter.add.f32 [tilespmem:s29], [sflag:$0x6], $0x80, s7, s25, $0xb8;
	[tilespmem:$0x1F800] =	vst v63  }
0xa1: {  	_ =	swait.ge [sflag:s30], $0x2800  }
0xa2: {  	[sflag:s30] =	ssyncset.done $0x0  }
0xa3: {  	[sflag:s30] =	ssyncadd.s32 $0xFFFFD800  }
0xa4: {  	_ =	swait.ge [sflag:s5], $0x2800  }
0xa5: {  	[sflag:s5] =	ssyncset.done $0x0  }
0xa6: {  	[sflag:s5] =	ssyncadd.s32 $0xFFFFD800  }
0xa7: {  	[spmem:s3] =	stream.indirect.scatter.add.f32 [tilespmem:s26], [sflag:$0x6], $0x80, s8, s25, $0xb8;
	[tilespmem:$0x1F800] =	vst v63  }
0xa8: {  	_ =	swait.ge [sflag:s30], $0x2800  }
0xa9: {  	[sflag:s30] =	ssyncset.done $0x0  }
0xaa: {  	[sflag:s30] =	ssyncadd.s32 $0xFFFFD800  }
0xab: {  	_ =	swait.ge [sflag:s6], $0x2800  }
0xac: {  	[sflag:s6] =	ssyncset.done $0x0  }
0xad: {  	s14 =	simm.s32 $0x4680;
	[sflag:s6] =	ssyncadd.s32 $0xFFFFD800  }
0xae: {  	[spmem:s3] =	stream.indirect.scatter.add.f32 [tilespmem:s0], [sflag:$0x6], $0x80, s14, s25, $0xb8;
	[tilespmem:$0x1F800] =	vst v63  }
0xaf: {  	_ =	swait.ge [sflag:s30], $0x2800  }
0xb0: {  	[sflag:s30] =	ssyncset.done $0x0  }
0xb1: {  	s15 =	simm.s32 $0x0;
	s14 =	rddreg [dreg:$0x6];
	[sflag:s30] =	ssyncadd.s32 $0xFFFFD800  }
0xb2: {  	[tilespmem:s28], [sflag:$0x6] =	stream.linear.gather [hbm4b:s14+s15], $0x1F00, $0x38;
	[tilespmem:$0x1F800] =	vst v63  }
0xb3: {  	_ =	swait.ge [sflag:s30], $0x1F00  }
0xb4: {  	[sflag:s30] =	ssyncset.done $0x0  }
0xb5: {  	s16 =	simm.s32 $0x13B0;
	[sflag:s30] =	ssyncadd.s32 $0xFFFFE100  }
0xb6: {  	[tilespmem:s29], [sflag:$0x1] =	stream.indirect.gather [hbm4b:s1+s25], $0x80, s16, s25, $0xb8;
	[tilespmem:$0x1F800] =	vst v63  }
0xb7: {  	s17 =	simm.s32 $0x1400  }
0xb8: {  	[tilespmem:s26], [sflag:$0x2] =	stream.indirect.gather [hbm4b:s1+s25], $0x80, s17, s25, $0xb8;
	[tilespmem:$0x1F800] =	vst v63  }
0xb9: {  	s18 =	simm.s32 $0x1450  }
0xba: {  	[tilespmem:s0], [sflag:$0x3] =	stream.indirect.gather [hbm4b:s1+s25], $0x80, s18, s25, $0xb8;
	[tilespmem:$0x1F800] =	vst v63  }
0xbb: {  	_ =	swait.ge [sflag:s4], $0x2800  }
0xbc: {  	[sflag:s4] =	ssyncset.done $0x0  }
0xbd: {  	s14 =	simm.s32 $0x2780;
	[sflag:s4] =	ssyncadd.s32 $0xFFFFD800  }
0xbe: {  	[spmem:s3] =	stream.indirect.scatter.add.f32 [tilespmem:s29], [sflag:$0x6], $0x80, s14, s25, $0xb8;
	[tilespmem:$0x1F800] =	vst v63  }
0xbf: {  	_ =	swait.ge [sflag:s30], $0x2800  }
0xc0: {  	[sflag:s30] =	ssyncset.done $0x0  }
0xc1: {  	s15 =	simm.s32 $0x14A0;
	[sflag:s30] =	ssyncadd.s32 $0xFFFFD800  }
0xc2: {  	[tilespmem:s29], [sflag:$0x1] =	stream.indirect.gather [hbm4b:s1+s25], $0x80, s15, s25, $0xb8;
	[tilespmem:$0x1F800] =	vst v63  }
0xc3: {  	_ =	swait.ge [sflag:s5], $0x2800  }
0xc4: {  	[sflag:s5] =	ssyncset.done $0x0  }
0xc5: {  	s16 =	simm.s32 $0x2800;
	[sflag:s5] =	ssyncadd.s32 $0xFFFFD800  }
0xc6: {  	[spmem:s3] =	stream.indirect.scatter.add.f32 [tilespmem:s26], [sflag:$0x6], $0x80, s16, s25, $0xb8;
	[tilespmem:$0x1F800] =	vst v63  }
0xc7: {  	_ =	swait.ge [sflag:s30], $0x2800  }
0xc8: {  	[sflag:s30] =	ssyncset.done $0x0  }
0xc9: {  	s17 =	simm.s32 $0x14F0;
	[sflag:s30] =	ssyncadd.s32 $0xFFFFD800  }
0xca: {  	[tilespmem:s26], [sflag:$0x2] =	stream.indirect.gather [hbm4b:s1+s25], $0x80, s17, s25, $0xb8;
	[tilespmem:$0x1F800] =	vst v63  }
0xcb: {  	_ =	swait.ge [sflag:s6], $0x2800  }
0xcc: {  	[sflag:s6] =	ssyncset.done $0x0  }
0xcd: {  	s18 =	simm.s32 $0x2880;
	[sflag:s6] =	ssyncadd.s32 $0xFFFFD800  }
0xce: {  	[spmem:s3] =	stream.indirect.scatter.add.f32 [tilespmem:s0], [sflag:$0x6], $0x80, s18, s25, $0xb8;
	[tilespmem:$0x1F800] =	vst v63  }
0xcf: {  	_ =	swait.ge [sflag:s30], $0x2800  }
0xd0: {  	s13 =	simm.s32 $0x1630;
	[sflag:s30] =	ssyncset.done $0x0  }
0xd1: {  	s14 =	simm.s32 $0x600;
	s16 =	simm.s32 $0x1540;
	[sflag:s30] =	ssyncadd.s32 $0xFFFFD800  }
.LBB2_6:
0xd2: {  	s15 =	smov.u32 s13  }
0xd3: {  	[tilespmem:s0], [sflag:$0x3] =	stream.indirect.gather [hbm4b:s1+s25], $0x80, s16, s25, $0xb8;
	[tilespmem:$0x1F800] =	vst v63  }
0xd4: {  	s16 =	smov.u32 s14;
	s14 =	sadd.s32 $0x600, s14;
	_ =	swait.ge [sflag:s4], $0x2800  }
0xd5: {  	s17 =	sshra.s32 s16, $0x2;
	p1 =	sne.s32 s14, $0x7200;
	[sflag:s4] =	ssyncset.done $0x0  }
0xd6: {  	s16 =	smov.u32 s13;
	s18 =	sadd.s32 $0x2780, s17;
	[sflag:s4] =	ssyncadd.s32 $0xFFFFD800  }
0xd7: {  	[spmem:s3] =	stream.indirect.scatter.add.f32 [tilespmem:s29], [sflag:$0x6], $0x80, s18, s25, $0xb8;
	[tilespmem:$0x1F800] =	vst v63  }
0xd8: {  	_ =	swait.ge [sflag:s30], $0x2800  }
0xd9: {  	[sflag:s30] =	ssyncset.done $0x0  }
0xda: {  	s18 =	sadd.s32 $0xFFFFFF60, s13;
	[sflag:s30] =	ssyncadd.s32 $0xFFFFD800  }
0xdb: {  	[tilespmem:s29], [sflag:$0x1] =	stream.indirect.gather [hbm4b:s1+s25], $0x80, s18, s25, $0xb8;
	[tilespmem:$0x1F800] =	vst v63  }
0xdc: {  	_ =	swait.ge [sflag:s5], $0x2800  }
0xdd: {  	[sflag:s5] =	ssyncset.done $0x0  }
0xde: {  	s18 =	sadd.s32 $0x2800, s17;
	[sflag:s5] =	ssyncadd.s32 $0xFFFFD800  }
0xdf: {  	[spmem:s3] =	stream.indirect.scatter.add.f32 [tilespmem:s26], [sflag:$0x6], $0x80, s18, s25, $0xb8;
	[tilespmem:$0x1F800] =	vst v63  }
0xe0: {  	_ =	swait.ge [sflag:s30], $0x2800  }
0xe1: {  	[sflag:s30] =	ssyncset.done $0x0  }
0xe2: {  	s18 =	sadd.s32 $0xFFFFFFB0, s13;
	[sflag:s30] =	ssyncadd.s32 $0xFFFFD800  }
0xe3: {  	[tilespmem:s26], [sflag:$0x2] =	stream.indirect.gather [hbm4b:s1+s25], $0x80, s18, s25, $0xb8;
	[tilespmem:$0x1F800] =	vst v63  }
0xe4: {  	_ =	swait.ge [sflag:s6], $0x2800  }
0xe5: {  	[sflag:s6] =	ssyncset.done $0x0  }
.Ltmp2:
0xe6: {  	s17 =	sadd.s32 $0x2880, s17;
	[sflag:s6] =	ssyncadd.s32 $0xFFFFD800;
	(pc) =	sbr.rel @p1 .LBB2_6-.Ltmp2, $4  }
0xe7: {  	[spmem:s3] =	stream.indirect.scatter.add.f32 [tilespmem:s0], [sflag:$0x6], $0x80, s17, s25, $0xb8;
	[tilespmem:$0x1F800] =	vst v63  }
0xe8: {  	_ =	swait.ge [sflag:s30], $0x2800  }
0xe9: {  	[sflag:s30] =	ssyncset.done $0x0  }
0xea: {  	s13 =	sadd.s32 $0xF0, s13;
	[sflag:s30] =	ssyncadd.s32 $0xFFFFD800  }
0xeb: {  	[tilespmem:s0], [sflag:$0x3] =	stream.indirect.gather [hbm4b:s1+s25], $0x80, s16, s25, $0xb8;
	[tilespmem:$0x1F800] =	vst v63  }
0xec: {  	_ =	swait.ge [sflag:s4], $0x2800  }
0xed: {  	s13 =	sshra.s32 s14, $0x2;
	[sflag:s4] =	ssyncset.done $0x0  }
0xee: {  	s14 =	sadd.s32 $0x2780, s13;
	[sflag:s4] =	ssyncadd.s32 $0xFFFFD800  }
0xef: {  	[spmem:s3] =	stream.indirect.scatter.add.f32 [tilespmem:s29], [sflag:$0x6], $0x80, s14, s25, $0xb8;
	[tilespmem:$0x1F800] =	vst v63  }
0xf0: {  	_ =	swait.ge [sflag:s30], $0x2800  }
0xf1: {  	[sflag:s30] =	ssyncset.done $0x0  }
0xf2: {  	s16 =	sadd.s32 $0x50, s15;
	[sflag:s30] =	ssyncadd.s32 $0xFFFFD800  }
0xf3: {  	[tilespmem:s29], [sflag:$0x1] =	stream.indirect.gather [hbm4b:s1+s25], $0x80, s16, s25, $0xb8;
	[tilespmem:$0x1F800] =	vst v63  }
0xf4: {  	_ =	swait.ge [sflag:s5], $0x2800  }
0xf5: {  	[sflag:s5] =	ssyncset.done $0x0  }
0xf6: {  	s17 =	sadd.s32 $0x2800, s13;
	[sflag:s5] =	ssyncadd.s32 $0xFFFFD800  }
0xf7: {  	[spmem:s3] =	stream.indirect.scatter.add.f32 [tilespmem:s26], [sflag:$0x6], $0x80, s17, s25, $0xb8;
	[tilespmem:$0x1F800] =	vst v63  }
0xf8: {  	_ =	swait.ge [sflag:s30], $0x2800  }
0xf9: {  	[sflag:s30] =	ssyncset.done $0x0  }
0xfa: {  	s18 =	sadd.s32 $0xA0, s15;
	[sflag:s30] =	ssyncadd.s32 $0xFFFFD800  }
0xfb: {  	[tilespmem:s26], [sflag:$0x2] =	stream.indirect.gather [hbm4b:s1+s25], $0x80, s18, s25, $0xb8;
	[tilespmem:$0x1F800] =	vst v63  }
0xfc: {  	_ =	swait.ge [sflag:s6], $0x2800  }
0xfd: {  	[sflag:s6] =	ssyncset.done $0x0  }
0xfe: {  	s13 =	sadd.s32 $0x2880, s13;
	[sflag:s6] =	ssyncadd.s32 $0xFFFFD800  }
0xff: {  	[spmem:s3] =	stream.indirect.scatter.add.f32 [tilespmem:s0], [sflag:$0x6], $0x80, s13, s25, $0xb8;
	[tilespmem:$0x1F800] =	vst v63  }
0x100: {  	_ =	swait.ge [sflag:s30], $0x2800  }
0x101: {  	[sflag:s30] =	ssyncset.done $0x0  }
0x102: {  	[sflag:s30] =	ssyncadd.s32 $0xFFFFD800  }
0x103: {  	_ =	swait.ge [sflag:s4], $0x2800  }
0x104: {  	[sflag:s4] =	ssyncset.done $0x0  }
0x105: {  	[sflag:s4] =	ssyncadd.s32 $0xFFFFD800  }
0x106: {  	[spmem:s3] =	stream.indirect.scatter.add.f32 [tilespmem:s29], [sflag:$0x6], $0x80, s7, s25, $0xb8;
	[tilespmem:$0x1F800] =	vst v63  }
0x107: {  	_ =	swait.ge [sflag:s30], $0x2800  }
0x108: {  	[sflag:s30] =	ssyncset.done $0x0  }
0x109: {  	[sflag:s30] =	ssyncadd.s32 $0xFFFFD800  }
0x10a: {  	_ =	swait.ge [sflag:s5], $0x2800  }
0x10b: {  	[sflag:s5] =	ssyncset.done $0x0  }
0x10c: {  	[sflag:s5] =	ssyncadd.s32 $0xFFFFD800  }
0x10d: {  	[spmem:s3] =	stream.indirect.scatter.add.f32 [tilespmem:s26], [sflag:$0x6], $0x80, s8, s25, $0xb8;
	[tilespmem:$0x1F800] =	vst v63  }
0x10e: {  	_ =	swait.ge [sflag:s30], $0x2800  }
0x10f: {  	[sflag:s30] =	ssyncset.done $0x0  }
0x110: {  	s14 =	stileid.u32;
	[sflag:s30] =	ssyncadd.s32 $0xFFFFD800  }
0x111: {  	s13 =	sshll.u32 s14, $0x6;
	[bflag:$0x0] =	sbarrier.arrive $0xFFFF  }
0x112: {  	s15 =	sshrl.u32 s9, $0x3;
	s13 =	sor.u32 $0x1C06, s13;
	s16 =	rddreg [dreg:$0x8]  }
0x113: {  	[hbm:s16], [sflag:s13] =	dma.local [spmem:s15], $0x500  }
0x114: {  	_ =	swait.ge [sflag:s30], $0x500  }
0x115: {  	[sflag:s30] =	ssyncset.done $0x0  }
0x116: {  	s17 =	sshrl.u32 s10, $0x3;
	s18 =	rddreg [dreg:$0x9];
	[sflag:s30] =	ssyncadd.s32 $0xFFFFFB00  }
0x117: {  	[hbm:s18], [sflag:s13] =	dma.local [spmem:s17], $0x500  }
0x118: {  	_ =	swait.ge [sflag:s30], $0x500  }
0x119: {  	[sflag:s30] =	ssyncset.done $0x0  }
0x11a: {  	s15 =	sshrl.u32 s11, $0x3;
	s16 =	rddreg [dreg:$0xa];
	[sflag:s30] =	ssyncadd.s32 $0xFFFFFB00  }
0x11b: {  	[hbm:s16], [sflag:s13] =	dma.local [spmem:s15], $0x500  }
0x11c: {  	_ =	swait.ge [sflag:s30], $0x500  }
0x11d: {  	[sflag:s30] =	ssyncset.done $0x0  }
0x11e: {  	s17 =	sshrl.u32 s20, $0x3;
	s18 =	rddreg [dreg:$0xb];
	[sflag:s30] =	ssyncadd.s32 $0xFFFFFB00  }
0x11f: {  	[hbm:s18], [sflag:s13] =	dma.local [spmem:s17], $0x500  }
0x120: {  	_ =	swait.ge [sflag:s30], $0x500  }
0x121: {  	[sflag:s30] =	ssyncset.done $0x0  }
0x122: {  	s15 =	sshrl.u32 s21, $0x3;
	s16 =	rddreg [dreg:$0xc];
	[sflag:s30] =	ssyncadd.s32 $0xFFFFFB00  }
0x123: {  	[hbm:s16], [sflag:s13] =	dma.local [spmem:s15], $0x500  }
0x124: {  	_ =	swait.ge [sflag:s30], $0x500  }
0x125: {  	[sflag:s30] =	ssyncset.done $0x0  }
0x126: {  	s17 =	sshrl.u32 s22, $0x3;
	s18 =	rddreg [dreg:$0xd];
	[sflag:s30] =	ssyncadd.s32 $0xFFFFFB00  }
0x127: {  	[hbm:s18], [sflag:s13] =	dma.local [spmem:s17], $0x500  }
0x128: {  	_ =	swait.ge [sflag:s30], $0x500  }
0x129: {  	[sflag:s30] =	ssyncset.done $0x0  }
0x12a: {  	s16 =	sshrl.u32 s23, $0x3;
	s17 =	rddreg [dreg:$0xe];
	[sflag:s30] =	ssyncadd.s32 $0xFFFFFB00  }
0x12b: {  	[hbm:s17], [sflag:s13] =	dma.local [spmem:s16], $0x500  }
0x12c: {  	_ =	swait.ge [sflag:s30], $0x500  }
0x12d: {  	[sflag:s30] =	ssyncset.done $0x0  }
0x12e: {  	s14 =	sshrl.u32 @!p0 s24, $0x3;
	[sflag:s30] =	ssyncadd.s32 $0xFFFFFB00  }
0x12f: {  	[hbm:s19], [sflag:s13] =	dma.local @!p0 [spmem:s14], $0x500  }
0x130: {  	s13 =	simm.s32 @!p0 $0x6  }
0x131: {  	_ =	swait.ge @!p0 [sflag:s13], $0x500  }
0x132: {  	s12 =	sadd.s32 $0x1, s12;
	s18 =	rddreg [dreg:$0x7]  }
0x133: {  	p1 =	sne.s32 s12, s18  }
.Ltmp3:
0x134: {  	_ = 	snop;
	(pc) =	sbr.rel @p1 .LBB2_1-.Ltmp3, $3  }
0x135: {  	_ =	sdelay $0x1  }
0x136: {  	[sflag:s13] =	ssyncset.done @!p0 $0x0  }
0x137: {  	[sflag:s13] =	ssyncadd.s32 @!p0 $0xFFFFFB00  }
0x138: {  	_ =	sfence.sel $0x180000  }
0x139: {  	[bflag:$0x0] =	sbarrier.arrive $0xFFFF  }
0x13a: {  	_ =	strace $0x9000004A  }
0x13b: {  	s0 =	stileid.u32;
	[bflag:$0x2] =	sbarrier.arrive $0xFFFF  }
0x13c: {  	p0 =	sne.s32 s0, $0x0;
	s0 =	rddreg [dreg:$0x3]  }
0x13d: {  	s0 =	sadd.s32 @!p0 $0x100000, s0  }
0x13e: {  	[sflag:s0] =	ssyncadd.tile.s32 @!p0 $0x1;
	_ =	shalt  }
.Lfunc_end2:
_tile_overlayer_lowered:
.L_overlay_start_2:
0x13f: {  	(tag) =	ssettag $0x2  }
0x140: {  	s0 =	rddreg [dreg:$0x0];
	s2 =	stileid.u32  }
0x141: {  	s1 =	rddreg [dreg:$0x1];
	p0 =	sne.s32 s2, $0x0  }
0x142: {  	s3 =	rddreg [dreg:$0x2];
	[bflag:$0x3] =	sbarrier.arrive $0xFFFF;
	s2 =	simm.s32 @!p0 $0x1C06  }
0x143: {  	[timem:s3], [sflag:s2] =	dma.local @!p0 [hbm:s0], s1  }
0x144: {  	s0 =	simm.s32 @!p0 $0x6  }
0x145: {  	_ =	swait.ge @!p0 [sflag:s0], s1  }
0x146: {  	s1 =	ssub.s32 @!p0 $0x0, s1;
	[sflag:s0] =	ssyncset.done @!p0 $0x0  }
0x147: {  	[sflag:s0] =	ssyncadd.s32 @!p0 s1  }
0x148: {  	[bflag:$0x3] =	sbarrier.arrive $0xFFFF  }
0x149: {  	_ =	shalt  }

// kernel: kernel.7.cloned.1.call-start
scs
__scs_entry_jumppad:
0x0: {  	(pc) =	sbr.rel $0x88, $3  }
0x1: {  	(tag) =	ssettag $0x0;
	lr =	simm.s32 $0x1  }
0x2: {  	[smem:$0x3F97] =	sst lr;
	_ =	strace $0xD0000000  }
0x3: {  	_ = 	snop  }
0x4: {  	_ = 	snop  }
0x5: {  	_ = 	snop  }
0x6: {  	_ = 	snop  }
0x7: {  	_ = 	snop  }
__scs_overlays_trampoline_lowered:
0x8: {  	[smem:$0x3FA6] =	sst s0  }
0x9: {  	[smem:$0x3FA7] =	sst s1  }
0xa: {  	[smem:$0x3FA8] =	sst s2  }
0xb: {  	[smem:$0x3FA9] =	sst s3  }
0xc: {  	[smem:$0x3FAA] =	sst s4  }
0xd: {  	[smem:$0x3FAB] =	sst s5  }
0xe: {  	[smem:$0x3FAC] =	sst s6  }
0xf: {  	[smem:$0x3FAD] =	sst s7  }
0x10: {  	[smem:$0x3FAE] =	sst s8  }
0x11: {  	[smem:$0x3FAF] =	sst s9;
	s0 =	simm.s32 @!p0 $0x0  }
0x12: {  	s1 =	sld [smem:$0x3F95];
	s0 =	simm.s32 @p0 $0x1  }
0x13: {  	[smem:$0x3FB0] =	sst s0;
	s0 =	simm.s32 @!p1 $0x0  }
0x14: {  	s2 =	sld [smem:$0x3F94];
	s0 =	simm.s32 @p1 $0x1  }
0x15: {  	[smem:$0x3FB1] =	sst s0;
	s0 =	simm.s32 @!p2 $0x0  }
0x16: {  	s3 =	sld [smem:$0x3FDB];
	s0 =	simm.s32 @p2 $0x1  }
0x17: {  	s4 =	simm.s32 $0x1BF5;
	[smem:$0x3FB3] =	sst s0  }
0x18: {  	s0 =	sld [smem:$0x3F96];
	_ =	swait.ge [sflag:s4], $0x0  }
0x19: {  	s7 =	sld [smem:$0x3F97]  }
0x1a: {  	s8 =	sadd.s32 $0xFFFFE003, lr  }
0x1b: {  	s9 =	sadd.s32 $0xFFFFFEF7, lr;
	s5 =	simm.s32 $0xFFFFFFFF;
	p2 =	slt.u32 s8, $0xFFFFF086  }
0x1c: {  	p1 =	slt.u32 s9, $0xF7A;
	s5 =	simm.s32 @!p2 $0x0  }
0x1d: {  	s5 =	simm.s32 @p1 $0x1;
	p0 =	seq.s32 s7, s2  }
0x1e: {  	s7 =	smul.u32 @!p0 $0xF7A, s2;
	p2 =	seq.s32 @!p0 s5, $0x0  }
0x1f: {  	s9 =	smul.u32 $0xF7A, s1;
	s8 =	simm.s32 @!p0 $0x1BF5;
	p2 =	por !p2, p0  }
0x20: {  	[sflag:s8] =	ssyncset.s32 @!p0 $0xFFFFF086;
	s6 =	sadd.s32 @!p0 s3, s7;
	s7 =	simm.s32 @!p0 $0x108  }
0x21: {  	s3 =	sadd.s32 s3, s9;
	s6 =	sadd.s32 @!p0 $0x88, s6;
	s7 =	simm.s32 @p2 $0x1082  }
0x22: {  	[simem:s7], [sflag:s8] =	dma.local @!p0 [hbm:s6], $0xF7A  }
0x23: {  	s9 =	sor.u32 $0xD0000000, s2;
	s6 =	simm.s32 $0x108;
	_ =	swait.ge @!p0 [sflag:s8], $0x0  }
0x24: {  	s3 =	sadd.s32 $0x88, s3;
	s6 =	simm.s32 @!p1 $0x1082;
	[sflag:s4] =	ssyncset.s32 $0xFFFFF086  }
0x25: {  	[simem:s6], [sflag:s4] =	dma.local [hbm:s3], $0xF7A  }
0x26: {  	[smem:$0x3F97] =	sst s1;
	(tag) =	ssettag s2;
	_ =	strace s9  }
0x27: {  	s1 =	sld [smem:$0x3FA7]  }
0x28: {  	s2 =	sld [smem:$0x3FA8]  }
0x29: {  	s4 =	sld [smem:$0x3FAA]  }
0x2a: {  	p0 =	seq.s32 s5, $0x0;
	s5 =	sld [smem:$0x3FAB]  }
0x2b: {  	s6 =	sld [smem:$0x3FAC]  }
0x2c: {  	s7 =	sld [smem:$0x3FAD]  }
0x2d: {  	s3 =	simm.s32 $0x108;
	s8 =	sld [smem:$0x3FAE]  }
0x2e: {  	s3 =	simm.s32 @!p0 $0x1082;
	s9 =	sld [smem:$0x3FAF]  }
0x2f: {  	lr =	sadd.s32 s0, s3;
	s0 =	sld [smem:$0x3FA6]  }
0x30: {  	s3 =	sld [smem:$0x3FA9]  }
0x31: {  	[smem:$0x3FB2] =	sst s10  }
0x32: {  	s10 =	sld [smem:$0x3FB0];
	_ =	sdelay $0x3  }
0x33: {  	p0 =	seq.s32 s10, $0x1;
	s10 =	sld [smem:$0x3FB2];
	_ =	sdelay $0x3  }
0x34: {  	[smem:$0x3FB2] =	sst s10  }
0x35: {  	s10 =	sld [smem:$0x3FB1];
	_ =	sdelay $0x3  }
0x36: {  	p1 =	seq.s32 s10, $0x1;
	s10 =	sld [smem:$0x3FB2];
	_ =	sdelay $0x3  }
0x37: {  	[smem:$0x3FB2] =	sst s10  }
0x38: {  	s10 =	sld [smem:$0x3FB3]  }
0x39: {  	_ = 	snop;
	(pc) =	sbr.ind lr, $3  }
0x3a: {  	_ = 	snop  }
0x3b: {  	_ = 	snop  }
0x3c: {  	p2 =	seq.s32 s10, $0x1;
	s10 =	sld [smem:$0x3FB2]  }
0x3d: {  	_ =	shalt  }
0x3e: {  	_ =	shalt  }
0x3f: {  	_ =	shalt  }
0x40: {  	_ =	shalt  }
0x41: {  	_ =	shalt  }
0x42: {  	_ =	shalt  }
0x43: {  	_ =	shalt  }
0x44: {  	_ =	shalt  }
0x45: {  	_ =	shalt  }
0x46: {  	_ =	shalt  }
0x47: {  	_ =	shalt  }
0x48: {  	_ =	shalt  }
0x49: {  	_ =	shalt  }
0x4a: {  	_ =	shalt  }
0x4b: {  	_ =	shalt  }
0x4c: {  	_ =	shalt  }
0x4d: {  	_ =	shalt  }
0x4e: {  	_ =	shalt  }
0x4f: {  	_ =	shalt  }
0x50: {  	_ =	shalt  }
0x51: {  	_ =	shalt  }
0x52: {  	_ =	shalt  }
0x53: {  	_ =	shalt  }
0x54: {  	_ =	shalt  }
0x55: {  	_ =	shalt  }
0x56: {  	_ =	shalt  }
0x57: {  	_ =	shalt  }
0x58: {  	_ =	shalt  }
0x59: {  	_ =	shalt  }
0x5a: {  	_ =	shalt  }
0x5b: {  	_ =	shalt  }
0x5c: {  	_ =	shalt  }
0x5d: {  	_ =	shalt  }
0x5e: {  	_ =	shalt  }
0x5f: {  	_ =	shalt  }
0x60: {  	_ =	shalt  }
0x61: {  	_ =	shalt  }
0x62: {  	_ =	shalt  }
0x63: {  	_ =	shalt  }
0x64: {  	_ =	shalt  }
0x65: {  	_ =	shalt  }
0x66: {  	_ =	shalt  }
0x67: {  	_ =	shalt  }
0x68: {  	_ =	shalt  }
0x69: {  	_ =	shalt  }
0x6a: {  	_ =	shalt  }
0x6b: {  	_ =	shalt  }
0x6c: {  	_ =	shalt  }
0x6d: {  	_ =	shalt  }
0x6e: {  	_ =	shalt  }
0x6f: {  	_ =	shalt  }
0x70: {  	_ =	shalt  }
0x71: {  	_ =	shalt  }
0x72: {  	_ =	shalt  }
0x73: {  	_ =	shalt  }
0x74: {  	_ =	shalt  }
0x75: {  	_ =	shalt  }
0x76: {  	_ =	shalt  }
0x77: {  	_ =	shalt  }
0x78: {  	_ =	shalt  }
0x79: {  	_ =	shalt  }
0x7a: {  	_ =	shalt  }
0x7b: {  	_ =	shalt  }
0x7c: {  	_ =	shalt  }
0x7d: {  	_ =	shalt  }
0x7e: {  	_ =	shalt  }
0x7f: {  	_ =	shalt  }
0x80: {  	_ =	shalt  }
0x81: {  	_ =	shalt  }
0x82: {  	_ =	shalt  }
0x83: {  	_ =	shalt  }
0x84: {  	_ =	shalt  }
0x85: {  	_ =	shalt  }
0x86: {  	_ =	shalt  }
0x87: {  	_ =	shalt  }
.Lfunc_end0:
.L_simem_size_0:
called_computation_lowered:
.L_overlay_start_0:
0x88: {  	s2 =	sld [smem:$0x3FD9]  }
0x89: {  	s3 =	sld [smem:$0x3FFE];
	_ =	sdelay $0x1  }
0x8a: {  	s1 =	srdreg.scid  }
0x8b: {  	s0 =	sand.u32 $0x1, s1  }
0x8c: {  	s17 =	sshll.u32 s0, $0xA;
	s2 =	sadd.s32 s3, s2  }
0x8d: {  	s2 =	sadd.s32 s2, s17  }
0x8e: {  	[smem:$0x3FBE] =	sst s2  }
0x8f: {  	_ = 	snop  }
0x90: {  	s2 =	sld [smem:$0x3FD0];
	(tm) =	ssettm $0x1  }
0x91: {  	s18 =	sld [smem:$0x3FFB];
	_ =	sdelay $0x3  }
0x92: {  	_ =	strace s18  }
0x93: {  	s3 =	sld [smem:$0x3FFC];
	_ =	sdelay $0x3  }
0x94: {  	_ =	strace s3  }
0x95: {  	s3 =	sld [smem:$0x3FFD];
	_ =	sdelay $0x3  }
0x96: {  	_ =	strace s3  }
0x97: {  	_ =	strace $0x8FFFFFFF  }
0x98: {  	s19 =	sld [smem:$0x3FDB];
	_ =	sdelay $0x1  }
0x99: {  	s4 =	simm.s32 $_scs_section_size  }
0x9a: {  	s5 =	simm.s32 $_size__tile_overlayer_lowered;
	s6 =	simm.s32 $_tile_overlayer_lowered  }
0x9b: {  	s22 =	simm.s32 $0x1BFF;
	s21 =	sshll.u32 s6, $0x1;
	s3 =	sadd.s32 s4, s19  }
0x9c: {  	s7 =	simm.s32 $0x0;
	s20 =	sshll.u32 s5, $0x1;
	s5 =	sadd.s32 s21, s3  }
0x9d: {  	[timem:s7], [sflag:s22] =	dma.local [hbm:s5], s20  }
0x9e: {  	_ =	swait.ge [sflag:s22], s20  }
0x9f: {  	s4 =	ssub.s32 $0x0, s20;
	[sflag:s22] =	ssyncset.done $0x0  }
0xa0: {  	[sflag:s22] =	ssyncadd.s32 s4;
	_ =	sdelay $0x1  }
0xa1: {  	s23 =	simm.s32 $0x1B8B  }
0xa2: {  	_ =	swait.ge [sflag:s23], $0x1  }
0xa3: {  	[sflag:s23] =	ssyncset.done $0x0  }
0xa4: {  	s25 =	simm.s32 $0x1B8E;
	s24 =	sld [smem:$0x3FFE];
	[sflag:s23] =	ssyncadd.s32 $0xFFFFFFFF  }
0xa5: {  	s26 =	simm.s32 $execute0_lowered;
	[smem:$0x3FD2] =	sst s25  }
0xa6: {  	s5 =	sshll.u32 s26, $0x1;
	_ =	strace $0x80000046;
	[dreg:$0x1] =	wrdreg $0xFFFFFFFF  }
0xa7: {  	s28 =	simm.s32 $_size_execute0_lowered;
	s3 =	sadd.s32 s3, s5;
	[dreg:$0x0] =	wrdreg $0x0  }
0xa8: {  	s5 =	sshll.u32 s28, $0x1;
	[dreg:$0x2] =	wrdreg s3  }
0xa9: {  	[dreg:$0x3] =	wrdreg s5  }
0xaa: {  	[dreg:$0x4] =	wrdreg $0xC0  }
0xab: {  	_ =	task [dreg:s7], $0x5FFFF  }
0xac: {  	[dreg:$0x1] =	wrdreg $0xFFFFFFFF  }
0xad: {  	[dreg:$0x0] =	wrdreg $0x60  }
0xae: {  	[dreg:$0x2] =	wrdreg s2  }
0xaf: {  	[dreg:$0x3] =	wrdreg s24  }
0xb0: {  	[dreg:$0x4] =	wrdreg $0xBF800  }
0xb1: {  	[dreg:$0x5] =	wrdreg $0x9  }
0xb2: {  	_ =	task.clear_ibuf [dreg:s7], $0x6FFFF;
	_ =	strace $0x90000046  }
0xb3: {  	s29 =	simm.s32 $0x9;
	_ =	strace $0x80000048  }
0xb4: {  	_ =	swait.ge [sflag:s29], $0x1  }
0xb5: {  	[sflag:s29] =	ssyncadd.s32 $0xFFFFFFFF  }
0xb6: {  	_ =	strace $0x90000048  }
0xb7: {  	_ =	sfence  }
0xb8: {  	s30 =	sld [smem:$0x0];
	_ =	sdelay $0x2  }
0xb9: {  	s31 =	sshll.u32 s1, $0xD;
	s1 =	sshrl.u32 s1, $0x2  }
0xba: {  	s3 =	sand.u32 $0x4000, s31;
	s1 =	sadd.s32 s1, s30  }
0xbb: {  	s0 =	sor.u32 s3, s0;
	s1 =	sshll.u32 s1, $0x11  }
0xbc: {  	s0 =	sor.u32 s1, s0  }
0xbd: {  	s0 =	sadd.s32 $0x8F2B, s0  }
0xbe: {  	[sflag:s0] =	ssyncadd.remote.s32 $0x1  }
0xbf: {  	_ =	sfence.sel $0xFFFF  }
0xc0: {  	[dreg:$0x0] =	wrdreg $0xFFFFFFFF;
	(pc) =	sbr.abs _section_cstart, $3  }
0xc1: {  	[dreg:$0x1] =	wrdreg $0xFFFFFFFF  }
0xc2: {  	_ =	task.clear_ibuf [dreg:s7], $0x2FFFF;
	_ =	strace $0x9FFFFFFF  }
0xc3: {  	(tm) =	ssettm $0x7FFFFFFF  }
tec
execute0_lowered:
.L_overlay_start_1:
0x0: {  	(tag) =	ssettag $0x1  }
0x1: {  	s0 =	srdreg.scid;
	s1 =	rddreg [dreg:$0x0]  }
0x2: {  	s2 =	rddreg [dreg:$0x1];
	s20 =	stileid.u32  }
0x3: {  	s3 =	rddreg [dreg:$0x2];
	s7 =	simm.s32 $0x0;
	s23 =	smul.u32 $0xA000, s20  }
0x4: {  	s28 =	simm.s32 $0x2780;
	s0 =	sand.u32 $0x1, s0;
	s10 =	smul.u32 $0x2800, s20  }
0x5: {  	s29 =	simm.s32 $0x4780;
	s8 =	sor.u32 $0x10, s20;
	s22 =	smul.u32 $0x138800, s0  }
0x6: {  	s30 =	simm.s32 $0x6;
	s31 =	simm.s32 $0x4;
	s9 =	smul.u32 $0xA000, s8  }
0x7: {  	s6 =	sshll.u32 s20, $0x7;
	s11 =	sor.u32 $0x20, s20;
	s8 =	smul.u32 $0x2800, s8  }
0x8: {  	[smem:$0x7FF] =	sst s7;
	s12 =	sor.u32 $0x30, s20;
	s13 =	smul.u32 $0x2800, s11  }
0x9: {  	s14 =	sor.u32 $0x40, s20;
	s17 =	sor.u32 $0x50, s20;
	s15 =	smul.u32 $0x2800, s12  }
0xa: {  	s4 =	sshll.u32 s0, $0x4;
	s6 =	sand.u32 $0x380, s6;
	s18 =	smul.u32 $0x2800, s14  }
0xb: {  	_ =	strace $0x80000047;
	s0 =	ssub.s32 $0x2, s0;
	s19 =	smul.u32 $0x2800, s17  }
0xc: {  	s4 =	sor.u32 s20, s4;
	s16 =	sshrl.u32 s0, $0x1;
	s23 =	sshrl.u32 s23, $0x2  }
0xd: {  	s5 =	sshrl.u32 s4, $0x3;
	s4 =	sshll.u32 s4, $0xA;
	s0 =	ssub.s32 s0, s16  }
0xe: {  	s16 =	sor.u32 $0x60, s20;
	s21 =	sadd.s32 s22, s10;
	s8 =	sadd.s32 s22, s8  }
0xf: {  	s13 =	sadd.s32 s22, s13;
	s15 =	sadd.s32 s22, s15;
	s18 =	sadd.s32 s22, s18  }
0x10: {  	s19 =	sadd.s32 s22, s19;
	s5 =	smul.u32 $0x13C00, s5;
	s4 =	sadd.s32 s4, s2  }
0x11: {  	s24 =	smul.u32 $0x2800, s16;
	s0 =	smax.u32 s0, $0x1;
	s8 =	sshrl.u32 s8, $0x3  }
0x12: {  	s18 =	sshrl.u32 s18, $0x3;
	s26 =	sadd.s32 $0x2000, s4;
	s4 =	sadd.s32 $0xA000, s4  }
0x13: {  	[dreg:$0x7] =	wrdreg s0;
	s0 =	simm.s32 $0x9780;
	s5 =	sor.u32 s6, s5  }
0x14: {  	[dreg:$0x5] =	wrdreg s26;
	s26 =	smul.u32 $0xA000, s14;
	s5 =	sshrl.u32 s5, $0x3  }
0x15: {  	[dreg:$0x6] =	wrdreg s4;
	s5 =	sadd.s32 s5, s2;
	s2 =	sadd.s32 $0x1BE00, s2  }
0x16: {  	s6 =	sshrl.u32 s26, $0x2;
	s26 =	sshrl.u32 s21, $0x3;
	s5 =	sadd.s32 $0x12000, s5  }
0x17: {  	s14 =	sadd.s32 s2, s26;
	s8 =	sadd.s32 s2, s8;
	[dreg:$0x4] =	wrdreg s5  }
0x18: {  	s21 =	sadd.s32 s2, s18;
	s5 =	sor.u32 $0x70, s20;
	[dreg:$0x8] =	wrdreg s14  }
0x19: {  	s20 =	sadd.s32 s22, s24;
	s24 =	smul.u32 $0xA000, s12;
	[dreg:$0x9] =	wrdreg s8  }
0x1a: {  	s12 =	smul.u32 $0xA000, s16;
	s16 =	sshrl.u32 s13, $0x3;
	[dreg:$0xc] =	wrdreg s21  }
0x1b: {  	s21 =	sadd.s32 s6, s3;
	s25 =	smul.u32 $0x2800, s5;
	s8 =	sadd.s32 s2, s16  }
0x1c: {  	s6 =	simm.s32 $0x3;
	p0 =	sgt.u32 s5, $0x7C;
	[dreg:$0xa] =	wrdreg s8  }
0x1d: {  	s26 =	sshrl.u32 s12, $0x2;
	s12 =	simm.s32 $0x0;
	s7 =	sadd.s32 s22, s25  }
0x1e: {  	s22 =	smul.u32 $0xA000, s11;
	s25 =	sshrl.u32 s9, $0x2;
	s9 =	sadd.s32 s23, s3  }
0x1f: {  	s23 =	sshrl.u32 s20, $0x3;
	s10 =	sadd.s32 s25, s3;
	s25 =	smul.u32 $0xA000, s17  }
0x20: {  	s17 =	sshrl.u32 s15, $0x3;
	s7 =	sshrl.u32 s7, $0x3;
	s4 =	sshrl.u32 s22, $0x2  }
0x21: {  	s8 =	sadd.s32 s2, s17;
	s22 =	sshrl.u32 s19, $0x3;
	s19 =	sadd.s32 s2, s7  }
0x22: {  	s7 =	simm.s32 $0x4580;
	s11 =	sadd.s32 s4, s3;
	s4 =	sshrl.u32 s24, $0x2  }
0x23: {  	[dreg:$0xb] =	wrdreg s8;
	s8 =	sadd.s32 s2, s22;
	s24 =	smul.u32 $0xA000, s5  }
0x24: {  	s25 =	sshrl.u32 s25, $0x2;
	s5 =	simm.s32 $0x2;
	[dreg:$0xd] =	wrdreg s8  }
0x25: {  	s8 =	sadd.s32 s2, s23;
	s20 =	sadd.s32 s4, s3;
	s22 =	sadd.s32 s25, s3  }
0x26: {  	s23 =	sadd.s32 s26, s3;
	s25 =	simm.s32 $0x50;
	s26 =	simm.s32 $0x6F80  }
0x27: {  	s4 =	simm.s32 $0x1;
	[dreg:$0xe] =	wrdreg s8;
	s2 =	sshrl.u32 s24, $0x2  }
0x28: {  	v0 =	vimm.f32 $0.0e+00;
	s8 =	simm.s32 $0x4600;
	s24 =	sadd.s32 s2, s3;
	s2 =	simm.s32 $0x5  }
.LBB2_1:
0x29: {  	s13 =	simm.s32 $0x0  }
0x2a: {  	s14 =	rddreg [dreg:$0x4];
	s15 =	simm.s32 $0x80;
	s16 =	simm.s32 $0x400  }
0x2b: {  	[tilespmem:s13], [sflag:$0x4] =	stream.strided.gather [hbm4b:s14+s15], $0x2780, s16, s15, $0x38;
	[tilespmem:$0x1F800] =	vst v63  }
0x2c: {  	s18 =	rddreg [dreg:$0x5]  }
0x2d: {  	[tilespmem:s28], [sflag:$0x5] =	stream.linear.gather [hbm4b:s18+s13], $0x1F80, $0x38;
	[tilespmem:$0x1F800] =	vst v63  }
0x2e: {  	s14 =	simm.s32 $0x3C0;
	s13 =	simm.s32 $0x70  }
.LBB2_2:
0x2f: {  	p1 =	sne.s32 s14, $0x9FC0;
	[tilespmem:s13+$0x4780] =	vst v0  }
0x30: {  	[tilespmem:s13+$0x4710] =	vst v0  }
0x31: {  	[tilespmem:s13+$0x4720] =	vst v0  }
.Ltmp0:
0x32: {  	[tilespmem:s13+$0x4730] =	vst v0;
	(pc) =	sbr.rel @p1 .LBB2_2-.Ltmp0, $4  }
0x33: {  	[tilespmem:s13+$0x4740] =	vst v0  }
0x34: {  	[tilespmem:s13+$0x4750] =	vst v0  }
0x35: {  	[tilespmem:s13+$0x4760] =	vst v0  }
0x36: {  	[tilespmem:s13+$0x4770] =	vst v0;
	s13 =	sshra.s32 s14, $0x2;
	s14 =	sadd.s32 $0x200, s14  }
0x37: {  	[tilespmem:s13+$0x4780] =	vst v0  }
0x38: {  	[tilespmem:s13+$0x4710] =	vst v0  }
0x39: {  	[tilespmem:s13+$0x4720] =	vst v0  }
0x3a: {  	[tilespmem:s13+$0x4730] =	vst v0  }
0x3b: {  	[tilespmem:s13+$0x4740] =	vst v0  }
0x3c: {  	[tilespmem:s13+$0x4750] =	vst v0  }
0x3d: {  	[tilespmem:s13+$0x4760] =	vst v0  }
0x3e: {  	[tilespmem:s13+$0x4770] =	vst v0  }
0x3f: {  	[spmem:s9] =	stream.linear.scatter [tilespmem:s29], [sflag:$0x6], $0x2800, $0x38;
	[tilespmem:$0x1F800] =	vst v63  }
0x40: {  	_ =	swait.ge [sflag:s30], $0x2800  }
0x41: {  	[sflag:s30] =	ssyncset.done $0x0  }
0x42: {  	[sflag:s30] =	ssyncadd.s32 $0xFFFFD800  }
0x43: {  	[spmem:s10] =	stream.linear.scatter [tilespmem:s29], [sflag:$0x6], $0x2800, $0x38;
	[tilespmem:$0x1F800] =	vst v63  }
0x44: {  	_ =	swait.ge [sflag:s30], $0x2800  }
0x45: {  	[sflag:s30] =	ssyncset.done $0x0  }
0x46: {  	[sflag:s30] =	ssyncadd.s32 $0xFFFFD800  }
0x47: {  	[spmem:s11] =	stream.linear.scatter [tilespmem:s29], [sflag:$0x6], $0x2800, $0x38;
	[tilespmem:$0x1F800] =	vst v63  }
0x48: {  	_ =	swait.ge [sflag:s30], $0x2800  }
0x49: {  	[sflag:s30] =	ssyncset.done $0x0  }
0x4a: {  	[sflag:s30] =	ssyncadd.s32 $0xFFFFD800  }
0x4b: {  	[spmem:s20] =	stream.linear.scatter [tilespmem:s29], [sflag:$0x6], $0x2800, $0x38;
	[tilespmem:$0x1F800] =	vst v63  }
0x4c: {  	_ =	swait.ge [sflag:s30], $0x2800  }
0x4d: {  	[sflag:s30] =	ssyncset.done $0x0  }
0x4e: {  	[sflag:s30] =	ssyncadd.s32 $0xFFFFD800  }
0x4f: {  	[spmem:s21] =	stream.linear.scatter [tilespmem:s29], [sflag:$0x6], $0x2800, $0x38;
	[tilespmem:$0x1F800] =	vst v63  }
0x50: {  	_ =	swait.ge [sflag:s30], $0x2800  }
0x51: {  	[sflag:s30] =	ssyncset.done $0x0  }
0x52: {  	[sflag:s30] =	ssyncadd.s32 $0xFFFFD800  }
0x53: {  	[spmem:s22] =	stream.linear.scatter [tilespmem:s29], [sflag:$0x6], $0x2800, $0x38;
	[tilespmem:$0x1F800] =	vst v63  }
0x54: {  	_ =	swait.ge [sflag:s30], $0x2800  }
0x55: {  	[sflag:s30] =	ssyncset.done $0x0  }
0x56: {  	[sflag:s30] =	ssyncadd.s32 $0xFFFFD800  }
0x57: {  	[spmem:s23] =	stream.linear.scatter [tilespmem:s29], [sflag:$0x6], $0x2800, $0x38;
	[tilespmem:$0x1F800] =	vst v63  }
0x58: {  	_ =	swait.ge [sflag:s30], $0x2800  }
0x59: {  	[sflag:s30] =	ssyncset.done $0x0  }
0x5a: {  	s13 =	simm.s32 @!p0 $0x4780;
	[sflag:s30] =	ssyncadd.s32 $0xFFFFD800  }
0x5b: {  	[spmem:s24] =	stream.linear.scatter @!p0 [tilespmem:s13], [sflag:$0x6], $0x2800, $0x38;
	[tilespmem:$0x1F800] =	vst v63  }
0x5c: {  	s13 =	simm.s32 @!p0 $0x6  }
0x5d: {  	_ =	swait.ge @!p0 [sflag:s13], $0x2800  }
0x5e: {  	[sflag:s13] =	ssyncset.done @!p0 $0x0  }
0x5f: {  	[sflag:s13] =	ssyncadd.s32 @!p0 $0xFFFFD800  }
0x60: {  	_ =	swait.ge [sflag:s31], $0x2780  }
0x61: {  	[sflag:s31] =	ssyncset.done $0x0  }
0x62: {  	[sflag:s31] =	ssyncadd.s32 $0xFFFFD880  }
0x63: {  	_ =	swait.ge [sflag:s2], $0x1F80  }
0x64: {  	[sflag:s2] =	ssyncset.done $0x0  }
0x65: {  	[sflag:s2] =	ssyncadd.s32 $0xFFFFE080  }
0x66: {  	s17 =	simm.s32 $0x0;
	[bflag:$0x0] =	sbarrier.arrive $0xFFFF  }
0x67: {  	[tilespmem:s29], [sflag:$0x1] =	stream.indirect.gather [hbm4b:s1+s25], $0x80, s17, s25, $0xb8;
	[tilespmem:$0x1F800] =	vst v63  }
0x68: {  	_ = 	snop  }
0x69: {  	[tilespmem:s26], [sflag:$0x2] =	stream.indirect.gather [hbm4b:s1+s25], $0x80, s25, s25, $0xb8;
	[tilespmem:$0x1F800] =	vst v63  }
0x6a: {  	s18 =	simm.s32 $0xA0  }
0x6b: {  	[tilespmem:s0], [sflag:$0x3] =	stream.indirect.gather [hbm4b:s1+s25], $0x80, s18, s25, $0xb8;
	[tilespmem:$0x1F800] =	vst v63  }
0x6c: {  	_ =	swait.ge [sflag:s4], $0x2800  }
0x6d: {  	[sflag:s4] =	ssyncset.done $0x0  }
0x6e: {  	s14 =	simm.s32 $0x2780;
	[sflag:s4] =	ssyncadd.s32 $0xFFFFD800  }
0x6f: {  	[spmem:s3] =	stream.indirect.scatter.add.f32 [tilespmem:s29], [sflag:$0x6], $0x80, s14, s25, $0xb8;
	[tilespmem:$0x1F800] =	vst v63  }
0x70: {  	_ =	swait.ge [sflag:s30], $0x2800  }
0x71: {  	[sflag:s30] =	ssyncset.done $0x0  }
0x72: {  	s15 =	simm.s32 $0xF0;
	[sflag:s30] =	ssyncadd.s32 $0xFFFFD800  }
0x73: {  	[tilespmem:s29], [sflag:$0x1] =	stream.indirect.gather [hbm4b:s1+s25], $0x80, s15, s25, $0xb8;
	[tilespmem:$0x1F800] =	vst v63  }
0x74: {  	_ =	swait.ge [sflag:s5], $0x2800  }
0x75: {  	[sflag:s5] =	ssyncset.done $0x0  }
0x76: {  	s16 =	simm.s32 $0x2800;
	[sflag:s5] =	ssyncadd.s32 $0xFFFFD800  }
0x77: {  	[spmem:s3] =	stream.indirect.scatter.add.f32 [tilespmem:s26], [sflag:$0x6], $0x80, s16, s25, $0xb8;
	[tilespmem:$0x1F800] =	vst v63  }
0x78: {  	_ =	swait.ge [sflag:s30], $0x2800  }
0x79: {  	[sflag:s30] =	ssyncset.done $0x0  }
0x7a: {  	s17 =	simm.s32 $0x140;
	[sflag:s30] =	ssyncadd.s32 $0xFFFFD800  }
0x7b: {  	[tilespmem:s26], [sflag:$0x2] =	stream.indirect.gather [hbm4b:s1+s25], $0x80, s17, s25, $0xb8;
	[tilespmem:$0x1F800] =	vst v63  }
0x7c: {  	_ =	swait.ge [sflag:s6], $0x2800  }
0x7d: {  	[sflag:s6] =	ssyncset.done $0x0  }
0x7e: {  	s18 =	simm.s32 $0x2880;
	[sflag:s6] =	ssyncadd.s32 $0xFFFFD800  }
0x7f: {  	[spmem:s3] =	stream.indirect.scatter.add.f32 [tilespmem:s0], [sflag:$0x6], $0x80, s18, s25, $0xb8;
	[tilespmem:$0x1F800] =	vst v63  }
0x80: {  	_ =	swait.ge [sflag:s30], $0x2800  }
0x81: {  	s13 =	simm.s32 $0x190;
	[sflag:s30] =	ssyncset.done $0x0  }
0x82: {  	s14 =	simm.s32 $0x600;
	s15 =	simm.s32 $0x280;
	[sflag:s30] =	ssyncadd.s32 $0xFFFFD800  }
.LBB2_4:
0x83: {  	[tilespmem:s0], [sflag:$0x3] =	stream.indirect.gather [hbm4b:s1+s25], $0x80, s13, s25, $0xb8;
	[tilespmem:$0x1F800] =	vst v63  }
0x84: {  	s16 =	smov.u32 s14;
	s13 =	smov.u32 s15  }
0x85: {  	p1 =	sne.s32 s14, $0x7200;
	s14 =	sadd.s32 $0x600, s14;
	_ =	swait.ge [sflag:s4], $0x2800  }
0x86: {  	s16 =	sshra.s32 s16, $0x2;
	[sflag:s4] =	ssyncset.done $0x0  }
0x87: {  	s17 =	sadd.s32 $0x2780, s16;
	[sflag:s4] =	ssyncadd.s32 $0xFFFFD800  }
0x88: {  	[spmem:s3] =	stream.indirect.scatter.add.f32 [tilespmem:s29], [sflag:$0x6], $0x80, s17, s25, $0xb8;
	[tilespmem:$0x1F800] =	vst v63  }
0x89: {  	_ =	swait.ge [sflag:s30], $0x2800  }
0x8a: {  	[sflag:s30] =	ssyncset.done $0x0  }
0x8b: {  	s17 =	sadd.s32 $0xFFFFFF60, s15;
	[sflag:s30] =	ssyncadd.s32 $0xFFFFD800  }
0x8c: {  	[tilespmem:s29], [sflag:$0x1] =	stream.indirect.gather [hbm4b:s1+s25], $0x80, s17, s25, $0xb8;
	[tilespmem:$0x1F800] =	vst v63  }
0x8d: {  	_ =	swait.ge [sflag:s5], $0x2800  }
0x8e: {  	[sflag:s5] =	ssyncset.done $0x0  }
0x8f: {  	s17 =	sadd.s32 $0x2800, s16;
	[sflag:s5] =	ssyncadd.s32 $0xFFFFD800  }
0x90: {  	[spmem:s3] =	stream.indirect.scatter.add.f32 [tilespmem:s26], [sflag:$0x6], $0x80, s17, s25, $0xb8;
	[tilespmem:$0x1F800] =	vst v63  }
0x91: {  	_ =	swait.ge [sflag:s30], $0x2800  }
0x92: {  	[sflag:s30] =	ssyncset.done $0x0  }
0x93: {  	s17 =	sadd.s32 $0xFFFFFFB0, s15;
	[sflag:s30] =	ssyncadd.s32 $0xFFFFD800  }
0x94: {  	[tilespmem:s26], [sflag:$0x2] =	stream.indirect.gather [hbm4b:s1+s25], $0x80, s17, s25, $0xb8;
	[tilespmem:$0x1F800] =	vst v63  }
0x95: {  	_ =	swait.ge [sflag:s6], $0x2800  }
0x96: {  	[sflag:s6] =	ssyncset.done $0x0  }
.Ltmp1:
0x97: {  	s16 =	sadd.s32 $0x2880, s16;
	[sflag:s6] =	ssyncadd.s32 $0xFFFFD800;
	(pc) =	sbr.rel @p1 .LBB2_4-.Ltmp1, $4  }
0x98: {  	[spmem:s3] =	stream.indirect.scatter.add.f32 [tilespmem:s0], [sflag:$0x6], $0x80, s16, s25, $0xb8;
	[tilespmem:$0x1F800] =	vst v63  }
0x99: {  	_ =	swait.ge [sflag:s30], $0x2800  }
0x9a: {  	[sflag:s30] =	ssyncset.done $0x0  }
0x9b: {  	s15 =	sadd.s32 $0xF0, s15;
	[sflag:s30] =	ssyncadd.s32 $0xFFFFD800  }
0x9c: {  	[tilespmem:s0], [sflag:$0x3] =	stream.indirect.gather [hbm4b:s1+s25], $0x80, s13, s25, $0xb8;
	[tilespmem:$0x1F800] =	vst v63  }
0x9d: {  	_ =	swait.ge [sflag:s4], $0x2800  }
0x9e: {  	[sflag:s4] =	ssyncset.done $0x0  }
0x9f: {  	[sflag:s4] =	ssyncadd.s32 $0xFFFFD800  }
0xa0: {  	[spmem:s3] =	stream.indirect.scatter.add.f32 [tilespmem:s29], [sflag:$0x6], $0x80, s7, s25, $0xb8;
	[tilespmem:$0x1F800] =	vst v63  }
0xa1: {  	_ =	swait.ge [sflag:s30], $0x2800  }
0xa2: {  	[sflag:s30] =	ssyncset.done $0x0  }
0xa3: {  	[sflag:s30] =	ssyncadd.s32 $0xFFFFD800  }
0xa4: {  	_ =	swait.ge [sflag:s5], $0x2800  }
0xa5: {  	[sflag:s5] =	ssyncset.done $0x0  }
0xa6: {  	[sflag:s5] =	ssyncadd.s32 $0xFFFFD800  }
0xa7: {  	[spmem:s3] =	stream.indirect.scatter.add.f32 [tilespmem:s26], [sflag:$0x6], $0x80, s8, s25, $0xb8;
	[tilespmem:$0x1F800] =	vst v63  }
0xa8: {  	_ =	swait.ge [sflag:s30], $0x2800  }
0xa9: {  	[sflag:s30] =	ssyncset.done $0x0  }
0xaa: {  	[sflag:s30] =	ssyncadd.s32 $0xFFFFD800  }
0xab: {  	_ =	swait.ge [sflag:s6], $0x2800  }
0xac: {  	[sflag:s6] =	ssyncset.done $0x0  }
0xad: {  	s14 =	simm.s32 $0x4680;
	[sflag:s6] =	ssyncadd.s32 $0xFFFFD800  }
0xae: {  	[spmem:s3] =	stream.indirect.scatter.add.f32 [tilespmem:s0], [sflag:$0x6], $0x80, s14, s25, $0xb8;
	[tilespmem:$0x1F800] =	vst v63  }
0xaf: {  	_ =	swait.ge [sflag:s30], $0x2800  }
0xb0: {  	[sflag:s30] =	ssyncset.done $0x0  }
0xb1: {  	s15 =	simm.s32 $0x0;
	s14 =	rddreg [dreg:$0x6];
	[sflag:s30] =	ssyncadd.s32 $0xFFFFD800  }
0xb2: {  	[tilespmem:s28], [sflag:$0x6] =	stream.linear.gather [hbm4b:s14+s15], $0x1F00, $0x38;
	[tilespmem:$0x1F800] =	vst v63  }
0xb3: {  	_ =	swait.ge [sflag:s30], $0x1F00  }
0xb4: {  	[sflag:s30] =	ssyncset.done $0x0  }
0xb5: {  	s16 =	simm.s32 $0x13B0;
	[sflag:s30] =	ssyncadd.s32 $0xFFFFE100  }
0xb6: {  	[tilespmem:s29], [sflag:$0x1] =	stream.indirect.gather [hbm4b:s1+s25], $0x80, s16, s25, $0xb8;
	[tilespmem:$0x1F800] =	vst v63  }
0xb7: {  	s17 =	simm.s32 $0x1400  }
0xb8: {  	[tilespmem:s26], [sflag:$0x2] =	stream.indirect.gather [hbm4b:s1+s25], $0x80, s17, s25, $0xb8;
	[tilespmem:$0x1F800] =	vst v63  }
0xb9: {  	s18 =	simm.s32 $0x1450  }
0xba: {  	[tilespmem:s0], [sflag:$0x3] =	stream.indirect.gather [hbm4b:s1+s25], $0x80, s18, s25, $0xb8;
	[tilespmem:$0x1F800] =	vst v63  }
0xbb: {  	_ =	swait.ge [sflag:s4], $0x2800  }
0xbc: {  	[sflag:s4] =	ssyncset.done $0x0  }
0xbd: {  	s14 =	simm.s32 $0x2780;
	[sflag:s4] =	ssyncadd.s32 $0xFFFFD800  }
0xbe: {  	[spmem:s3] =	stream.indirect.scatter.add.f32 [tilespmem:s29], [sflag:$0x6], $0x80, s14, s25, $0xb8;
	[tilespmem:$0x1F800] =	vst v63  }
0xbf: {  	_ =	swait.ge [sflag:s30], $0x2800  }
0xc0: {  	[sflag:s30] =	ssyncset.done $0x0  }
0xc1: {  	s15 =	simm.s32 $0x14A0;
	[sflag:s30] =	ssyncadd.s32 $0xFFFFD800  }
0xc2: {  	[tilespmem:s29], [sflag:$0x1] =	stream.indirect.gather [hbm4b:s1+s25], $0x80, s15, s25, $0xb8;
	[tilespmem:$0x1F800] =	vst v63  }
0xc3: {  	_ =	swait.ge [sflag:s5], $0x2800  }
0xc4: {  	[sflag:s5] =	ssyncset.done $0x0  }
0xc5: {  	s16 =	simm.s32 $0x2800;
	[sflag:s5] =	ssyncadd.s32 $0xFFFFD800  }
0xc6: {  	[spmem:s3] =	stream.indirect.scatter.add.f32 [tilespmem:s26], [sflag:$0x6], $0x80, s16, s25, $0xb8;
	[tilespmem:$0x1F800] =	vst v63  }
0xc7: {  	_ =	swait.ge [sflag:s30], $0x2800  }
0xc8: {  	[sflag:s30] =	ssyncset.done $0x0  }
0xc9: {  	s17 =	simm.s32 $0x14F0;
	[sflag:s30] =	ssyncadd.s32 $0xFFFFD800  }
0xca: {  	[tilespmem:s26], [sflag:$0x2] =	stream.indirect.gather [hbm4b:s1+s25], $0x80, s17, s25, $0xb8;
	[tilespmem:$0x1F800] =	vst v63  }
0xcb: {  	_ =	swait.ge [sflag:s6], $0x2800  }
0xcc: {  	[sflag:s6] =	ssyncset.done $0x0  }
0xcd: {  	s18 =	simm.s32 $0x2880;
	[sflag:s6] =	ssyncadd.s32 $0xFFFFD800  }
0xce: {  	[spmem:s3] =	stream.indirect.scatter.add.f32 [tilespmem:s0], [sflag:$0x6], $0x80, s18, s25, $0xb8;
	[tilespmem:$0x1F800] =	vst v63  }
0xcf: {  	_ =	swait.ge [sflag:s30], $0x2800  }
0xd0: {  	s13 =	simm.s32 $0x1630;
	[sflag:s30] =	ssyncset.done $0x0  }
0xd1: {  	s14 =	simm.s32 $0x600;
	s16 =	simm.s32 $0x1540;
	[sflag:s30] =	ssyncadd.s32 $0xFFFFD800  }
.LBB2_6:
0xd2: {  	s15 =	smov.u32 s13  }
0xd3: {  	[tilespmem:s0], [sflag:$0x3] =	stream.indirect.gather [hbm4b:s1+s25], $0x80, s16, s25, $0xb8;
	[tilespmem:$0x1F800] =	vst v63  }
0xd4: {  	s16 =	smov.u32 s14;
	s14 =	sadd.s32 $0x600, s14;
	_ =	swait.ge [sflag:s4], $0x2800  }
0xd5: {  	s17 =	sshra.s32 s16, $0x2;
	p1 =	sne.s32 s14, $0x7200;
	[sflag:s4] =	ssyncset.done $0x0  }
0xd6: {  	s16 =	smov.u32 s13;
	s18 =	sadd.s32 $0x2780, s17;
	[sflag:s4] =	ssyncadd.s32 $0xFFFFD800  }
0xd7: {  	[spmem:s3] =	stream.indirect.scatter.add.f32 [tilespmem:s29], [sflag:$0x6], $0x80, s18, s25, $0xb8;
	[tilespmem:$0x1F800] =	vst v63  }
0xd8: {  	_ =	swait.ge [sflag:s30], $0x2800  }
0xd9: {  	[sflag:s30] =	ssyncset.done $0x0  }
0xda: {  	s18 =	sadd.s32 $0xFFFFFF60, s13;
	[sflag:s30] =	ssyncadd.s32 $0xFFFFD800  }
0xdb: {  	[tilespmem:s29], [sflag:$0x1] =	stream.indirect.gather [hbm4b:s1+s25], $0x80, s18, s25, $0xb8;
	[tilespmem:$0x1F800] =	vst v63  }
0xdc: {  	_ =	swait.ge [sflag:s5], $0x2800  }
0xdd: {  	[sflag:s5] =	ssyncset.done $0x0  }
0xde: {  	s18 =	sadd.s32 $0x2800, s17;
	[sflag:s5] =	ssyncadd.s32 $0xFFFFD800  }
0xdf: {  	[spmem:s3] =	stream.indirect.scatter.add.f32 [tilespmem:s26], [sflag:$0x6], $0x80, s18, s25, $0xb8;
	[tilespmem:$0x1F800] =	vst v63  }
0xe0: {  	_ =	swait.ge [sflag:s30], $0x2800  }
0xe1: {  	[sflag:s30] =	ssyncset.done $0x0  }
0xe2: {  	s18 =	sadd.s32 $0xFFFFFFB0, s13;
	[sflag:s30] =	ssyncadd.s32 $0xFFFFD800  }
0xe3: {  	[tilespmem:s26], [sflag:$0x2] =	stream.indirect.gather [hbm4b:s1+s25], $0x80, s18, s25, $0xb8;
	[tilespmem:$0x1F800] =	vst v63  }
0xe4: {  	_ =	swait.ge [sflag:s6], $0x2800  }
0xe5: {  	[sflag:s6] =	ssyncset.done $0x0  }
.Ltmp2:
0xe6: {  	s17 =	sadd.s32 $0x2880, s17;
	[sflag:s6] =	ssyncadd.s32 $0xFFFFD800;
	(pc) =	sbr.rel @p1 .LBB2_6-.Ltmp2, $4  }
0xe7: {  	[spmem:s3] =	stream.indirect.scatter.add.f32 [tilespmem:s0], [sflag:$0x6], $0x80, s17, s25, $0xb8;
	[tilespmem:$0x1F800] =	vst v63  }
0xe8: {  	_ =	swait.ge [sflag:s30], $0x2800  }
0xe9: {  	[sflag:s30] =	ssyncset.done $0x0  }
0xea: {  	s13 =	sadd.s32 $0xF0, s13;
	[sflag:s30] =	ssyncadd.s32 $0xFFFFD800  }
0xeb: {  	[tilespmem:s0], [sflag:$0x3] =	stream.indirect.gather [hbm4b:s1+s25], $0x80, s16, s25, $0xb8;
	[tilespmem:$0x1F800] =	vst v63  }
0xec: {  	_ =	swait.ge [sflag:s4], $0x2800  }
0xed: {  	s13 =	sshra.s32 s14, $0x2;
	[sflag:s4] =	ssyncset.done $0x0  }
0xee: {  	s14 =	sadd.s32 $0x2780, s13;
	[sflag:s4] =	ssyncadd.s32 $0xFFFFD800  }
0xef: {  	[spmem:s3] =	stream.indirect.scatter.add.f32 [tilespmem:s29], [sflag:$0x6], $0x80, s14, s25, $0xb8;
	[tilespmem:$0x1F800] =	vst v63  }
0xf0: {  	_ =	swait.ge [sflag:s30], $0x2800  }
0xf1: {  	[sflag:s30] =	ssyncset.done $0x0  }
0xf2: {  	s16 =	sadd.s32 $0x50, s15;
	[sflag:s30] =	ssyncadd.s32 $0xFFFFD800  }
0xf3: {  	[tilespmem:s29], [sflag:$0x1] =	stream.indirect.gather [hbm4b:s1+s25], $0x80, s16, s25, $0xb8;
	[tilespmem:$0x1F800] =	vst v63  }
0xf4: {  	_ =	swait.ge [sflag:s5], $0x2800  }
0xf5: {  	[sflag:s5] =	ssyncset.done $0x0  }
0xf6: {  	s17 =	sadd.s32 $0x2800, s13;
	[sflag:s5] =	ssyncadd.s32 $0xFFFFD800  }
0xf7: {  	[spmem:s3] =	stream.indirect.scatter.add.f32 [tilespmem:s26], [sflag:$0x6], $0x80, s17, s25, $0xb8;
	[tilespmem:$0x1F800] =	vst v63  }
0xf8: {  	_ =	swait.ge [sflag:s30], $0x2800  }
0xf9: {  	[sflag:s30] =	ssyncset.done $0x0  }
0xfa: {  	s18 =	sadd.s32 $0xA0, s15;
	[sflag:s30] =	ssyncadd.s32 $0xFFFFD800  }
0xfb: {  	[tilespmem:s26], [sflag:$0x2] =	stream.indirect.gather [hbm4b:s1+s25], $0x80, s18, s25, $0xb8;
	[tilespmem:$0x1F800] =	vst v63  }
0xfc: {  	_ =	swait.ge [sflag:s6], $0x2800  }
0xfd: {  	[sflag:s6] =	ssyncset.done $0x0  }
0xfe: {  	s13 =	sadd.s32 $0x2880, s13;
	[sflag:s6] =	ssyncadd.s32 $0xFFFFD800  }
0xff: {  	[spmem:s3] =	stream.indirect.scatter.add.f32 [tilespmem:s0], [sflag:$0x6], $0x80, s13, s25, $0xb8;
	[tilespmem:$0x1F800] =	vst v63  }
0x100: {  	_ =	swait.ge [sflag:s30], $0x2800  }
0x101: {  	[sflag:s30] =	ssyncset.done $0x0  }
0x102: {  	[sflag:s30] =	ssyncadd.s32 $0xFFFFD800  }
0x103: {  	_ =	swait.ge [sflag:s4], $0x2800  }
0x104: {  	[sflag:s4] =	ssyncset.done $0x0  }
0x105: {  	[sflag:s4] =	ssyncadd.s32 $0xFFFFD800  }
0x106: {  	[spmem:s3] =	stream.indirect.scatter.add.f32 [tilespmem:s29], [sflag:$0x6], $0x80, s7, s25, $0xb8;
	[tilespmem:$0x1F800] =	vst v63  }
0x107: {  	_ =	swait.ge [sflag:s30], $0x2800  }
0x108: {  	[sflag:s30] =	ssyncset.done $0x0  }
0x109: {  	[sflag:s30] =	ssyncadd.s32 $0xFFFFD800  }
0x10a: {  	_ =	swait.ge [sflag:s5], $0x2800  }
0x10b: {  	[sflag:s5] =	ssyncset.done $0x0  }
0x10c: {  	[sflag:s5] =	ssyncadd.s32 $0xFFFFD800  }
0x10d: {  	[spmem:s3] =	stream.indirect.scatter.add.f32 [tilespmem:s26], [sflag:$0x6], $0x80, s8, s25, $0xb8;
	[tilespmem:$0x1F800] =	vst v63  }
0x10e: {  	_ =	swait.ge [sflag:s30], $0x2800  }
0x10f: {  	[sflag:s30] =	ssyncset.done $0x0  }
0x110: {  	s14 =	stileid.u32;
	[sflag:s30] =	ssyncadd.s32 $0xFFFFD800  }
0x111: {  	s13 =	sshll.u32 s14, $0x6;
	[bflag:$0x0] =	sbarrier.arrive $0xFFFF  }
0x112: {  	s15 =	sshrl.u32 s9, $0x3;
	s13 =	sor.u32 $0x1C06, s13;
	s16 =	rddreg [dreg:$0x8]  }
0x113: {  	[hbm:s16], [sflag:s13] =	dma.local [spmem:s15], $0x500  }
0x114: {  	_ =	swait.ge [sflag:s30], $0x500  }
0x115: {  	[sflag:s30] =	ssyncset.done $0x0  }
0x116: {  	s17 =	sshrl.u32 s10, $0x3;
	s18 =	rddreg [dreg:$0x9];
	[sflag:s30] =	ssyncadd.s32 $0xFFFFFB00  }
0x117: {  	[hbm:s18], [sflag:s13] =	dma.local [spmem:s17], $0x500  }
0x118: {  	_ =	swait.ge [sflag:s30], $0x500  }
0x119: {  	[sflag:s30] =	ssyncset.done $0x0  }
0x11a: {  	s15 =	sshrl.u32 s11, $0x3;
	s16 =	rddreg [dreg:$0xa];
	[sflag:s30] =	ssyncadd.s32 $0xFFFFFB00  }
0x11b: {  	[hbm:s16], [sflag:s13] =	dma.local [spmem:s15], $0x500  }
0x11c: {  	_ =	swait.ge [sflag:s30], $0x500  }
0x11d: {  	[sflag:s30] =	ssyncset.done $0x0  }
0x11e: {  	s17 =	sshrl.u32 s20, $0x3;
	s18 =	rddreg [dreg:$0xb];
	[sflag:s30] =	ssyncadd.s32 $0xFFFFFB00  }
0x11f: {  	[hbm:s18], [sflag:s13] =	dma.local [spmem:s17], $0x500  }
0x120: {  	_ =	swait.ge [sflag:s30], $0x500  }
0x121: {  	[sflag:s30] =	ssyncset.done $0x0  }
0x122: {  	s15 =	sshrl.u32 s21, $0x3;
	s16 =	rddreg [dreg:$0xc];
	[sflag:s30] =	ssyncadd.s32 $0xFFFFFB00  }
0x123: {  	[hbm:s16], [sflag:s13] =	dma.local [spmem:s15], $0x500  }
0x124: {  	_ =	swait.ge [sflag:s30], $0x500  }
0x125: {  	[sflag:s30] =	ssyncset.done $0x0  }
0x126: {  	s17 =	sshrl.u32 s22, $0x3;
	s18 =	rddreg [dreg:$0xd];
	[sflag:s30] =	ssyncadd.s32 $0xFFFFFB00  }
0x127: {  	[hbm:s18], [sflag:s13] =	dma.local [spmem:s17], $0x500  }
0x128: {  	_ =	swait.ge [sflag:s30], $0x500  }
0x129: {  	[sflag:s30] =	ssyncset.done $0x0  }
0x12a: {  	s16 =	sshrl.u32 s23, $0x3;
	s17 =	rddreg [dreg:$0xe];
	[sflag:s30] =	ssyncadd.s32 $0xFFFFFB00  }
0x12b: {  	[hbm:s17], [sflag:s13] =	dma.local [spmem:s16], $0x500  }
0x12c: {  	_ =	swait.ge [sflag:s30], $0x500  }
0x12d: {  	[sflag:s30] =	ssyncset.done $0x0  }
0x12e: {  	s14 =	sshrl.u32 @!p0 s24, $0x3;
	[sflag:s30] =	ssyncadd.s32 $0xFFFFFB00  }
0x12f: {  	[hbm:s19], [sflag:s13] =	dma.local @!p0 [spmem:s14], $0x500  }
0x130: {  	s13 =	simm.s32 @!p0 $0x6  }
0x131: {  	_ =	swait.ge @!p0 [sflag:s13], $0x500  }
0x132: {  	s12 =	sadd.s32 $0x1, s12;
	s18 =	rddreg [dreg:$0x7]  }
0x133: {  	p1 =	sne.s32 s12, s18  }
.Ltmp3:
0x134: {  	_ = 	snop;
	(pc) =	sbr.rel @p1 .LBB2_1-.Ltmp3, $3  }
0x135: {  	_ =	sdelay $0x1  }
0x136: {  	[sflag:s13] =	ssyncset.done @!p0 $0x0  }
0x137: {  	[sflag:s13] =	ssyncadd.s32 @!p0 $0xFFFFFB00  }
0x138: {  	_ =	sfence.sel $0x180000  }
0x139: {  	[bflag:$0x0] =	sbarrier.arrive $0xFFFF  }
0x13a: {  	_ =	strace $0x90000047  }
0x13b: {  	s0 =	stileid.u32;
	[bflag:$0x2] =	sbarrier.arrive $0xFFFF  }
0x13c: {  	p0 =	sne.s32 s0, $0x0;
	s0 =	rddreg [dreg:$0x3]  }
0x13d: {  	s0 =	sadd.s32 @!p0 $0x100000, s0  }
0x13e: {  	[sflag:s0] =	ssyncadd.tile.s32 @!p0 $0x1;
	_ =	shalt  }
.Lfunc_end2:
_tile_overlayer_lowered:
.L_overlay_start_2:
0x13f: {  	(tag) =	ssettag $0x2  }
0x140: {  	s0 =	rddreg [dreg:$0x0];
	s2 =	stileid.u32  }
0x141: {  	s1 =	rddreg [dreg:$0x1];
	p0 =	sne.s32 s2, $0x0  }
0x142: {  	s3 =	rddreg [dreg:$0x2];
	[bflag:$0x3] =	sbarrier.arrive $0xFFFF;
	s2 =	simm.s32 @!p0 $0x1C06  }
0x143: {  	[timem:s3], [sflag:s2] =	dma.local @!p0 [hbm:s0], s1  }
0x144: {  	s0 =	simm.s32 @!p0 $0x6  }
0x145: {  	_ =	swait.ge @!p0 [sflag:s0], s1  }
0x146: {  	s1 =	ssub.s32 @!p0 $0x0, s1;
	[sflag:s0] =	ssyncset.done @!p0 $0x0  }
0x147: {  	[sflag:s0] =	ssyncadd.s32 @!p0 s1  }
0x148: {  	[bflag:$0x3] =	sbarrier.arrive $0xFFFF  }
0x149: {  	_ =	shalt  }

</sc_bundles>
